<compile_context>
chip_gen: v7x
topology: tpu7x:2x2x1
jax: 0.10.2.dev20260603
libtpu: 0.0.44.dev20260713+nightly
codegen_flags: <defaults>
</compile_context>

<pallas_src>
import functools

import jax
import jax.numpy as jnp
import numpy as np
from jax import lax
from jax.experimental import pallas as pl
from jax.experimental.pallas import tpu as pltpu
from jax.experimental.pallas import tpu_sc as plsc

GAIN = 1.6765512
N = 10000
D = 128
MSG = 128
OUT = 128

N_PAD = 10112
NUM_WORKERS = 32
CHUNK = 64
ROW_BLK = 400
EW_BLK = 2000


def _silu_gain(z):
  return z / (1.0 + jnp.exp(-z)) * GAIN


def _node_mm_body(xs, ws, bs, xr, wr, br, s_out, r_out):
  s_out[...] = jnp.dot(xs[...], ws[...], preferred_element_type=jnp.float32) + bs[...]
  r_out[...] = jnp.dot(xr[...], wr[...], preferred_element_type=jnp.float32) + br[...]


def _node_mm(s_embed, ws, bs, r_embed, wr, br):
  n = s_embed.shape[0]
  grid = n // ROW_BLK
  blk = lambda i: (i, 0)
  fixed = lambda i: (0, 0)
  return pl.pallas_call(
      _node_mm_body,
      grid=(grid,),
      in_specs=[
          pl.BlockSpec((ROW_BLK, D), blk),
          pl.BlockSpec((D, MSG), fixed),
          pl.BlockSpec((1, MSG), fixed),
          pl.BlockSpec((ROW_BLK, D), blk),
          pl.BlockSpec((D, MSG), fixed),
          pl.BlockSpec((1, MSG), fixed),
      ],
      out_specs=[pl.BlockSpec((ROW_BLK, MSG), blk)] * 2,
      out_shape=[jax.ShapeDtypeStruct((n, MSG), jnp.float32)] * 2,
  )(s_embed, ws, bs, r_embed, wr, br)


def _pack_perm():
  perm = np.empty((MSG,), np.int32)
  half = MSG // 2
  for g in range(MSG // 32):
    for t in range(16):
      perm[16 * g + t] = 32 * g + t
      perm[half + 16 * g + t] = 32 * g + 16 + t
  return perm


def _ew_body(ee, we, out):
  vals = jnp.dot(ee[...], we[...], preferred_element_type=jnp.float32)
  half = MSG // 2
  lo = jax.lax.bitcast_convert_type(vals[:, :half].astype(jnp.bfloat16),
                                    jnp.uint16).astype(jnp.uint32)
  hi = jax.lax.bitcast_convert_type(vals[:, half:].astype(jnp.bfloat16),
                                    jnp.uint16).astype(jnp.uint32)
  out[...] = jax.lax.bitcast_convert_type(lo | (hi << 16), jnp.int32)


def _ew_mm(e_pad, we):
  e_rows, de = e_pad.shape
  grid = e_rows // EW_BLK
  return pl.pallas_call(
      _ew_body,
      grid=(grid,),
      in_specs=[
          pl.BlockSpec((EW_BLK, de), lambda i: (i, 0)),
          pl.BlockSpec((de, MSG), lambda i: (0, 0)),
      ],
      out_specs=pl.BlockSpec((EW_BLK, MSG // 2), lambda i: (i, 0)),
      out_shape=jax.ShapeDtypeStruct((e_rows, MSG // 2), jnp.int32),
  )(e_pad, we)


def _make_sc_edge(e_rows):
  epw = e_rows // NUM_WORKERS
  assert epw * NUM_WORKERS == e_rows and epw % 8 == 0
  chunks = epw // CHUNK
  tail = epw - chunks * CHUNK
  rows_per_tile = N_PAD // 16

  assert chunks % 2 == 0 and tail % 8 == 0
  mesh = plsc.VectorSubcoreMesh(core_axis_name="c", subcore_axis_name="s")

  @functools.partial(
      pl.kernel,
      mesh=mesh,
      out_type=(
          jax.ShapeDtypeStruct((N_PAD, MSG), jnp.float32),
          jax.ShapeDtypeStruct((N_PAD, MSG), jnp.float32),
      ),
      scratch_types=[
          [pltpu.VMEM((CHUNK,), jnp.int32)] * 2,
          [pltpu.VMEM((CHUNK,), jnp.int32)] * 2,
          [pltpu.VMEM((CHUNK, MSG), jnp.float32)] * 2,
          [pltpu.VMEM((CHUNK, MSG), jnp.float32)] * 2,
          [pltpu.VMEM((CHUNK, MSG // 2), jnp.int32)] * 2,
          [pltpu.VMEM((max(tail, 8),), jnp.int32)] * 2,
          pltpu.VMEM_SHARED((N_PAD, MSG), jnp.float32),
          [pltpu.SemaphoreType.DMA] * 2,
          [pltpu.SemaphoreType.DMA] * 2,
          [pltpu.SemaphoreType.DMA] * 2,
          [pltpu.SemaphoreType.DMA] * 2,
      ],
  )
  def sc_edge(s_hbm, r_hbm, ew_hbm, send_hbm, recv_hbm,
              out0, out1,
              idx_s, idx_r, s_rows, r_rows, ew_rows, idx_t, msg_acc,
              sem_s, sem_r, sem_ew, sem_sc):
    c = lax.axis_index("c")
    s = lax.axis_index("s")
    wid = s * 2 + c
    def zero_body(i, carry):
      for j in range(MSG // 16):
        s_rows[0][i, pl.ds(16 * j, 16)] = jnp.zeros((16,), jnp.float32)
      return carry

    lax.fori_loop(0, CHUNK, zero_body, 0)
    tile_base = s * rows_per_tile
    full = rows_per_tile // CHUNK
    for q in range(full):
      pltpu.sync_copy(s_rows[0],
                      msg_acc.at[pl.ds(tile_base + q * CHUNK, CHUNK)])
    rem = rows_per_tile - full * CHUNK
    if rem:
      pltpu.sync_copy(s_rows[0].at[pl.ds(0, rem)],
                      msg_acc.at[pl.ds(tile_base + full * CHUNK, rem)])
    plsc.subcore_barrier()

    base_w = wid * epw

    def fetch(k, b, drain_scatter):
      if drain_scatter:
        pltpu.make_async_copy(s_rows[b], msg_acc.at[idx_r[b]], sem_sc[b]).wait()
      base = base_w + k * CHUNK
      pltpu.sync_copy(send_hbm.at[pl.ds(base, CHUNK)], idx_s[b])
      pltpu.sync_copy(recv_hbm.at[pl.ds(base, CHUNK)], idx_r[b])
      pltpu.async_copy(s_hbm.at[idx_s[b]], s_rows[b], sem_s[b])
      pltpu.async_copy(r_hbm.at[idx_r[b]], r_rows[b], sem_r[b])
      pltpu.async_copy(ew_hbm.at[pl.ds(base, CHUNK)], ew_rows[b], sem_ew[b])

    def compute_rows(b, n):
      def edge_body(i, carry2):
        for g in range(MSG // 32):
          u = ew_rows[b][i, pl.ds(16 * g, 16)]
          ew_a = lax.bitcast_convert_type(lax.shift_left(u, 16), jnp.float32)
          ew_b = lax.bitcast_convert_type(lax.bitwise_and(u, jnp.int32(-65536)),
                                          jnp.float32)
          for half, ew_f in ((0, ew_a), (1, ew_b)):
            sl = pl.ds(32 * g + 16 * half, 16)
            x = s_rows[b][i, sl] + r_rows[b][i, sl]
            y = x / (1.0 + jnp.exp(-x))
            s_rows[b][i, sl] = y * ew_f
        return carry2

      lax.fori_loop(0, n, edge_body, 0)

    def consume(k, b):
      pltpu.make_async_copy(s_hbm.at[idx_s[b]], s_rows[b], sem_s[b]).wait()
      pltpu.make_async_copy(r_hbm.at[idx_r[b]], r_rows[b], sem_r[b]).wait()
      pltpu.make_async_copy(ew_hbm.at[pl.ds(0, CHUNK)], ew_rows[b],
                            sem_ew[b]).wait()
      compute_rows(b, CHUNK)
      pltpu.async_copy(s_rows[b], msg_acc.at[idx_r[b]], sem_sc[b], add=True)

    fetch(0, 0, False)
    fetch(1, 1, False)
    consume(0, 0)

    def chunk_body(it, carry):
      k0 = it * 2 + 1
      for b in range(2):
        k = k0 + b
        bb = 1 - b
        fetch(k + 1, 1 - bb, True)
        consume(k, bb)
      return carry

    lax.fori_loop(0, (chunks - 2) // 2, chunk_body, 0)
    consume(chunks - 1, (chunks - 1) % 2)
    for b in range(2):
      pltpu.make_async_copy(s_rows[b], msg_acc.at[idx_r[b]], sem_sc[b]).wait()

    if tail:
      tbase = base_w + chunks * CHUNK
      pltpu.sync_copy(send_hbm.at[pl.ds(tbase, tail)], idx_t[0])
      pltpu.sync_copy(recv_hbm.at[pl.ds(tbase, tail)], idx_t[1])
      pltpu.async_copy(s_hbm.at[idx_t[0]], s_rows[0].at[pl.ds(0, tail)],
                       sem_s[0]).wait()
      pltpu.async_copy(r_hbm.at[idx_t[1]], r_rows[0].at[pl.ds(0, tail)],
                       sem_r[0]).wait()
      pltpu.sync_copy(ew_hbm.at[pl.ds(tbase, tail)],
                      ew_rows[0].at[pl.ds(0, tail)])
      compute_rows(0, tail)
      pltpu.sync_copy(s_rows[0].at[pl.ds(0, tail)], msg_acc.at[idx_t[1]],
                      add=True)

    plsc.subcore_barrier()

    tile_rows = pl.ds(tile_base, rows_per_tile)

    @pl.when(c == 0)
    def _():
      pltpu.sync_copy(msg_acc.at[tile_rows], out0.at[tile_rows])

    @pl.when(c == 1)
    def _():
      pltpu.sync_copy(msg_acc.at[tile_rows], out1.at[tile_rows])

  return sc_edge


def _out_body(p0, p1, nrm, w, out):
  msg = (p0[...] + p1[...]) * nrm[...]
  z = jnp.dot(msg, w[...], preferred_element_type=jnp.float32)
  out[...] = _silu_gain(z)


def _out_mm(p0, p1, norm2, w_out):
  grid = N // ROW_BLK
  blk = lambda i: (i, 0)
  fixed = lambda i: (0, 0)
  return pl.pallas_call(
      _out_body,
      grid=(grid,),
      in_specs=[
          pl.BlockSpec((ROW_BLK, MSG), blk),
          pl.BlockSpec((ROW_BLK, MSG), blk),
          pl.BlockSpec((ROW_BLK, 1), blk),
          pl.BlockSpec((MSG, OUT), fixed),
      ],
      out_specs=pl.BlockSpec((ROW_BLK, OUT), blk),
      out_shape=jax.ShapeDtypeStruct((N, OUT), jnp.float32),
  )(p0, p1, norm2, w_out)


def kernel(s_embed, r_embed, e_embed, senders, receivers, edge_contr, norm,
           W_s, b_s, W_r, b_r, W_e, W_out, scale1, scale2):
  del edge_contr
  e = senders.shape[0]

  inv_sqrt2 = np.float32(1.0 / np.sqrt(2.0))
  ws = W_s * inv_sqrt2
  bs = (b_s * inv_sqrt2).reshape(1, MSG)
  wr = W_r * inv_sqrt2
  br = (b_r * inv_sqrt2).reshape(1, MSG)
  we = (W_e * (GAIN * scale1))[:, _pack_perm()]

  s_tab, r_tab = _node_mm(s_embed, ws, bs, r_embed, wr, br)

  ew = _ew_mm(e_embed, we)

  p0, p1 = _make_sc_edge(e)(s_tab, r_tab, ew, senders, receivers)

  norm2 = (norm * scale2).reshape(N, 1)
  return _out_mm(p0, p1, norm2, W_out)

# --- scband reference (transcript-rebuilt; emitter-appended) ---
"""Pipeline reference for scband-message-passing-29789893165492 (READ-ONLY COPY).

The authoritative reference and input builder live on the scoring server;
editing this copy changes nothing except your own understanding.
"""

import jax, jax.numpy as jnp
import numpy as np

N = 10000
E = 320000
D = 128
DE = 16
MSG = 128
OUT = 128
GAIN = 1.6765512  # variance-preserving gain for SiLU (ActivationWithGain)


def _act(x):
    return jax.nn.silu(x) * GAIN


def setup_inputs(seed: int = 0) -> dict:
    key = jax.random.key(seed)
    ks = jax.random.split(key, 16)
    s_embed = jax.random.normal(ks[0], (N, D), dtype=jnp.float32)
    r_embed = jax.random.normal(ks[1], (N, D), dtype=jnp.float32)
    e_embed = jax.random.normal(ks[2], (E, DE), dtype=jnp.float32)
    senders = jax.random.randint(ks[3], (E,), 0, N, dtype=jnp.int32)
    receivers = jax.random.randint(ks[4], (E,), 0, N, dtype=jnp.int32)
    edge_contr = jax.random.uniform(ks[5], (E,), dtype=jnp.float32)
    norm = jax.random.uniform(ks[6], (N,), dtype=jnp.float32)
    # learned parameters
    W_s = jax.random.normal(ks[7], (D, MSG), dtype=jnp.float32) / np.sqrt(D)
    b_s = jnp.zeros((MSG,), dtype=jnp.float32)
    W_r = jax.random.normal(ks[8], (D, MSG), dtype=jnp.float32) / np.sqrt(D)
    b_r = jnp.zeros((MSG,), dtype=jnp.float32)
    W_e = jax.random.normal(ks[9], (DE, MSG), dtype=jnp.float32) / np.sqrt(DE)
    W_out = jax.random.normal(ks[10], (MSG, OUT), dtype=jnp.float32) / np.sqrt(MSG)
    scale1 = jnp.asarray(1.0, dtype=jnp.float32)  # ScalingFactor #1
    scale2 = jnp.asarray(1.0, dtype=jnp.float32)  # ScalingFactor #2
    return {
        "s_embed": s_embed,
        "r_embed": r_embed,
        "e_embed": e_embed,
        "senders": senders,
        "receivers": receivers,
        "edge_contr": edge_contr,
        "norm": norm,
        "W_s": W_s,
        "b_s": b_s,
        "W_r": W_r,
        "b_r": b_r,
        "W_e": W_e,
        "W_out": W_out,
        "scale1": scale1,
        "scale2": scale2,
    }


def reference(s_embed, r_embed, e_embed, senders, receivers, edge_contr, norm,
              W_s, b_s, W_r, b_r, W_e, W_out, scale1, scale2):
    # inp = Dense(msg_dim)(s_embed)[senders] + Dense(msg_dim)(r_embed)[receivers]
    inp = (s_embed @ W_s + b_s)[senders] + (r_embed @ W_r + b_r)[receivers]
    inp = _act(inp / np.sqrt(2.0))
    # ScalingFactor #1: rescales inp * Dense_no_bias(e_embed); edge_contr args are
    # only used for initialization statistics, functionally out = x * scale
    inp = (inp * (e_embed @ W_e)) * scale1
    # segment_sum over receivers (jraph.segment_sum == jax.ops.segment_sum)
    msg = jax.ops.segment_sum(inp, receivers, num_segments=r_embed.shape[0]) * norm[:, None]
    # ScalingFactor #2
    msg = msg * scale2
    return _act(msg @ W_out)

if __name__ == "__main__":
    import jax
    _d = setup_inputs()
    print(jax.jit(kernel)(*tuple(_d.values())))

</pallas_src>

<mosaic_0001>
#map = affine_map<(d0, d1) -> (0, 0)>
#map1 = affine_map<(d0, d1) -> (0)>
module attributes {stable_mosaic.version = 14 : i64} {
  func.func @sc_edge(%arg0: i32, %arg1: i32, %arg2: memref<10000x128xf32, #tpu.memory_space<hbm>>, %arg3: memref<10000x128xf32, #tpu.memory_space<hbm>>, %arg4: memref<320000x64xi32, #tpu.memory_space<hbm>>, %arg5: memref<320000xi32, #tpu.memory_space<hbm>>, %arg6: memref<320000xi32, #tpu.memory_space<hbm>>, %arg7: memref<10112x128xf32, #tpu.memory_space<hbm>>, %arg8: memref<10112x128xf32, #tpu.memory_space<hbm>>, %arg9: memref<64xi32, #tpu.memory_space<vmem>>, %arg10: memref<64xi32, #tpu.memory_space<vmem>>, %arg11: memref<64xi32, #tpu.memory_space<vmem>>, %arg12: memref<64xi32, #tpu.memory_space<vmem>>, %arg13: memref<64x128xf32, #tpu.memory_space<vmem>>, %arg14: memref<64x128xf32, #tpu.memory_space<vmem>>, %arg15: memref<64x128xf32, #tpu.memory_space<vmem>>, %arg16: memref<64x128xf32, #tpu.memory_space<vmem>>, %arg17: memref<64x64xi32, #tpu.memory_space<vmem>>, %arg18: memref<64x64xi32, #tpu.memory_space<vmem>>, %arg19: memref<16xi32, #tpu.memory_space<vmem>>, %arg20: memref<16xi32, #tpu.memory_space<vmem>>, %arg21: memref<10112x128xf32, #tpu.memory_space<vmem_shared>>, %arg22: memref<!tpu.dma_semaphore, #tpu.memory_space<semaphore_mem>>, %arg23: memref<!tpu.dma_semaphore, #tpu.memory_space<semaphore_mem>>, %arg24: memref<!tpu.dma_semaphore, #tpu.memory_space<semaphore_mem>>, %arg25: memref<!tpu.dma_semaphore, #tpu.memory_space<semaphore_mem>>, %arg26: memref<!tpu.dma_semaphore, #tpu.memory_space<semaphore_mem>>, %arg27: memref<!tpu.dma_semaphore, #tpu.memory_space<semaphore_mem>>, %arg28: memref<!tpu.dma_semaphore, #tpu.memory_space<semaphore_mem>>, %arg29: memref<!tpu.dma_semaphore, #tpu.memory_space<semaphore_mem>>) attributes {dimension_semantics = [#tpu.dimension_semantics<core_parallel>, #tpu.dimension_semantics<subcore_parallel>], iteration_bounds = array<i64: 2, 16>, scalar_prefetch = 0 : i64, scratch_operands = 21 : i64, tpu.core_type = #tpu.core_type<sc_vector_subcore>, window_params = [{transform_indices = #map}, {transform_indices = #map}, {transform_indices = #map}, {transform_indices = #map1}, {transform_indices = #map1}, {transform_indices = #map}, {transform_indices = #map}]} {
    %mul3A = arith.constant 2 : i32
    %mul3A_0 = arith.muli %arg1, %mul3A : i32
    %add3A = arith.addi %mul3A_0, %arg0 : i32
    %scan3A = arith.constant 0 : i32
    %scan3A_1 = arith.constant 0 : i32
    %scan3A_2 = arith.constant 64 : i32
    %scan3A_3 = arith.addi %scan3A_1, %scan3A_2 : i32
    %scan3A_4 = arith.constant 1 : i32
    scf.for %scan3A_146 = %scan3A_1 to %scan3A_3 step %scan3A_4  : i32 {
      %broadcast_in_dim3A = arith.constant 0.000000e+00 : f32
      %broadcast_in_dim3A_147 = vector.broadcast %broadcast_in_dim3A : f32 to vector<16xf32>
      %swap3A = arith.index_cast %scan3A_146 : i32 to index
      %swap3A_148 = arith.constant 0 : index
      %swap3A_149 = tpu.vector_load %arg13[%swap3A, %swap3A_148] {strides = array<i32>} : memref<64x128xf32, #tpu.memory_space<vmem>>, vector<1x16xf32>,
      %swap3A_150 = vector.shape_cast %swap3A_149 : vector<1x16xf32> to vector<16xf32>
      %swap3A_151 = vector.shape_cast %broadcast_in_dim3A_147 : vector<16xf32> to vector<1x16xf32>
      tpu.vector_store %arg13[%swap3A, %swap3A_148], %swap3A_151 {strides = array<i32>} : memref<64x128xf32, #tpu.memory_space<vmem>>, vector<1x16xf32>,
      %broadcast_in_dim3A_152 = arith.constant 0.000000e+00 : f32
      %broadcast_in_dim3A_153 = vector.broadcast %broadcast_in_dim3A_152 : f32 to vector<16xf32>
      %swap3A_154 = arith.index_cast %scan3A_146 : i32 to index
      %swap3A_155 = arith.constant 16 : index
      %swap3A_156 = tpu.vector_load %arg13[%swap3A_154, %swap3A_155] {strides = array<i32>} : memref<64x128xf32, #tpu.memory_space<vmem>>, vector<1x16xf32>,
      %swap3A_157 = vector.shape_cast %swap3A_156 : vector<1x16xf32> to vector<16xf32>
      %swap3A_158 = vector.shape_cast %broadcast_in_dim3A_153 : vector<16xf32> to vector<1x16xf32>
      tpu.vector_store %arg13[%swap3A_154, %swap3A_155], %swap3A_158 {strides = array<i32>} : memref<64x128xf32, #tpu.memory_space<vmem>>, vector<1x16xf32>,
      %broadcast_in_dim3A_159 = arith.constant 0.000000e+00 : f32
      %broadcast_in_dim3A_160 = vector.broadcast %broadcast_in_dim3A_159 : f32 to vector<16xf32>
      %swap3A_161 = arith.index_cast %scan3A_146 : i32 to index
      %swap3A_162 = arith.constant 32 : index
      %swap3A_163 = tpu.vector_load %arg13[%swap3A_161, %swap3A_162] {strides = array<i32>} : memref<64x128xf32, #tpu.memory_space<vmem>>, vector<1x16xf32>,
      %swap3A_164 = vector.shape_cast %swap3A_163 : vector<1x16xf32> to vector<16xf32>
      %swap3A_165 = vector.shape_cast %broadcast_in_dim3A_160 : vector<16xf32> to vector<1x16xf32>
      tpu.vector_store %arg13[%swap3A_161, %swap3A_162], %swap3A_165 {strides = array<i32>} : memref<64x128xf32, #tpu.memory_space<vmem>>, vector<1x16xf32>,
      %broadcast_in_dim3A_166 = arith.constant 0.000000e+00 : f32
      %broadcast_in_dim3A_167 = vector.broadcast %broadcast_in_dim3A_166 : f32 to vector<16xf32>
      %swap3A_168 = arith.index_cast %scan3A_146 : i32 to index
      %swap3A_169 = arith.constant 48 : index
      %swap3A_170 = tpu.vector_load %arg13[%swap3A_168, %swap3A_169] {strides = array<i32>} : memref<64x128xf32, #tpu.memory_space<vmem>>, vector<1x16xf32>,
      %swap3A_171 = vector.shape_cast %swap3A_170 : vector<1x16xf32> to vector<16xf32>
      %swap3A_172 = vector.shape_cast %broadcast_in_dim3A_167 : vector<16xf32> to vector<1x16xf32>
      tpu.vector_store %arg13[%swap3A_168, %swap3A_169], %swap3A_172 {strides = array<i32>} : memref<64x128xf32, #tpu.memory_space<vmem>>, vector<1x16xf32>,
      %broadcast_in_dim3A_173 = arith.constant 0.000000e+00 : f32
      %broadcast_in_dim3A_174 = vector.broadcast %broadcast_in_dim3A_173 : f32 to vector<16xf32>
      %swap3A_175 = arith.index_cast %scan3A_146 : i32 to index
      %swap3A_176 = arith.constant 64 : index
      %swap3A_177 = tpu.vector_load %arg13[%swap3A_175, %swap3A_176] {strides = array<i32>} : memref<64x128xf32, #tpu.memory_space<vmem>>, vector<1x16xf32>,
      %swap3A_178 = vector.shape_cast %swap3A_177 : vector<1x16xf32> to vector<16xf32>
      %swap3A_179 = vector.shape_cast %broadcast_in_dim3A_174 : vector<16xf32> to vector<1x16xf32>
      tpu.vector_store %arg13[%swap3A_175, %swap3A_176], %swap3A_179 {strides = array<i32>} : memref<64x128xf32, #tpu.memory_space<vmem>>, vector<1x16xf32>,
      %broadcast_in_dim3A_180 = arith.constant 0.000000e+00 : f32
      %broadcast_in_dim3A_181 = vector.broadcast %broadcast_in_dim3A_180 : f32 to vector<16xf32>
      %swap3A_182 = arith.index_cast %scan3A_146 : i32 to index
      %swap3A_183 = arith.constant 80 : index
      %swap3A_184 = tpu.vector_load %arg13[%swap3A_182, %swap3A_183] {strides = array<i32>} : memref<64x128xf32, #tpu.memory_space<vmem>>, vector<1x16xf32>,
      %swap3A_185 = vector.shape_cast %swap3A_184 : vector<1x16xf32> to vector<16xf32>
      %swap3A_186 = vector.shape_cast %broadcast_in_dim3A_181 : vector<16xf32> to vector<1x16xf32>
      tpu.vector_store %arg13[%swap3A_182, %swap3A_183], %swap3A_186 {strides = array<i32>} : memref<64x128xf32, #tpu.memory_space<vmem>>, vector<1x16xf32>,
      %broadcast_in_dim3A_187 = arith.constant 0.000000e+00 : f32
      %broadcast_in_dim3A_188 = vector.broadcast %broadcast_in_dim3A_187 : f32 to vector<16xf32>
      %swap3A_189 = arith.index_cast %scan3A_146 : i32 to index
      %swap3A_190 = arith.constant 96 : index
      %swap3A_191 = tpu.vector_load %arg13[%swap3A_189, %swap3A_190] {strides = array<i32>} : memref<64x128xf32, #tpu.memory_space<vmem>>, vector<1x16xf32>,
      %swap3A_192 = vector.shape_cast %swap3A_191 : vector<1x16xf32> to vector<16xf32>
      %swap3A_193 = vector.shape_cast %broadcast_in_dim3A_188 : vector<16xf32> to vector<1x16xf32>
      tpu.vector_store %arg13[%swap3A_189, %swap3A_190], %swap3A_193 {strides = array<i32>} : memref<64x128xf32, #tpu.memory_space<vmem>>, vector<1x16xf32>,
      %broadcast_in_dim3A_194 = arith.constant 0.000000e+00 : f32
      %broadcast_in_dim3A_195 = vector.broadcast %broadcast_in_dim3A_194 : f32 to vector<16xf32>
      %swap3A_196 = arith.index_cast %scan3A_146 : i32 to index
      %swap3A_197 = arith.constant 112 : index
      %swap3A_198 = tpu.vector_load %arg13[%swap3A_196, %swap3A_197] {strides = array<i32>} : memref<64x128xf32, #tpu.memory_space<vmem>>, vector<1x16xf32>,
      %swap3A_199 = vector.shape_cast %swap3A_198 : vector<1x16xf32> to vector<16xf32>
      %swap3A_200 = vector.shape_cast %broadcast_in_dim3A_195 : vector<16xf32> to vector<1x16xf32>
      tpu.vector_store %arg13[%swap3A_196, %swap3A_197], %swap3A_200 {strides = array<i32>} : memref<64x128xf32, #tpu.memory_space<vmem>>, vector<1x16xf32>,
    }
    %scan3A_5 = arith.constant 64 : i32
    %mul3A_6 = arith.constant 632 : i32
    %mul3A_7 = arith.muli %arg1, %mul3A_6 : i32
    %add3A_8 = arith.constant 0 : i32
    %add3A_9 = arith.addi %mul3A_7, %add3A_8 : i32
    "tpu.region"() ({
      %run_scoped3A = tpu.sem_alloc : memref<!tpu.dma_semaphore, #tpu.memory_space<semaphore_mem>>
      %dma_start3A_146 = arith.constant 0 : i32
      %dma_start3A_147 = tpu.memref_slice %arg21[%add3A_9, %dma_start3A_146] : memref<10112x128xf32, #tpu.memory_space<vmem_shared>> -> memref<64x128xf32, #tpu.memory_space<vmem_shared>>
      %dma_start3A_148 = arith.constant 0 : i32
      %dma_start3A_149 = tpu.memref_slice %arg21[%add3A_9, %dma_start3A_148] : memref<10112x128xf32, #tpu.memory_space<vmem_shared>> -> memref<64x128xf32, #tpu.memory_space<vmem_shared>>
      tpu.enqueue_dma source(%arg13 : memref<64x128xf32, #tpu.memory_space<vmem>>) target(%dma_start3A_149 : memref<64x128xf32, #tpu.memory_space<vmem_shared>>) target_semaphore(%run_scoped3A : memref<!tpu.dma_semaphore, #tpu.memory_space<semaphore_mem>>)
      %dma_wait3A_150 = arith.constant 0 : i32
      %dma_wait3A_151 = tpu.memref_slice %arg21[%add3A_9, %dma_wait3A_150] : memref<10112x128xf32, #tpu.memory_space<vmem_shared>> -> memref<64x128xf32, #tpu.memory_space<vmem_shared>>
      %dma_wait3A_152 = arith.constant 0 : i32
      %dma_wait3A_153 = tpu.memref_slice %arg21[%add3A_9, %dma_wait3A_152] : memref<10112x128xf32, #tpu.memory_space<vmem_shared>> -> memref<64x128xf32, #tpu.memory_space<vmem_shared>>
      tpu.wait_dma2 semaphore(%run_scoped3A : memref<!tpu.dma_semaphore, #tpu.memory_space<semaphore_mem>>) src(%arg13 : memref<64x128xf32, #tpu.memory_space<vmem>>) dst(%dma_wait3A_153 : memref<64x128xf32, #tpu.memory_space<vmem_shared>>)
      tpu.yield
    }) : () -> ()
    %add3A_10 = arith.constant 64 : i32
    %add3A_11 = arith.addi %mul3A_7, %add3A_10 : i32
    "tpu.region"() ({
      %run_scoped3A = tpu.sem_alloc : memref<!tpu.dma_semaphore, #tpu.memory_space<semaphore_mem>>
      %dma_start3A_146 = arith.constant 0 : i32
      %dma_start3A_147 = tpu.memref_slice %arg21[%add3A_11, %dma_start3A_146] : memref<10112x128xf32, #tpu.memory_space<vmem_shared>> -> memref<64x128xf32, #tpu.memory_space<vmem_shared>>
      %dma_start3A_148 = arith.constant 0 : i32
      %dma_start3A_149 = tpu.memref_slice %arg21[%add3A_11, %dma_start3A_148] : memref<10112x128xf32, #tpu.memory_space<vmem_shared>> -> memref<64x128xf32, #tpu.memory_space<vmem_shared>>
      tpu.enqueue_dma source(%arg13 : memref<64x128xf32, #tpu.memory_space<vmem>>) target(%dma_start3A_149 : memref<64x128xf32, #tpu.memory_space<vmem_shared>>) target_semaphore(%run_scoped3A : memref<!tpu.dma_semaphore, #tpu.memory_space<semaphore_mem>>)
      %dma_wait3A_150 = arith.constant 0 : i32
      %dma_wait3A_151 = tpu.memref_slice %arg21[%add3A_11, %dma_wait3A_150] : memref<10112x128xf32, #tpu.memory_space<vmem_shared>> -> memref<64x128xf32, #tpu.memory_space<vmem_shared>>
      %dma_wait3A_152 = arith.constant 0 : i32
      %dma_wait3A_153 = tpu.memref_slice %arg21[%add3A_11, %dma_wait3A_152] : memref<10112x128xf32, #tpu.memory_space<vmem_shared>> -> memref<64x128xf32, #tpu.memory_space<vmem_shared>>
      tpu.wait_dma2 semaphore(%run_scoped3A : memref<!tpu.dma_semaphore, #tpu.memory_space<semaphore_mem>>) src(%arg13 : memref<64x128xf32, #tpu.memory_space<vmem>>) dst(%dma_wait3A_153 : memref<64x128xf32, #tpu.memory_space<vmem_shared>>)
      tpu.yield
    }) : () -> ()
    %add3A_12 = arith.constant 128 : i32
    %add3A_13 = arith.addi %mul3A_7, %add3A_12 : i32
    "tpu.region"() ({
      %run_scoped3A = tpu.sem_alloc : memref<!tpu.dma_semaphore, #tpu.memory_space<semaphore_mem>>
      %dma_start3A_146 = arith.constant 0 : i32
      %dma_start3A_147 = tpu.memref_slice %arg21[%add3A_13, %dma_start3A_146] : memref<10112x128xf32, #tpu.memory_space<vmem_shared>> -> memref<64x128xf32, #tpu.memory_space<vmem_shared>>
      %dma_start3A_148 = arith.constant 0 : i32
      %dma_start3A_149 = tpu.memref_slice %arg21[%add3A_13, %dma_start3A_148] : memref<10112x128xf32, #tpu.memory_space<vmem_shared>> -> memref<64x128xf32, #tpu.memory_space<vmem_shared>>
      tpu.enqueue_dma source(%arg13 : memref<64x128xf32, #tpu.memory_space<vmem>>) target(%dma_start3A_149 : memref<64x128xf32, #tpu.memory_space<vmem_shared>>) target_semaphore(%run_scoped3A : memref<!tpu.dma_semaphore, #tpu.memory_space<semaphore_mem>>)
      %dma_wait3A_150 = arith.constant 0 : i32
      %dma_wait3A_151 = tpu.memref_slice %arg21[%add3A_13, %dma_wait3A_150] : memref<10112x128xf32, #tpu.memory_space<vmem_shared>> -> memref<64x128xf32, #tpu.memory_space<vmem_shared>>
      %dma_wait3A_152 = arith.constant 0 : i32
      %dma_wait3A_153 = tpu.memref_slice %arg21[%add3A_13, %dma_wait3A_152] : memref<10112x128xf32, #tpu.memory_space<vmem_shared>> -> memref<64x128xf32, #tpu.memory_space<vmem_shared>>
      tpu.wait_dma2 semaphore(%run_scoped3A : memref<!tpu.dma_semaphore, #tpu.memory_space<semaphore_mem>>) src(%arg13 : memref<64x128xf32, #tpu.memory_space<vmem>>) dst(%dma_wait3A_153 : memref<64x128xf32, #tpu.memory_space<vmem_shared>>)
      tpu.yield
    }) : () -> ()
    %add3A_14 = arith.constant 192 : i32
    %add3A_15 = arith.addi %mul3A_7, %add3A_14 : i32
    "tpu.region"() ({
      %run_scoped3A = tpu.sem_alloc : memref<!tpu.dma_semaphore, #tpu.memory_space<semaphore_mem>>
      %dma_start3A_146 = arith.constant 0 : i32
      %dma_start3A_147 = tpu.memref_slice %arg21[%add3A_15, %dma_start3A_146] : memref<10112x128xf32, #tpu.memory_space<vmem_shared>> -> memref<64x128xf32, #tpu.memory_space<vmem_shared>>
      %dma_start3A_148 = arith.constant 0 : i32
      %dma_start3A_149 = tpu.memref_slice %arg21[%add3A_15, %dma_start3A_148] : memref<10112x128xf32, #tpu.memory_space<vmem_shared>> -> memref<64x128xf32, #tpu.memory_space<vmem_shared>>
      tpu.enqueue_dma source(%arg13 : memref<64x128xf32, #tpu.memory_space<vmem>>) target(%dma_start3A_149 : memref<64x128xf32, #tpu.memory_space<vmem_shared>>) target_semaphore(%run_scoped3A : memref<!tpu.dma_semaphore, #tpu.memory_space<semaphore_mem>>)
      %dma_wait3A_150 = arith.constant 0 : i32
      %dma_wait3A_151 = tpu.memref_slice %arg21[%add3A_15, %dma_wait3A_150] : memref<10112x128xf32, #tpu.memory_space<vmem_shared>> -> memref<64x128xf32, #tpu.memory_space<vmem_shared>>
      %dma_wait3A_152 = arith.constant 0 : i32
      %dma_wait3A_153 = tpu.memref_slice %arg21[%add3A_15, %dma_wait3A_152] : memref<10112x128xf32, #tpu.memory_space<vmem_shared>> -> memref<64x128xf32, #tpu.memory_space<vmem_shared>>
      tpu.wait_dma2 semaphore(%run_scoped3A : memref<!tpu.dma_semaphore, #tpu.memory_space<semaphore_mem>>) src(%arg13 : memref<64x128xf32, #tpu.memory_space<vmem>>) dst(%dma_wait3A_153 : memref<64x128xf32, #tpu.memory_space<vmem_shared>>)
      tpu.yield
    }) : () -> ()
    %add3A_16 = arith.constant 256 : i32
    %add3A_17 = arith.addi %mul3A_7, %add3A_16 : i32
    "tpu.region"() ({
      %run_scoped3A = tpu.sem_alloc : memref<!tpu.dma_semaphore, #tpu.memory_space<semaphore_mem>>
      %dma_start3A_146 = arith.constant 0 : i32
      %dma_start3A_147 = tpu.memref_slice %arg21[%add3A_17, %dma_start3A_146] : memref<10112x128xf32, #tpu.memory_space<vmem_shared>> -> memref<64x128xf32, #tpu.memory_space<vmem_shared>>
      %dma_start3A_148 = arith.constant 0 : i32
      %dma_start3A_149 = tpu.memref_slice %arg21[%add3A_17, %dma_start3A_148] : memref<10112x128xf32, #tpu.memory_space<vmem_shared>> -> memref<64x128xf32, #tpu.memory_space<vmem_shared>>
      tpu.enqueue_dma source(%arg13 : memref<64x128xf32, #tpu.memory_space<vmem>>) target(%dma_start3A_149 : memref<64x128xf32, #tpu.memory_space<vmem_shared>>) target_semaphore(%run_scoped3A : memref<!tpu.dma_semaphore, #tpu.memory_space<semaphore_mem>>)
      %dma_wait3A_150 = arith.constant 0 : i32
      %dma_wait3A_151 = tpu.memref_slice %arg21[%add3A_17, %dma_wait3A_150] : memref<10112x128xf32, #tpu.memory_space<vmem_shared>> -> memref<64x128xf32, #tpu.memory_space<vmem_shared>>
      %dma_wait3A_152 = arith.constant 0 : i32
      %dma_wait3A_153 = tpu.memref_slice %arg21[%add3A_17, %dma_wait3A_152] : memref<10112x128xf32, #tpu.memory_space<vmem_shared>> -> memref<64x128xf32, #tpu.memory_space<vmem_shared>>
      tpu.wait_dma2 semaphore(%run_scoped3A : memref<!tpu.dma_semaphore, #tpu.memory_space<semaphore_mem>>) src(%arg13 : memref<64x128xf32, #tpu.memory_space<vmem>>) dst(%dma_wait3A_153 : memref<64x128xf32, #tpu.memory_space<vmem_shared>>)
      tpu.yield
    }) : () -> ()
    %add3A_18 = arith.constant 320 : i32
    %add3A_19 = arith.addi %mul3A_7, %add3A_18 : i32
    "tpu.region"() ({
      %run_scoped3A = tpu.sem_alloc : memref<!tpu.dma_semaphore, #tpu.memory_space<semaphore_mem>>
      %dma_start3A_146 = arith.constant 0 : i32
      %dma_start3A_147 = tpu.memref_slice %arg21[%add3A_19, %dma_start3A_146] : memref<10112x128xf32, #tpu.memory_space<vmem_shared>> -> memref<64x128xf32, #tpu.memory_space<vmem_shared>>
      %dma_start3A_148 = arith.constant 0 : i32
      %dma_start3A_149 = tpu.memref_slice %arg21[%add3A_19, %dma_start3A_148] : memref<10112x128xf32, #tpu.memory_space<vmem_shared>> -> memref<64x128xf32, #tpu.memory_space<vmem_shared>>
      tpu.enqueue_dma source(%arg13 : memref<64x128xf32, #tpu.memory_space<vmem>>) target(%dma_start3A_149 : memref<64x128xf32, #tpu.memory_space<vmem_shared>>) target_semaphore(%run_scoped3A : memref<!tpu.dma_semaphore, #tpu.memory_space<semaphore_mem>>)
      %dma_wait3A_150 = arith.constant 0 : i32
      %dma_wait3A_151 = tpu.memref_slice %arg21[%add3A_19, %dma_wait3A_150] : memref<10112x128xf32, #tpu.memory_space<vmem_shared>> -> memref<64x128xf32, #tpu.memory_space<vmem_shared>>
      %dma_wait3A_152 = arith.constant 0 : i32
      %dma_wait3A_153 = tpu.memref_slice %arg21[%add3A_19, %dma_wait3A_152] : memref<10112x128xf32, #tpu.memory_space<vmem_shared>> -> memref<64x128xf32, #tpu.memory_space<vmem_shared>>
      tpu.wait_dma2 semaphore(%run_scoped3A : memref<!tpu.dma_semaphore, #tpu.memory_space<semaphore_mem>>) src(%arg13 : memref<64x128xf32, #tpu.memory_space<vmem>>) dst(%dma_wait3A_153 : memref<64x128xf32, #tpu.memory_space<vmem_shared>>)
      tpu.yield
    }) : () -> ()
    %add3A_20 = arith.constant 384 : i32
    %add3A_21 = arith.addi %mul3A_7, %add3A_20 : i32
    "tpu.region"() ({
      %run_scoped3A = tpu.sem_alloc : memref<!tpu.dma_semaphore, #tpu.memory_space<semaphore_mem>>
      %dma_start3A_146 = arith.constant 0 : i32
      %dma_start3A_147 = tpu.memref_slice %arg21[%add3A_21, %dma_start3A_146] : memref<10112x128xf32, #tpu.memory_space<vmem_shared>> -> memref<64x128xf32, #tpu.memory_space<vmem_shared>>
      %dma_start3A_148 = arith.constant 0 : i32
      %dma_start3A_149 = tpu.memref_slice %arg21[%add3A_21, %dma_start3A_148] : memref<10112x128xf32, #tpu.memory_space<vmem_shared>> -> memref<64x128xf32, #tpu.memory_space<vmem_shared>>
      tpu.enqueue_dma source(%arg13 : memref<64x128xf32, #tpu.memory_space<vmem>>) target(%dma_start3A_149 : memref<64x128xf32, #tpu.memory_space<vmem_shared>>) target_semaphore(%run_scoped3A : memref<!tpu.dma_semaphore, #tpu.memory_space<semaphore_mem>>)
      %dma_wait3A_150 = arith.constant 0 : i32
      %dma_wait3A_151 = tpu.memref_slice %arg21[%add3A_21, %dma_wait3A_150] : memref<10112x128xf32, #tpu.memory_space<vmem_shared>> -> memref<64x128xf32, #tpu.memory_space<vmem_shared>>
      %dma_wait3A_152 = arith.constant 0 : i32
      %dma_wait3A_153 = tpu.memref_slice %arg21[%add3A_21, %dma_wait3A_152] : memref<10112x128xf32, #tpu.memory_space<vmem_shared>> -> memref<64x128xf32, #tpu.memory_space<vmem_shared>>
      tpu.wait_dma2 semaphore(%run_scoped3A : memref<!tpu.dma_semaphore, #tpu.memory_space<semaphore_mem>>) src(%arg13 : memref<64x128xf32, #tpu.memory_space<vmem>>) dst(%dma_wait3A_153 : memref<64x128xf32, #tpu.memory_space<vmem_shared>>)
      tpu.yield
    }) : () -> ()
    %add3A_22 = arith.constant 448 : i32
    %add3A_23 = arith.addi %mul3A_7, %add3A_22 : i32
    "tpu.region"() ({
      %run_scoped3A = tpu.sem_alloc : memref<!tpu.dma_semaphore, #tpu.memory_space<semaphore_mem>>
      %dma_start3A_146 = arith.constant 0 : i32
      %dma_start3A_147 = tpu.memref_slice %arg21[%add3A_23, %dma_start3A_146] : memref<10112x128xf32, #tpu.memory_space<vmem_shared>> -> memref<64x128xf32, #tpu.memory_space<vmem_shared>>
      %dma_start3A_148 = arith.constant 0 : i32
      %dma_start3A_149 = tpu.memref_slice %arg21[%add3A_23, %dma_start3A_148] : memref<10112x128xf32, #tpu.memory_space<vmem_shared>> -> memref<64x128xf32, #tpu.memory_space<vmem_shared>>
      tpu.enqueue_dma source(%arg13 : memref<64x128xf32, #tpu.memory_space<vmem>>) target(%dma_start3A_149 : memref<64x128xf32, #tpu.memory_space<vmem_shared>>) target_semaphore(%run_scoped3A : memref<!tpu.dma_semaphore, #tpu.memory_space<semaphore_mem>>)
      %dma_wait3A_150 = arith.constant 0 : i32
      %dma_wait3A_151 = tpu.memref_slice %arg21[%add3A_23, %dma_wait3A_150] : memref<10112x128xf32, #tpu.memory_space<vmem_shared>> -> memref<64x128xf32, #tpu.memory_space<vmem_shared>>
      %dma_wait3A_152 = arith.constant 0 : i32
      %dma_wait3A_153 = tpu.memref_slice %arg21[%add3A_23, %dma_wait3A_152] : memref<10112x128xf32, #tpu.memory_space<vmem_shared>> -> memref<64x128xf32, #tpu.memory_space<vmem_shared>>
      tpu.wait_dma2 semaphore(%run_scoped3A : memref<!tpu.dma_semaphore, #tpu.memory_space<semaphore_mem>>) src(%arg13 : memref<64x128xf32, #tpu.memory_space<vmem>>) dst(%dma_wait3A_153 : memref<64x128xf32, #tpu.memory_space<vmem_shared>>)
      tpu.yield
    }) : () -> ()
    %add3A_24 = arith.constant 512 : i32
    %add3A_25 = arith.addi %mul3A_7, %add3A_24 : i32
    "tpu.region"() ({
      %run_scoped3A = tpu.sem_alloc : memref<!tpu.dma_semaphore, #tpu.memory_space<semaphore_mem>>
      %dma_start3A_146 = arith.constant 0 : i32
      %dma_start3A_147 = tpu.memref_slice %arg21[%add3A_25, %dma_start3A_146] : memref<10112x128xf32, #tpu.memory_space<vmem_shared>> -> memref<64x128xf32, #tpu.memory_space<vmem_shared>>
      %dma_start3A_148 = arith.constant 0 : i32
      %dma_start3A_149 = tpu.memref_slice %arg21[%add3A_25, %dma_start3A_148] : memref<10112x128xf32, #tpu.memory_space<vmem_shared>> -> memref<64x128xf32, #tpu.memory_space<vmem_shared>>
      tpu.enqueue_dma source(%arg13 : memref<64x128xf32, #tpu.memory_space<vmem>>) target(%dma_start3A_149 : memref<64x128xf32, #tpu.memory_space<vmem_shared>>) target_semaphore(%run_scoped3A : memref<!tpu.dma_semaphore, #tpu.memory_space<semaphore_mem>>)
      %dma_wait3A_150 = arith.constant 0 : i32
      %dma_wait3A_151 = tpu.memref_slice %arg21[%add3A_25, %dma_wait3A_150] : memref<10112x128xf32, #tpu.memory_space<vmem_shared>> -> memref<64x128xf32, #tpu.memory_space<vmem_shared>>
      %dma_wait3A_152 = arith.constant 0 : i32
      %dma_wait3A_153 = tpu.memref_slice %arg21[%add3A_25, %dma_wait3A_152] : memref<10112x128xf32, #tpu.memory_space<vmem_shared>> -> memref<64x128xf32, #tpu.memory_space<vmem_shared>>
      tpu.wait_dma2 semaphore(%run_scoped3A : memref<!tpu.dma_semaphore, #tpu.memory_space<semaphore_mem>>) src(%arg13 : memref<64x128xf32, #tpu.memory_space<vmem>>) dst(%dma_wait3A_153 : memref<64x128xf32, #tpu.memory_space<vmem_shared>>)
      tpu.yield
    }) : () -> ()
    %add3A_26 = arith.constant 576 : i32
    %add3A_27 = arith.addi %mul3A_7, %add3A_26 : i32
    "tpu.region"() ({
      %run_scoped3A = tpu.sem_alloc : memref<!tpu.dma_semaphore, #tpu.memory_space<semaphore_mem>>
      %dma_start3A_146 = arith.constant 0 : i32
      %dma_start3A_147 = arith.constant 0 : i32
      %dma_start3A_148 = tpu.memref_slice %arg13[%dma_start3A_146, %dma_start3A_147] : memref<64x128xf32, #tpu.memory_space<vmem>> -> memref<56x128xf32, #tpu.memory_space<vmem>>
      %dma_start3A_149 = arith.constant 0 : i32
      %dma_start3A_150 = tpu.memref_slice %arg21[%add3A_27, %dma_start3A_149] : memref<10112x128xf32, #tpu.memory_space<vmem_shared>> -> memref<56x128xf32, #tpu.memory_space<vmem_shared>>
      %dma_start3A_151 = arith.constant 0 : i32
      %dma_start3A_152 = tpu.memref_slice %arg21[%add3A_27, %dma_start3A_151] : memref<10112x128xf32, #tpu.memory_space<vmem_shared>> -> memref<56x128xf32, #tpu.memory_space<vmem_shared>>
      %dma_start3A_153 = arith.constant 0 : i32
      %dma_start3A_154 = arith.constant 0 : i32
      %dma_start3A_155 = tpu.memref_slice %arg13[%dma_start3A_153, %dma_start3A_154] : memref<64x128xf32, #tpu.memory_space<vmem>> -> memref<56x128xf32, #tpu.memory_space<vmem>>
      tpu.enqueue_dma source(%dma_start3A_155 : memref<56x128xf32, #tpu.memory_space<vmem>>) target(%dma_start3A_152 : memref<56x128xf32, #tpu.memory_space<vmem_shared>>) target_semaphore(%run_scoped3A : memref<!tpu.dma_semaphore, #tpu.memory_space<semaphore_mem>>)
      %dma_wait3A_156 = arith.constant 0 : i32
      %dma_wait3A_157 = arith.constant 0 : i32
      %dma_wait3A_158 = tpu.memref_slice %arg13[%dma_wait3A_156, %dma_wait3A_157] : memref<64x128xf32, #tpu.memory_space<vmem>> -> memref<56x128xf32, #tpu.memory_space<vmem>>
      %dma_wait3A_159 = arith.constant 0 : i32
      %dma_wait3A_160 = tpu.memref_slice %arg21[%add3A_27, %dma_wait3A_159] : memref<10112x128xf32, #tpu.memory_space<vmem_shared>> -> memref<56x128xf32, #tpu.memory_space<vmem_shared>>
      %dma_wait3A_161 = arith.constant 0 : i32
      %dma_wait3A_162 = tpu.memref_slice %arg21[%add3A_27, %dma_wait3A_161] : memref<10112x128xf32, #tpu.memory_space<vmem_shared>> -> memref<56x128xf32, #tpu.memory_space<vmem_shared>>
      %dma_wait3A_163 = arith.constant 0 : i32
      %dma_wait3A_164 = arith.constant 0 : i32
      %dma_wait3A_165 = tpu.memref_slice %arg13[%dma_wait3A_163, %dma_wait3A_164] : memref<64x128xf32, #tpu.memory_space<vmem>> -> memref<56x128xf32, #tpu.memory_space<vmem>>
      tpu.wait_dma2 semaphore(%run_scoped3A : memref<!tpu.dma_semaphore, #tpu.memory_space<semaphore_mem>>) src(%dma_wait3A_165 : memref<56x128xf32, #tpu.memory_space<vmem>>) dst(%dma_wait3A_162 : memref<56x128xf32, #tpu.memory_space<vmem_shared>>)
      tpu.yield
    }) : () -> ()
    %barrier3A = arith.constant 0 : index
    tpu.barrier barrier_id(%barrier3A)
    %mul3A_28 = arith.constant 10000 : i32
    %mul3A_29 = arith.muli %add3A, %mul3A_28 : i32
    %add3A_30 = arith.constant 0 : i32
    %add3A_31 = arith.addi %mul3A_29, %add3A_30 : i32
    "tpu.region"() ({
      %run_scoped3A = tpu.sem_alloc : memref<!tpu.dma_semaphore, #tpu.memory_space<semaphore_mem>>
      %dma_start3A_146 = tpu.memref_slice %arg5[%add3A_31] : memref<320000xi32, #tpu.memory_space<hbm>> -> memref<64xi32, #tpu.memory_space<hbm>>
      %dma_start3A_147 = tpu.memref_slice %arg5[%add3A_31] : memref<320000xi32, #tpu.memory_space<hbm>> -> memref<64xi32, #tpu.memory_space<hbm>>
      tpu.enqueue_dma source(%dma_start3A_147 : memref<64xi32, #tpu.memory_space<hbm>>) target(%arg9 : memref<64xi32, #tpu.memory_space<vmem>>) target_semaphore(%run_scoped3A : memref<!tpu.dma_semaphore, #tpu.memory_space<semaphore_mem>>)
      %dma_wait3A_148 = tpu.memref_slice %arg5[%add3A_31] : memref<320000xi32, #tpu.memory_space<hbm>> -> memref<64xi32, #tpu.memory_space<hbm>>
      %dma_wait3A_149 = tpu.memref_slice %arg5[%add3A_31] : memref<320000xi32, #tpu.memory_space<hbm>> -> memref<64xi32, #tpu.memory_space<hbm>>
      tpu.wait_dma2 semaphore(%run_scoped3A : memref<!tpu.dma_semaphore, #tpu.memory_space<semaphore_mem>>) src(%dma_wait3A_149 : memref<64xi32, #tpu.memory_space<hbm>>) dst(%arg9 : memref<64xi32, #tpu.memory_space<vmem>>)
      tpu.yield
    }) : () -> ()
    "tpu.region"() ({
      %run_scoped3A = tpu.sem_alloc : memref<!tpu.dma_semaphore, #tpu.memory_space<semaphore_mem>>
      %dma_start3A_146 = tpu.memref_slice %arg6[%add3A_31] : memref<320000xi32, #tpu.memory_space<hbm>> -> memref<64xi32, #tpu.memory_space<hbm>>
      %dma_start3A_147 = tpu.memref_slice %arg6[%add3A_31] : memref<320000xi32, #tpu.memory_space<hbm>> -> memref<64xi32, #tpu.memory_space<hbm>>
      tpu.enqueue_dma source(%dma_start3A_147 : memref<64xi32, #tpu.memory_space<hbm>>) target(%arg11 : memref<64xi32, #tpu.memory_space<vmem>>) target_semaphore(%run_scoped3A : memref<!tpu.dma_semaphore, #tpu.memory_space<semaphore_mem>>)
      %dma_wait3A_148 = tpu.memref_slice %arg6[%add3A_31] : memref<320000xi32, #tpu.memory_space<hbm>> -> memref<64xi32, #tpu.memory_space<hbm>>
      %dma_wait3A_149 = tpu.memref_slice %arg6[%add3A_31] : memref<320000xi32, #tpu.memory_space<hbm>> -> memref<64xi32, #tpu.memory_space<hbm>>
      tpu.wait_dma2 semaphore(%run_scoped3A : memref<!tpu.dma_semaphore, #tpu.memory_space<semaphore_mem>>) src(%dma_wait3A_149 : memref<64xi32, #tpu.memory_space<hbm>>) dst(%arg11 : memref<64xi32, #tpu.memory_space<vmem>>)
      tpu.yield
    }) : () -> ()
    %dma_start3A = arith.constant 0 : i32
    %dma_start3A_32 = arith.constant 0 : i32
    %dma_start3A_33 = tpu.memref_slice %arg2[%dma_start3A, %dma_start3A_32] : memref<10000x128xf32, #tpu.memory_space<hbm>> -> memref<10000x128xf32, #tpu.memory_space<hbm>>
    tpu.enqueue_indirect_dma source(%dma_start3A_33 : memref<10000x128xf32, #tpu.memory_space<hbm>>) target(%arg13 : memref<64x128xf32, #tpu.memory_space<vmem>>) offsets(%arg9 : memref<64xi32, #tpu.memory_space<vmem>>) semaphore(%arg22 : memref<!tpu.dma_semaphore, #tpu.memory_space<semaphore_mem>>)
    %dma_start3A_34 = arith.constant 0 : i32
    %dma_start3A_35 = arith.constant 0 : i32
    %dma_start3A_36 = tpu.memref_slice %arg3[%dma_start3A_34, %dma_start3A_35] : memref<10000x128xf32, #tpu.memory_space<hbm>> -> memref<10000x128xf32, #tpu.memory_space<hbm>>
    tpu.enqueue_indirect_dma source(%dma_start3A_36 : memref<10000x128xf32, #tpu.memory_space<hbm>>) target(%arg15 : memref<64x128xf32, #tpu.memory_space<vmem>>) offsets(%arg11 : memref<64xi32, #tpu.memory_space<vmem>>) semaphore(%arg24 : memref<!tpu.dma_semaphore, #tpu.memory_space<semaphore_mem>>)
    %dma_start3A_37 = arith.constant 0 : i32
    %dma_start3A_38 = tpu.memref_slice %arg4[%add3A_31, %dma_start3A_37] : memref<320000x64xi32, #tpu.memory_space<hbm>> -> memref<64x64xi32, #tpu.memory_space<hbm>>
    %dma_start3A_39 = arith.constant 0 : i32
    %dma_start3A_40 = tpu.memref_slice %arg4[%add3A_31, %dma_start3A_39] : memref<320000x64xi32, #tpu.memory_space<hbm>> -> memref<64x64xi32, #tpu.memory_space<hbm>>
    tpu.enqueue_dma source(%dma_start3A_40 : memref<64x64xi32, #tpu.memory_space<hbm>>) target(%arg17 : memref<64x64xi32, #tpu.memory_space<vmem>>) target_semaphore(%arg26 : memref<!tpu.dma_semaphore, #tpu.memory_space<semaphore_mem>>)
    %add3A_41 = arith.constant 64 : i32
    %add3A_42 = arith.addi %mul3A_29, %add3A_41 : i32
    "tpu.region"() ({
      %run_scoped3A = tpu.sem_alloc : memref<!tpu.dma_semaphore, #tpu.memory_space<semaphore_mem>>
      %dma_start3A_146 = tpu.memref_slice %arg5[%add3A_42] : memref<320000xi32, #tpu.memory_space<hbm>> -> memref<64xi32, #tpu.memory_space<hbm>>
      %dma_start3A_147 = tpu.memref_slice %arg5[%add3A_42] : memref<320000xi32, #tpu.memory_space<hbm>> -> memref<64xi32, #tpu.memory_space<hbm>>
      tpu.enqueue_dma source(%dma_start3A_147 : memref<64xi32, #tpu.memory_space<hbm>>) target(%arg10 : memref<64xi32, #tpu.memory_space<vmem>>) target_semaphore(%run_scoped3A : memref<!tpu.dma_semaphore, #tpu.memory_space<semaphore_mem>>)
      %dma_wait3A_148 = tpu.memref_slice %arg5[%add3A_42] : memref<320000xi32, #tpu.memory_space<hbm>> -> memref<64xi32, #tpu.memory_space<hbm>>
      %dma_wait3A_149 = tpu.memref_slice %arg5[%add3A_42] : memref<320000xi32, #tpu.memory_space<hbm>> -> memref<64xi32, #tpu.memory_space<hbm>>
      tpu.wait_dma2 semaphore(%run_scoped3A : memref<!tpu.dma_semaphore, #tpu.memory_space<semaphore_mem>>) src(%dma_wait3A_149 : memref<64xi32, #tpu.memory_space<hbm>>) dst(%arg10 : memref<64xi32, #tpu.memory_space<vmem>>)
      tpu.yield
    }) : () -> ()
    "tpu.region"() ({
      %run_scoped3A = tpu.sem_alloc : memref<!tpu.dma_semaphore, #tpu.memory_space<semaphore_mem>>
      %dma_start3A_146 = tpu.memref_slice %arg6[%add3A_42] : memref<320000xi32, #tpu.memory_space<hbm>> -> memref<64xi32, #tpu.memory_space<hbm>>
      %dma_start3A_147 = tpu.memref_slice %arg6[%add3A_42] : memref<320000xi32, #tpu.memory_space<hbm>> -> memref<64xi32, #tpu.memory_space<hbm>>
      tpu.enqueue_dma source(%dma_start3A_147 : memref<64xi32, #tpu.memory_space<hbm>>) target(%arg12 : memref<64xi32, #tpu.memory_space<vmem>>) target_semaphore(%run_scoped3A : memref<!tpu.dma_semaphore, #tpu.memory_space<semaphore_mem>>)
      %dma_wait3A_148 = tpu.memref_slice %arg6[%add3A_42] : memref<320000xi32, #tpu.memory_space<hbm>> -> memref<64xi32, #tpu.memory_space<hbm>>
      %dma_wait3A_149 = tpu.memref_slice %arg6[%add3A_42] : memref<320000xi32, #tpu.memory_space<hbm>> -> memref<64xi32, #tpu.memory_space<hbm>>
      tpu.wait_dma2 semaphore(%run_scoped3A : memref<!tpu.dma_semaphore, #tpu.memory_space<semaphore_mem>>) src(%dma_wait3A_149 : memref<64xi32, #tpu.memory_space<hbm>>) dst(%arg12 : memref<64xi32, #tpu.memory_space<vmem>>)
      tpu.yield
    }) : () -> ()
    %dma_start3A_43 = arith.constant 0 : i32
    %dma_start3A_44 = arith.constant 0 : i32
    %dma_start3A_45 = tpu.memref_slice %arg2[%dma_start3A_43, %dma_start3A_44] : memref<10000x128xf32, #tpu.memory_space<hbm>> -> memref<10000x128xf32, #tpu.memory_space<hbm>>
    tpu.enqueue_indirect_dma source(%dma_start3A_45 : memref<10000x128xf32, #tpu.memory_space<hbm>>) target(%arg14 : memref<64x128xf32, #tpu.memory_space<vmem>>) offsets(%arg10 : memref<64xi32, #tpu.memory_space<vmem>>) semaphore(%arg23 : memref<!tpu.dma_semaphore, #tpu.memory_space<semaphore_mem>>)
    %dma_start3A_46 = arith.constant 0 : i32
    %dma_start3A_47 = arith.constant 0 : i32
    %dma_start3A_48 = tpu.memref_slice %arg3[%dma_start3A_46, %dma_start3A_47] : memref<10000x128xf32, #tpu.memory_space<hbm>> -> memref<10000x128xf32, #tpu.memory_space<hbm>>
    tpu.enqueue_indirect_dma source(%dma_start3A_48 : memref<10000x128xf32, #tpu.memory_space<hbm>>) target(%arg16 : memref<64x128xf32, #tpu.memory_space<vmem>>) offsets(%arg12 : memref<64xi32, #tpu.memory_space<vmem>>) semaphore(%arg25 : memref<!tpu.dma_semaphore, #tpu.memory_space<semaphore_mem>>)
    %dma_start3A_49 = arith.constant 0 : i32
    %dma_start3A_50 = tpu.memref_slice %arg4[%add3A_42, %dma_start3A_49] : memref<320000x64xi32, #tpu.memory_space<hbm>> -> memref<64x64xi32, #tpu.memory_space<hbm>>
    %dma_start3A_51 = arith.constant 0 : i32
    %dma_start3A_52 = tpu.memref_slice %arg4[%add3A_42, %dma_start3A_51] : memref<320000x64xi32, #tpu.memory_space<hbm>> -> memref<64x64xi32, #tpu.memory_space<hbm>>
    tpu.enqueue_dma source(%dma_start3A_52 : memref<64x64xi32, #tpu.memory_space<hbm>>) target(%arg18 : memref<64x64xi32, #tpu.memory_space<vmem>>) target_semaphore(%arg27 : memref<!tpu.dma_semaphore, #tpu.memory_space<semaphore_mem>>)
    %dma_wait3A = arith.constant 0 : i32
    %dma_wait3A_53 = arith.constant 0 : i32
    %dma_wait3A_54 = tpu.memref_slice %arg2[%dma_wait3A, %dma_wait3A_53] : memref<10000x128xf32, #tpu.memory_space<hbm>> -> memref<10000x128xf32, #tpu.memory_space<hbm>>
    tpu.wait_indirect_dma semaphore(%arg22 : memref<!tpu.dma_semaphore, #tpu.memory_space<semaphore_mem>>) src(%dma_wait3A_54 : memref<10000x128xf32, #tpu.memory_space<hbm>>) dst(%arg13 : memref<64x128xf32, #tpu.memory_space<vmem>>)
    %dma_wait3A_55 = arith.constant 0 : i32
    %dma_wait3A_56 = arith.constant 0 : i32
    %dma_wait3A_57 = tpu.memref_slice %arg3[%dma_wait3A_55, %dma_wait3A_56] : memref<10000x128xf32, #tpu.memory_space<hbm>> -> memref<10000x128xf32, #tpu.memory_space<hbm>>
    tpu.wait_indirect_dma semaphore(%arg24 : memref<!tpu.dma_semaphore, #tpu.memory_space<semaphore_mem>>) src(%dma_wait3A_57 : memref<10000x128xf32, #tpu.memory_space<hbm>>) dst(%arg15 : memref<64x128xf32, #tpu.memory_space<vmem>>)
    %dma_wait3A_58 = arith.constant 0 : i32
    %dma_wait3A_59 = arith.constant 0 : i32
    %dma_wait3A_60 = tpu.memref_slice %arg4[%dma_wait3A_58, %dma_wait3A_59] : memref<320000x64xi32, #tpu.memory_space<hbm>> -> memref<64x64xi32, #tpu.memory_space<hbm>>
    %dma_wait3A_61 = arith.constant 0 : i32
    %dma_wait3A_62 = arith.constant 0 : i32
    %dma_wait3A_63 = tpu.memref_slice %arg4[%dma_wait3A_61, %dma_wait3A_62] : memref<320000x64xi32, #tpu.memory_space<hbm>> -> memref<64x64xi32, #tpu.memory_space<hbm>>
    tpu.wait_dma2 semaphore(%arg26 : memref<!tpu.dma_semaphore, #tpu.memory_space<semaphore_mem>>) src(%dma_wait3A_63 : memref<64x64xi32, #tpu.memory_space<hbm>>) dst(%arg17 : memref<64x64xi32, #tpu.memory_space<vmem>>)
    %scan3A_64 = arith.constant 0 : i32
    %scan3A_65 = arith.constant 0 : i32
    %scan3A_66 = arith.constant 64 : i32
    %scan3A_67 = arith.addi %scan3A_65, %scan3A_66 : i32
    %scan3A_68 = arith.constant 1 : i32
    scf.for %scan3A_146 = %scan3A_65 to %scan3A_67 step %scan3A_68  : i32 {
      %get3A = arith.index_cast %scan3A_146 : i32 to index
      %get3A_147 = arith.constant 0 : index
      %get3A_148 = tpu.vector_load %arg17[%get3A, %get3A_147] {strides = array<i32>} : memref<64x64xi32, #tpu.memory_space<vmem>>, vector<1x16xi32>,
      %get3A_149 = vector.shape_cast %get3A_148 : vector<1x16xi32> to vector<16xi32>
      %shift_left3A = arith.constant 16 : i32
      %shift_left3A_150 = vector.broadcast %shift_left3A : i32 to vector<16xi32>
      %shift_left3A_151 = arith.shli %get3A_149, %shift_left3A_150 : vector<16xi32>
      %bitcast_convert_type3A = tpu.bitcast %shift_left3A_151 : vector<16xi32> -> vector<16xf32>
      %and3A = arith.constant -65536 : i32
      %and3A_152 = vector.broadcast %and3A : i32 to vector<16xi32>
      %and3A_153 = arith.andi %get3A_149, %and3A_152 : vector<16xi32>
      %bitcast_convert_type3A_154 = tpu.bitcast %and3A_153 : vector<16xi32> -> vector<16xf32>
      %get3A_155 = arith.index_cast %scan3A_146 : i32 to index
      %get3A_156 = arith.constant 0 : index
      %get3A_157 = tpu.vector_load %arg13[%get3A_155, %get3A_156] {strides = array<i32>} : memref<64x128xf32, #tpu.memory_space<vmem>>, vector<1x16xf32>,
      %get3A_158 = vector.shape_cast %get3A_157 : vector<1x16xf32> to vector<16xf32>
      %get3A_159 = arith.index_cast %scan3A_146 : i32 to index
      %get3A_160 = arith.constant 0 : index
      %get3A_161 = tpu.vector_load %arg15[%get3A_159, %get3A_160] {strides = array<i32>} : memref<64x128xf32, #tpu.memory_space<vmem>>, vector<1x16xf32>,
      %get3A_162 = vector.shape_cast %get3A_161 : vector<1x16xf32> to vector<16xf32>
      %add3A_163 = arith.addf %get3A_158, %get3A_162 : vector<16xf32>
      %neg3A = arith.constant 0.000000e+00 : f32
      %neg3A_164 = vector.broadcast %neg3A : f32 to vector<16xf32>
      %neg3A_165 = arith.subf %neg3A_164, %add3A_163 : vector<16xf32>
      %exp3A = math.exp %neg3A_165 : vector<16xf32>
      %add3A_166 = arith.constant 1.000000e+00 : f32
      %add3A_167 = vector.broadcast %add3A_166 : f32 to vector<16xf32>
      %add3A_168 = arith.addf %add3A_167, %exp3A : vector<16xf32>
      %div3A = arith.divf %add3A_163, %add3A_168 : vector<16xf32>
      %mul3A_169 = arith.mulf %div3A, %bitcast_convert_type3A : vector<16xf32>
      %swap3A = arith.index_cast %scan3A_146 : i32 to index
      %swap3A_170 = arith.constant 0 : index
      %swap3A_171 = tpu.vector_load %arg13[%swap3A, %swap3A_170] {strides = array<i32>} : memref<64x128xf32, #tpu.memory_space<vmem>>, vector<1x16xf32>,
      %swap3A_172 = vector.shape_cast %swap3A_171 : vector<1x16xf32> to vector<16xf32>
      %swap3A_173 = vector.shape_cast %mul3A_169 : vector<16xf32> to vector<1x16xf32>
      tpu.vector_store %arg13[%swap3A, %swap3A_170], %swap3A_173 {strides = array<i32>} : memref<64x128xf32, #tpu.memory_space<vmem>>, vector<1x16xf32>,
      %get3A_174 = arith.index_cast %scan3A_146 : i32 to index
      %get3A_175 = arith.constant 16 : index
      %get3A_176 = tpu.vector_load %arg13[%get3A_174, %get3A_175] {strides = array<i32>} : memref<64x128xf32, #tpu.memory_space<vmem>>, vector<1x16xf32>,
      %get3A_177 = vector.shape_cast %get3A_176 : vector<1x16xf32> to vector<16xf32>
      %get3A_178 = arith.index_cast %scan3A_146 : i32 to index
      %get3A_179 = arith.constant 16 : index
      %get3A_180 = tpu.vector_load %arg15[%get3A_178, %get3A_179] {strides = array<i32>} : memref<64x128xf32, #tpu.memory_space<vmem>>, vector<1x16xf32>,
      %get3A_181 = vector.shape_cast %get3A_180 : vector<1x16xf32> to vector<16xf32>
      %add3A_182 = arith.addf %get3A_177, %get3A_181 : vector<16xf32>
      %neg3A_183 = arith.constant 0.000000e+00 : f32
      %neg3A_184 = vector.broadcast %neg3A_183 : f32 to vector<16xf32>
      %neg3A_185 = arith.subf %neg3A_184, %add3A_182 : vector<16xf32>
      %exp3A_186 = math.exp %neg3A_185 : vector<16xf32>
      %add3A_187 = arith.constant 1.000000e+00 : f32
      %add3A_188 = vector.broadcast %add3A_187 : f32 to vector<16xf32>
      %add3A_189 = arith.addf %add3A_188, %exp3A_186 : vector<16xf32>
      %div3A_190 = arith.divf %add3A_182, %add3A_189 : vector<16xf32>
      %mul3A_191 = arith.mulf %div3A_190, %bitcast_convert_type3A_154 : vector<16xf32>
      %swap3A_192 = arith.index_cast %scan3A_146 : i32 to index
      %swap3A_193 = arith.constant 16 : index
      %swap3A_194 = tpu.vector_load %arg13[%swap3A_192, %swap3A_193] {strides = array<i32>} : memref<64x128xf32, #tpu.memory_space<vmem>>, vector<1x16xf32>,
      %swap3A_195 = vector.shape_cast %swap3A_194 : vector<1x16xf32> to vector<16xf32>
      %swap3A_196 = vector.shape_cast %mul3A_191 : vector<16xf32> to vector<1x16xf32>
      tpu.vector_store %arg13[%swap3A_192, %swap3A_193], %swap3A_196 {strides = array<i32>} : memref<64x128xf32, #tpu.memory_space<vmem>>, vector<1x16xf32>,
      %get3A_197 = arith.index_cast %scan3A_146 : i32 to index
      %get3A_198 = arith.constant 16 : index
      %get3A_199 = tpu.vector_load %arg17[%get3A_197, %get3A_198] {strides = array<i32>} : memref<64x64xi32, #tpu.memory_space<vmem>>, vector<1x16xi32>,
      %get3A_200 = vector.shape_cast %get3A_199 : vector<1x16xi32> to vector<16xi32>
      %shift_left3A_201 = arith.constant 16 : i32
      %shift_left3A_202 = vector.broadcast %shift_left3A_201 : i32 to vector<16xi32>
      %shift_left3A_203 = arith.shli %get3A_200, %shift_left3A_202 : vector<16xi32>
      %bitcast_convert_type3A_204 = tpu.bitcast %shift_left3A_203 : vector<16xi32> -> vector<16xf32>
      %and3A_205 = arith.constant -65536 : i32
      %and3A_206 = vector.broadcast %and3A_205 : i32 to vector<16xi32>
      %and3A_207 = arith.andi %get3A_200, %and3A_206 : vector<16xi32>
      %bitcast_convert_type3A_208 = tpu.bitcast %and3A_207 : vector<16xi32> -> vector<16xf32>
      %get3A_209 = arith.index_cast %scan3A_146 : i32 to index
      %get3A_210 = arith.constant 32 : index
      %get3A_211 = tpu.vector_load %arg13[%get3A_209, %get3A_210] {strides = array<i32>} : memref<64x128xf32, #tpu.memory_space<vmem>>, vector<1x16xf32>,
      %get3A_212 = vector.shape_cast %get3A_211 : vector<1x16xf32> to vector<16xf32>
      %get3A_213 = arith.index_cast %scan3A_146 : i32 to index
      %get3A_214 = arith.constant 32 : index
      %get3A_215 = tpu.vector_load %arg15[%get3A_213, %get3A_214] {strides = array<i32>} : memref<64x128xf32, #tpu.memory_space<vmem>>, vector<1x16xf32>,
      %get3A_216 = vector.shape_cast %get3A_215 : vector<1x16xf32> to vector<16xf32>
      %add3A_217 = arith.addf %get3A_212, %get3A_216 : vector<16xf32>
      %neg3A_218 = arith.constant 0.000000e+00 : f32
      %neg3A_219 = vector.broadcast %neg3A_218 : f32 to vector<16xf32>
      %neg3A_220 = arith.subf %neg3A_219, %add3A_217 : vector<16xf32>
      %exp3A_221 = math.exp %neg3A_220 : vector<16xf32>
      %add3A_222 = arith.constant 1.000000e+00 : f32
      %add3A_223 = vector.broadcast %add3A_222 : f32 to vector<16xf32>
      %add3A_224 = arith.addf %add3A_223, %exp3A_221 : vector<16xf32>
      %div3A_225 = arith.divf %add3A_217, %add3A_224 : vector<16xf32>
      %mul3A_226 = arith.mulf %div3A_225, %bitcast_convert_type3A_204 : vector<16xf32>
      %swap3A_227 = arith.index_cast %scan3A_146 : i32 to index
      %swap3A_228 = arith.constant 32 : index
      %swap3A_229 = tpu.vector_load %arg13[%swap3A_227, %swap3A_228] {strides = array<i32>} : memref<64x128xf32, #tpu.memory_space<vmem>>, vector<1x16xf32>,
      %swap3A_230 = vector.shape_cast %swap3A_229 : vector<1x16xf32> to vector<16xf32>
      %swap3A_231 = vector.shape_cast %mul3A_226 : vector<16xf32> to vector<1x16xf32>
      tpu.vector_store %arg13[%swap3A_227, %swap3A_228], %swap3A_231 {strides = array<i32>} : memref<64x128xf32, #tpu.memory_space<vmem>>, vector<1x16xf32>,
      %get3A_232 = arith.index_cast %scan3A_146 : i32 to index
      %get3A_233 = arith.constant 48 : index
      %get3A_234 = tpu.vector_load %arg13[%get3A_232, %get3A_233] {strides = array<i32>} : memref<64x128xf32, #tpu.memory_space<vmem>>, vector<1x16xf32>,
      %get3A_235 = vector.shape_cast %get3A_234 : vector<1x16xf32> to vector<16xf32>
      %get3A_236 = arith.index_cast %scan3A_146 : i32 to index
      %get3A_237 = arith.constant 48 : index
      %get3A_238 = tpu.vector_load %arg15[%get3A_236, %get3A_237] {strides = array<i32>} : memref<64x128xf32, #tpu.memory_space<vmem>>, vector<1x16xf32>,
      %get3A_239 = vector.shape_cast %get3A_238 : vector<1x16xf32> to vector<16xf32>
      %add3A_240 = arith.addf %get3A_235, %get3A_239 : vector<16xf32>
      %neg3A_241 = arith.constant 0.000000e+00 : f32
      %neg3A_242 = vector.broadcast %neg3A_241 : f32 to vector<16xf32>
      %neg3A_243 = arith.subf %neg3A_242, %add3A_240 : vector<16xf32>
      %exp3A_244 = math.exp %neg3A_243 : vector<16xf32>
      %add3A_245 = arith.constant 1.000000e+00 : f32
      %add3A_246 = vector.broadcast %add3A_245 : f32 to vector<16xf32>
      %add3A_247 = arith.addf %add3A_246, %exp3A_244 : vector<16xf32>
      %div3A_248 = arith.divf %add3A_240, %add3A_247 : vector<16xf32>
      %mul3A_249 = arith.mulf %div3A_248, %bitcast_convert_type3A_208 : vector<16xf32>
      %swap3A_250 = arith.index_cast %scan3A_146 : i32 to index
      %swap3A_251 = arith.constant 48 : index
      %swap3A_252 = tpu.vector_load %arg13[%swap3A_250, %swap3A_251] {strides = array<i32>} : memref<64x128xf32, #tpu.memory_space<vmem>>, vector<1x16xf32>,
      %swap3A_253 = vector.shape_cast %swap3A_252 : vector<1x16xf32> to vector<16xf32>
      %swap3A_254 = vector.shape_cast %mul3A_249 : vector<16xf32> to vector<1x16xf32>
      tpu.vector_store %arg13[%swap3A_250, %swap3A_251], %swap3A_254 {strides = array<i32>} : memref<64x128xf32, #tpu.memory_space<vmem>>, vector<1x16xf32>,
      %get3A_255 = arith.index_cast %scan3A_146 : i32 to index
      %get3A_256 = arith.constant 32 : index
      %get3A_257 = tpu.vector_load %arg17[%get3A_255, %get3A_256] {strides = array<i32>} : memref<64x64xi32, #tpu.memory_space<vmem>>, vector<1x16xi32>,
      %get3A_258 = vector.shape_cast %get3A_257 : vector<1x16xi32> to vector<16xi32>
      %shift_left3A_259 = arith.constant 16 : i32
      %shift_left3A_260 = vector.broadcast %shift_left3A_259 : i32 to vector<16xi32>
      %shift_left3A_261 = arith.shli %get3A_258, %shift_left3A_260 : vector<16xi32>
      %bitcast_convert_type3A_262 = tpu.bitcast %shift_left3A_261 : vector<16xi32> -> vector<16xf32>
      %and3A_263 = arith.constant -65536 : i32
      %and3A_264 = vector.broadcast %and3A_263 : i32 to vector<16xi32>
      %and3A_265 = arith.andi %get3A_258, %and3A_264 : vector<16xi32>
      %bitcast_convert_type3A_266 = tpu.bitcast %and3A_265 : vector<16xi32> -> vector<16xf32>
      %get3A_267 = arith.index_cast %scan3A_146 : i32 to index
      %get3A_268 = arith.constant 64 : index
      %get3A_269 = tpu.vector_load %arg13[%get3A_267, %get3A_268] {strides = array<i32>} : memref<64x128xf32, #tpu.memory_space<vmem>>, vector<1x16xf32>,
      %get3A_270 = vector.shape_cast %get3A_269 : vector<1x16xf32> to vector<16xf32>
      %get3A_271 = arith.index_cast %scan3A_146 : i32 to index
      %get3A_272 = arith.constant 64 : index
      %get3A_273 = tpu.vector_load %arg15[%get3A_271, %get3A_272] {strides = array<i32>} : memref<64x128xf32, #tpu.memory_space<vmem>>, vector<1x16xf32>,
      %get3A_274 = vector.shape_cast %get3A_273 : vector<1x16xf32> to vector<16xf32>
      %add3A_275 = arith.addf %get3A_270, %get3A_274 : vector<16xf32>
      %neg3A_276 = arith.constant 0.000000e+00 : f32
      %neg3A_277 = vector.broadcast %neg3A_276 : f32 to vector<16xf32>
      %neg3A_278 = arith.subf %neg3A_277, %add3A_275 : vector<16xf32>
      %exp3A_279 = math.exp %neg3A_278 : vector<16xf32>
      %add3A_280 = arith.constant 1.000000e+00 : f32
      %add3A_281 = vector.broadcast %add3A_280 : f32 to vector<16xf32>
      %add3A_282 = arith.addf %add3A_281, %exp3A_279 : vector<16xf32>
      %div3A_283 = arith.divf %add3A_275, %add3A_282 : vector<16xf32>
      %mul3A_284 = arith.mulf %div3A_283, %bitcast_convert_type3A_262 : vector<16xf32>
      %swap3A_285 = arith.index_cast %scan3A_146 : i32 to index
      %swap3A_286 = arith.constant 64 : index
      %swap3A_287 = tpu.vector_load %arg13[%swap3A_285, %swap3A_286] {strides = array<i32>} : memref<64x128xf32, #tpu.memory_space<vmem>>, vector<1x16xf32>,
      %swap3A_288 = vector.shape_cast %swap3A_287 : vector<1x16xf32> to vector<16xf32>
      %swap3A_289 = vector.shape_cast %mul3A_284 : vector<16xf32> to vector<1x16xf32>
      tpu.vector_store %arg13[%swap3A_285, %swap3A_286], %swap3A_289 {strides = array<i32>} : memref<64x128xf32, #tpu.memory_space<vmem>>, vector<1x16xf32>,
      %get3A_290 = arith.index_cast %scan3A_146 : i32 to index
      %get3A_291 = arith.constant 80 : index
      %get3A_292 = tpu.vector_load %arg13[%get3A_290, %get3A_291] {strides = array<i32>} : memref<64x128xf32, #tpu.memory_space<vmem>>, vector<1x16xf32>,
      %get3A_293 = vector.shape_cast %get3A_292 : vector<1x16xf32> to vector<16xf32>
      %get3A_294 = arith.index_cast %scan3A_146 : i32 to index
      %get3A_295 = arith.constant 80 : index
      %get3A_296 = tpu.vector_load %arg15[%get3A_294, %get3A_295] {strides = array<i32>} : memref<64x128xf32, #tpu.memory_space<vmem>>, vector<1x16xf32>,
      %get3A_297 = vector.shape_cast %get3A_296 : vector<1x16xf32> to vector<16xf32>
      %add3A_298 = arith.addf %get3A_293, %get3A_297 : vector<16xf32>
      %neg3A_299 = arith.constant 0.000000e+00 : f32
      %neg3A_300 = vector.broadcast %neg3A_299 : f32 to vector<16xf32>
      %neg3A_301 = arith.subf %neg3A_300, %add3A_298 : vector<16xf32>
      %exp3A_302 = math.exp %neg3A_301 : vector<16xf32>
      %add3A_303 = arith.constant 1.000000e+00 : f32
      %add3A_304 = vector.broadcast %add3A_303 : f32 to vector<16xf32>
      %add3A_305 = arith.addf %add3A_304, %exp3A_302 : vector<16xf32>
      %div3A_306 = arith.divf %add3A_298, %add3A_305 : vector<16xf32>
      %mul3A_307 = arith.mulf %div3A_306, %bitcast_convert_type3A_266 : vector<16xf32>
      %swap3A_308 = arith.index_cast %scan3A_146 : i32 to index
      %swap3A_309 = arith.constant 80 : index
      %swap3A_310 = tpu.vector_load %arg13[%swap3A_308, %swap3A_309] {strides = array<i32>} : memref<64x128xf32, #tpu.memory_space<vmem>>, vector<1x16xf32>,
      %swap3A_311 = vector.shape_cast %swap3A_310 : vector<1x16xf32> to vector<16xf32>
      %swap3A_312 = vector.shape_cast %mul3A_307 : vector<16xf32> to vector<1x16xf32>
      tpu.vector_store %arg13[%swap3A_308, %swap3A_309], %swap3A_312 {strides = array<i32>} : memref<64x128xf32, #tpu.memory_space<vmem>>, vector<1x16xf32>,
      %get3A_313 = arith.index_cast %scan3A_146 : i32 to index
      %get3A_314 = arith.constant 48 : index
      %get3A_315 = tpu.vector_load %arg17[%get3A_313, %get3A_314] {strides = array<i32>} : memref<64x64xi32, #tpu.memory_space<vmem>>, vector<1x16xi32>,
      %get3A_316 = vector.shape_cast %get3A_315 : vector<1x16xi32> to vector<16xi32>
      %shift_left3A_317 = arith.constant 16 : i32
      %shift_left3A_318 = vector.broadcast %shift_left3A_317 : i32 to vector<16xi32>
      %shift_left3A_319 = arith.shli %get3A_316, %shift_left3A_318 : vector<16xi32>
      %bitcast_convert_type3A_320 = tpu.bitcast %shift_left3A_319 : vector<16xi32> -> vector<16xf32>
      %and3A_321 = arith.constant -65536 : i32
      %and3A_322 = vector.broadcast %and3A_321 : i32 to vector<16xi32>
      %and3A_323 = arith.andi %get3A_316, %and3A_322 : vector<16xi32>
      %bitcast_convert_type3A_324 = tpu.bitcast %and3A_323 : vector<16xi32> -> vector<16xf32>
      %get3A_325 = arith.index_cast %scan3A_146 : i32 to index
      %get3A_326 = arith.constant 96 : index
      %get3A_327 = tpu.vector_load %arg13[%get3A_325, %get3A_326] {strides = array<i32>} : memref<64x128xf32, #tpu.memory_space<vmem>>, vector<1x16xf32>,
      %get3A_328 = vector.shape_cast %get3A_327 : vector<1x16xf32> to vector<16xf32>
      %get3A_329 = arith.index_cast %scan3A_146 : i32 to index
      %get3A_330 = arith.constant 96 : index
      %get3A_331 = tpu.vector_load %arg15[%get3A_329, %get3A_330] {strides = array<i32>} : memref<64x128xf32, #tpu.memory_space<vmem>>, vector<1x16xf32>,
      %get3A_332 = vector.shape_cast %get3A_331 : vector<1x16xf32> to vector<16xf32>
      %add3A_333 = arith.addf %get3A_328, %get3A_332 : vector<16xf32>
      %neg3A_334 = arith.constant 0.000000e+00 : f32
      %neg3A_335 = vector.broadcast %neg3A_334 : f32 to vector<16xf32>
      %neg3A_336 = arith.subf %neg3A_335, %add3A_333 : vector<16xf32>
      %exp3A_337 = math.exp %neg3A_336 : vector<16xf32>
      %add3A_338 = arith.constant 1.000000e+00 : f32
      %add3A_339 = vector.broadcast %add3A_338 : f32 to vector<16xf32>
      %add3A_340 = arith.addf %add3A_339, %exp3A_337 : vector<16xf32>
      %div3A_341 = arith.divf %add3A_333, %add3A_340 : vector<16xf32>
      %mul3A_342 = arith.mulf %div3A_341, %bitcast_convert_type3A_320 : vector<16xf32>
      %swap3A_343 = arith.index_cast %scan3A_146 : i32 to index
      %swap3A_344 = arith.constant 96 : index
      %swap3A_345 = tpu.vector_load %arg13[%swap3A_343, %swap3A_344] {strides = array<i32>} : memref<64x128xf32, #tpu.memory_space<vmem>>, vector<1x16xf32>,
      %swap3A_346 = vector.shape_cast %swap3A_345 : vector<1x16xf32> to vector<16xf32>
      %swap3A_347 = vector.shape_cast %mul3A_342 : vector<16xf32> to vector<1x16xf32>
      tpu.vector_store %arg13[%swap3A_343, %swap3A_344], %swap3A_347 {strides = array<i32>} : memref<64x128xf32, #tpu.memory_space<vmem>>, vector<1x16xf32>,
      %get3A_348 = arith.index_cast %scan3A_146 : i32 to index
      %get3A_349 = arith.constant 112 : index
      %get3A_350 = tpu.vector_load %arg13[%get3A_348, %get3A_349] {strides = array<i32>} : memref<64x128xf32, #tpu.memory_space<vmem>>, vector<1x16xf32>,
      %get3A_351 = vector.shape_cast %get3A_350 : vector<1x16xf32> to vector<16xf32>
      %get3A_352 = arith.index_cast %scan3A_146 : i32 to index
      %get3A_353 = arith.constant 112 : index
      %get3A_354 = tpu.vector_load %arg15[%get3A_352, %get3A_353] {strides = array<i32>} : memref<64x128xf32, #tpu.memory_space<vmem>>, vector<1x16xf32>,
      %get3A_355 = vector.shape_cast %get3A_354 : vector<1x16xf32> to vector<16xf32>
      %add3A_356 = arith.addf %get3A_351, %get3A_355 : vector<16xf32>
      %neg3A_357 = arith.constant 0.000000e+00 : f32
      %neg3A_358 = vector.broadcast %neg3A_357 : f32 to vector<16xf32>
      %neg3A_359 = arith.subf %neg3A_358, %add3A_356 : vector<16xf32>
      %exp3A_360 = math.exp %neg3A_359 : vector<16xf32>
      %add3A_361 = arith.constant 1.000000e+00 : f32
      %add3A_362 = vector.broadcast %add3A_361 : f32 to vector<16xf32>
      %add3A_363 = arith.addf %add3A_362, %exp3A_360 : vector<16xf32>
      %div3A_364 = arith.divf %add3A_356, %add3A_363 : vector<16xf32>
      %mul3A_365 = arith.mulf %div3A_364, %bitcast_convert_type3A_324 : vector<16xf32>
      %swap3A_366 = arith.index_cast %scan3A_146 : i32 to index
      %swap3A_367 = arith.constant 112 : index
      %swap3A_368 = tpu.vector_load %arg13[%swap3A_366, %swap3A_367] {strides = array<i32>} : memref<64x128xf32, #tpu.memory_space<vmem>>, vector<1x16xf32>,
      %swap3A_369 = vector.shape_cast %swap3A_368 : vector<1x16xf32> to vector<16xf32>
      %swap3A_370 = vector.shape_cast %mul3A_365 : vector<16xf32> to vector<1x16xf32>
      tpu.vector_store %arg13[%swap3A_366, %swap3A_367], %swap3A_370 {strides = array<i32>} : memref<64x128xf32, #tpu.memory_space<vmem>>, vector<1x16xf32>,
    }
    %scan3A_69 = arith.constant 64 : i32
    %dma_start3A_70 = arith.constant 0 : i32
    %dma_start3A_71 = arith.constant 0 : i32
    %dma_start3A_72 = tpu.memref_slice %arg21[%dma_start3A_70, %dma_start3A_71] : memref<10112x128xf32, #tpu.memory_space<vmem_shared>> -> memref<10112x128xf32, #tpu.memory_space<vmem_shared>>
    tpu.enqueue_indirect_dma source(%arg13 : memref<64x128xf32, #tpu.memory_space<vmem>>) target(%dma_start3A_72 : memref<10112x128xf32, #tpu.memory_space<vmem_shared>>) offsets(%arg11 : memref<64xi32, #tpu.memory_space<vmem>>) semaphore(%arg28 : memref<!tpu.dma_semaphore, #tpu.memory_space<semaphore_mem>>) {add = true}
    %scan3A_73 = arith.constant 0 : i32
    %scan3A_74 = arith.constant 0 : i32
    %scan3A_75 = arith.constant 77 : i32
    %scan3A_76 = arith.addi %scan3A_74, %scan3A_75 : i32
    %scan3A_77 = arith.constant 1 : i32
    scf.for %scan3A_146 = %scan3A_74 to %scan3A_76 step %scan3A_77  : i32 {
      %mul3A_147 = arith.constant 2 : i32
      %mul3A_148 = arith.muli %scan3A_146, %mul3A_147 : i32
      %add3A_149 = arith.constant 1 : i32
      %add3A_150 = arith.addi %mul3A_148, %add3A_149 : i32
      %add3A_151 = arith.constant 0 : i32
      %add3A_152 = arith.addi %add3A_150, %add3A_151 : i32
      %add3A_153 = arith.constant 1 : i32
      %add3A_154 = arith.addi %add3A_152, %add3A_153 : i32
      %dma_wait3A_155 = arith.constant 0 : i32
      %dma_wait3A_156 = arith.constant 0 : i32
      %dma_wait3A_157 = tpu.memref_slice %arg21[%dma_wait3A_155, %dma_wait3A_156] : memref<10112x128xf32, #tpu.memory_space<vmem_shared>> -> memref<10112x128xf32, #tpu.memory_space<vmem_shared>>
      tpu.wait_indirect_dma semaphore(%arg28 : memref<!tpu.dma_semaphore, #tpu.memory_space<semaphore_mem>>) src(%arg13 : memref<64x128xf32, #tpu.memory_space<vmem>>) dst(%dma_wait3A_157 : memref<10112x128xf32, #tpu.memory_space<vmem_shared>>)
      %mul3A_158 = arith.constant 64 : i32
      %mul3A_159 = arith.muli %add3A_154, %mul3A_158 : i32
      %add3A_160 = arith.addi %mul3A_29, %mul3A_159 : i32
      "tpu.region"() ({
        %run_scoped3A = tpu.sem_alloc : memref<!tpu.dma_semaphore, #tpu.memory_space<semaphore_mem>>
        %dma_start3A_233 = tpu.memref_slice %arg5[%add3A_160] : memref<320000xi32, #tpu.memory_space<hbm>> -> memref<64xi32, #tpu.memory_space<hbm>>
        %dma_start3A_234 = tpu.memref_slice %arg5[%add3A_160] : memref<320000xi32, #tpu.memory_space<hbm>> -> memref<64xi32, #tpu.memory_space<hbm>>
        tpu.enqueue_dma source(%dma_start3A_234 : memref<64xi32, #tpu.memory_space<hbm>>) target(%arg9 : memref<64xi32, #tpu.memory_space<vmem>>) target_semaphore(%run_scoped3A : memref<!tpu.dma_semaphore, #tpu.memory_space<semaphore_mem>>)
        %dma_wait3A_235 = tpu.memref_slice %arg5[%add3A_160] : memref<320000xi32, #tpu.memory_space<hbm>> -> memref<64xi32, #tpu.memory_space<hbm>>
        %dma_wait3A_236 = tpu.memref_slice %arg5[%add3A_160] : memref<320000xi32, #tpu.memory_space<hbm>> -> memref<64xi32, #tpu.memory_space<hbm>>
        tpu.wait_dma2 semaphore(%run_scoped3A : memref<!tpu.dma_semaphore, #tpu.memory_space<semaphore_mem>>) src(%dma_wait3A_236 : memref<64xi32, #tpu.memory_space<hbm>>) dst(%arg9 : memref<64xi32, #tpu.memory_space<vmem>>)
        tpu.yield
      }) : () -> ()
      "tpu.region"() ({
        %run_scoped3A = tpu.sem_alloc : memref<!tpu.dma_semaphore, #tpu.memory_space<semaphore_mem>>
        %dma_start3A_233 = tpu.memref_slice %arg6[%add3A_160] : memref<320000xi32, #tpu.memory_space<hbm>> -> memref<64xi32, #tpu.memory_space<hbm>>
        %dma_start3A_234 = tpu.memref_slice %arg6[%add3A_160] : memref<320000xi32, #tpu.memory_space<hbm>> -> memref<64xi32, #tpu.memory_space<hbm>>
        tpu.enqueue_dma source(%dma_start3A_234 : memref<64xi32, #tpu.memory_space<hbm>>) target(%arg11 : memref<64xi32, #tpu.memory_space<vmem>>) target_semaphore(%run_scoped3A : memref<!tpu.dma_semaphore, #tpu.memory_space<semaphore_mem>>)
        %dma_wait3A_235 = tpu.memref_slice %arg6[%add3A_160] : memref<320000xi32, #tpu.memory_space<hbm>> -> memref<64xi32, #tpu.memory_space<hbm>>
        %dma_wait3A_236 = tpu.memref_slice %arg6[%add3A_160] : memref<320000xi32, #tpu.memory_space<hbm>> -> memref<64xi32, #tpu.memory_space<hbm>>
        tpu.wait_dma2 semaphore(%run_scoped3A : memref<!tpu.dma_semaphore, #tpu.memory_space<semaphore_mem>>) src(%dma_wait3A_236 : memref<64xi32, #tpu.memory_space<hbm>>) dst(%arg11 : memref<64xi32, #tpu.memory_space<vmem>>)
        tpu.yield
      }) : () -> ()
      %dma_start3A_161 = arith.constant 0 : i32
      %dma_start3A_162 = arith.constant 0 : i32
      %dma_start3A_163 = tpu.memref_slice %arg2[%dma_start3A_161, %dma_start3A_162] : memref<10000x128xf32, #tpu.memory_space<hbm>> -> memref<10000x128xf32, #tpu.memory_space<hbm>>
      tpu.enqueue_indirect_dma source(%dma_start3A_163 : memref<10000x128xf32, #tpu.memory_space<hbm>>) target(%arg13 : memref<64x128xf32, #tpu.memory_space<vmem>>) offsets(%arg9 : memref<64xi32, #tpu.memory_space<vmem>>) semaphore(%arg22 : memref<!tpu.dma_semaphore, #tpu.memory_space<semaphore_mem>>)
      %dma_start3A_164 = arith.constant 0 : i32
      %dma_start3A_165 = arith.constant 0 : i32
      %dma_start3A_166 = tpu.memref_slice %arg3[%dma_start3A_164, %dma_start3A_165] : memref<10000x128xf32, #tpu.memory_space<hbm>> -> memref<10000x128xf32, #tpu.memory_space<hbm>>
      tpu.enqueue_indirect_dma source(%dma_start3A_166 : memref<10000x128xf32, #tpu.memory_space<hbm>>) target(%arg15 : memref<64x128xf32, #tpu.memory_space<vmem>>) offsets(%arg11 : memref<64xi32, #tpu.memory_space<vmem>>) semaphore(%arg24 : memref<!tpu.dma_semaphore, #tpu.memory_space<semaphore_mem>>)
      %dma_start3A_167 = arith.constant 0 : i32
      %dma_start3A_168 = tpu.memref_slice %arg4[%add3A_160, %dma_start3A_167] : memref<320000x64xi32, #tpu.memory_space<hbm>> -> memref<64x64xi32, #tpu.memory_space<hbm>>
      %dma_start3A_169 = arith.constant 0 : i32
      %dma_start3A_170 = tpu.memref_slice %arg4[%add3A_160, %dma_start3A_169] : memref<320000x64xi32, #tpu.memory_space<hbm>> -> memref<64x64xi32, #tpu.memory_space<hbm>>
      tpu.enqueue_dma source(%dma_start3A_170 : memref<64x64xi32, #tpu.memory_space<hbm>>) target(%arg17 : memref<64x64xi32, #tpu.memory_space<vmem>>) target_semaphore(%arg26 : memref<!tpu.dma_semaphore, #tpu.memory_space<semaphore_mem>>)
      %dma_wait3A_171 = arith.constant 0 : i32
      %dma_wait3A_172 = arith.constant 0 : i32
      %dma_wait3A_173 = tpu.memref_slice %arg2[%dma_wait3A_171, %dma_wait3A_172] : memref<10000x128xf32, #tpu.memory_space<hbm>> -> memref<10000x128xf32, #tpu.memory_space<hbm>>
      tpu.wait_indirect_dma semaphore(%arg23 : memref<!tpu.dma_semaphore, #tpu.memory_space<semaphore_mem>>) src(%dma_wait3A_173 : memref<10000x128xf32, #tpu.memory_space<hbm>>) dst(%arg14 : memref<64x128xf32, #tpu.memory_space<vmem>>)
      %dma_wait3A_174 = arith.constant 0 : i32
      %dma_wait3A_175 = arith.constant 0 : i32
      %dma_wait3A_176 = tpu.memref_slice %arg3[%dma_wait3A_174, %dma_wait3A_175] : memref<10000x128xf32, #tpu.memory_space<hbm>> -> memref<10000x128xf32, #tpu.memory_space<hbm>>
      tpu.wait_indirect_dma semaphore(%arg25 : memref<!tpu.dma_semaphore, #tpu.memory_space<semaphore_mem>>) src(%dma_wait3A_176 : memref<10000x128xf32, #tpu.memory_space<hbm>>) dst(%arg16 : memref<64x128xf32, #tpu.memory_space<vmem>>)
      %dma_wait3A_177 = arith.constant 0 : i32
      %dma_wait3A_178 = arith.constant 0 : i32
      %dma_wait3A_179 = tpu.memref_slice %arg4[%dma_wait3A_177, %dma_wait3A_178] : memref<320000x64xi32, #tpu.memory_space<hbm>> -> memref<64x64xi32, #tpu.memory_space<hbm>>
      %dma_wait3A_180 = arith.constant 0 : i32
      %dma_wait3A_181 = arith.constant 0 : i32
      %dma_wait3A_182 = tpu.memref_slice %arg4[%dma_wait3A_180, %dma_wait3A_181] : memref<320000x64xi32, #tpu.memory_space<hbm>> -> memref<64x64xi32, #tpu.memory_space<hbm>>
      tpu.wait_dma2 semaphore(%arg27 : memref<!tpu.dma_semaphore, #tpu.memory_space<semaphore_mem>>) src(%dma_wait3A_182 : memref<64x64xi32, #tpu.memory_space<hbm>>) dst(%arg18 : memref<64x64xi32, #tpu.memory_space<vmem>>)
      %scan3A_183 = arith.constant 0 : i32
      %scan3A_184 = arith.constant 0 : i32
      %scan3A_185 = arith.constant 64 : i32
      %scan3A_186 = arith.addi %scan3A_184, %scan3A_185 : i32
      %scan3A_187 = arith.constant 1 : i32
      scf.for %scan3A_233 = %scan3A_184 to %scan3A_186 step %scan3A_187  : i32 {
        %get3A = arith.index_cast %scan3A_233 : i32 to index
        %get3A_234 = arith.constant 0 : index
        %get3A_235 = tpu.vector_load %arg18[%get3A, %get3A_234] {strides = array<i32>} : memref<64x64xi32, #tpu.memory_space<vmem>>, vector<1x16xi32>,
        %get3A_236 = vector.shape_cast %get3A_235 : vector<1x16xi32> to vector<16xi32>
        %shift_left3A = arith.constant 16 : i32
        %shift_left3A_237 = vector.broadcast %shift_left3A : i32 to vector<16xi32>
        %shift_left3A_238 = arith.shli %get3A_236, %shift_left3A_237 : vector<16xi32>
        %bitcast_convert_type3A = tpu.bitcast %shift_left3A_238 : vector<16xi32> -> vector<16xf32>
        %and3A = arith.constant -65536 : i32
        %and3A_239 = vector.broadcast %and3A : i32 to vector<16xi32>
        %and3A_240 = arith.andi %get3A_236, %and3A_239 : vector<16xi32>
        %bitcast_convert_type3A_241 = tpu.bitcast %and3A_240 : vector<16xi32> -> vector<16xf32>
        %get3A_242 = arith.index_cast %scan3A_233 : i32 to index
        %get3A_243 = arith.constant 0 : index
        %get3A_244 = tpu.vector_load %arg14[%get3A_242, %get3A_243] {strides = array<i32>} : memref<64x128xf32, #tpu.memory_space<vmem>>, vector<1x16xf32>,
        %get3A_245 = vector.shape_cast %get3A_244 : vector<1x16xf32> to vector<16xf32>
        %get3A_246 = arith.index_cast %scan3A_233 : i32 to index
        %get3A_247 = arith.constant 0 : index
        %get3A_248 = tpu.vector_load %arg16[%get3A_246, %get3A_247] {strides = array<i32>} : memref<64x128xf32, #tpu.memory_space<vmem>>, vector<1x16xf32>,
        %get3A_249 = vector.shape_cast %get3A_248 : vector<1x16xf32> to vector<16xf32>
        %add3A_250 = arith.addf %get3A_245, %get3A_249 : vector<16xf32>
        %neg3A = arith.constant 0.000000e+00 : f32
        %neg3A_251 = vector.broadcast %neg3A : f32 to vector<16xf32>
        %neg3A_252 = arith.subf %neg3A_251, %add3A_250 : vector<16xf32>
        %exp3A = math.exp %neg3A_252 : vector<16xf32>
        %add3A_253 = arith.constant 1.000000e+00 : f32
        %add3A_254 = vector.broadcast %add3A_253 : f32 to vector<16xf32>
        %add3A_255 = arith.addf %add3A_254, %exp3A : vector<16xf32>
        %div3A = arith.divf %add3A_250, %add3A_255 : vector<16xf32>
        %mul3A_256 = arith.mulf %div3A, %bitcast_convert_type3A : vector<16xf32>
        %swap3A = arith.index_cast %scan3A_233 : i32 to index
        %swap3A_257 = arith.constant 0 : index
        %swap3A_258 = tpu.vector_load %arg14[%swap3A, %swap3A_257] {strides = array<i32>} : memref<64x128xf32, #tpu.memory_space<vmem>>, vector<1x16xf32>,
        %swap3A_259 = vector.shape_cast %swap3A_258 : vector<1x16xf32> to vector<16xf32>
        %swap3A_260 = vector.shape_cast %mul3A_256 : vector<16xf32> to vector<1x16xf32>
        tpu.vector_store %arg14[%swap3A, %swap3A_257], %swap3A_260 {strides = array<i32>} : memref<64x128xf32, #tpu.memory_space<vmem>>, vector<1x16xf32>,
        %get3A_261 = arith.index_cast %scan3A_233 : i32 to index
        %get3A_262 = arith.constant 16 : index
        %get3A_263 = tpu.vector_load %arg14[%get3A_261, %get3A_262] {strides = array<i32>} : memref<64x128xf32, #tpu.memory_space<vmem>>, vector<1x16xf32>,
        %get3A_264 = vector.shape_cast %get3A_263 : vector<1x16xf32> to vector<16xf32>
        %get3A_265 = arith.index_cast %scan3A_233 : i32 to index
        %get3A_266 = arith.constant 16 : index
        %get3A_267 = tpu.vector_load %arg16[%get3A_265, %get3A_266] {strides = array<i32>} : memref<64x128xf32, #tpu.memory_space<vmem>>, vector<1x16xf32>,
        %get3A_268 = vector.shape_cast %get3A_267 : vector<1x16xf32> to vector<16xf32>
        %add3A_269 = arith.addf %get3A_264, %get3A_268 : vector<16xf32>
        %neg3A_270 = arith.constant 0.000000e+00 : f32
        %neg3A_271 = vector.broadcast %neg3A_270 : f32 to vector<16xf32>
        %neg3A_272 = arith.subf %neg3A_271, %add3A_269 : vector<16xf32>
        %exp3A_273 = math.exp %neg3A_272 : vector<16xf32>
        %add3A_274 = arith.constant 1.000000e+00 : f32
        %add3A_275 = vector.broadcast %add3A_274 : f32 to vector<16xf32>
        %add3A_276 = arith.addf %add3A_275, %exp3A_273 : vector<16xf32>
        %div3A_277 = arith.divf %add3A_269, %add3A_276 : vector<16xf32>
        %mul3A_278 = arith.mulf %div3A_277, %bitcast_convert_type3A_241 : vector<16xf32>
        %swap3A_279 = arith.index_cast %scan3A_233 : i32 to index
        %swap3A_280 = arith.constant 16 : index
        %swap3A_281 = tpu.vector_load %arg14[%swap3A_279, %swap3A_280] {strides = array<i32>} : memref<64x128xf32, #tpu.memory_space<vmem>>, vector<1x16xf32>,
        %swap3A_282 = vector.shape_cast %swap3A_281 : vector<1x16xf32> to vector<16xf32>
        %swap3A_283 = vector.shape_cast %mul3A_278 : vector<16xf32> to vector<1x16xf32>
        tpu.vector_store %arg14[%swap3A_279, %swap3A_280], %swap3A_283 {strides = array<i32>} : memref<64x128xf32, #tpu.memory_space<vmem>>, vector<1x16xf32>,
        %get3A_284 = arith.index_cast %scan3A_233 : i32 to index
        %get3A_285 = arith.constant 16 : index
        %get3A_286 = tpu.vector_load %arg18[%get3A_284, %get3A_285] {strides = array<i32>} : memref<64x64xi32, #tpu.memory_space<vmem>>, vector<1x16xi32>,
        %get3A_287 = vector.shape_cast %get3A_286 : vector<1x16xi32> to vector<16xi32>
        %shift_left3A_288 = arith.constant 16 : i32
        %shift_left3A_289 = vector.broadcast %shift_left3A_288 : i32 to vector<16xi32>
        %shift_left3A_290 = arith.shli %get3A_287, %shift_left3A_289 : vector<16xi32>
        %bitcast_convert_type3A_291 = tpu.bitcast %shift_left3A_290 : vector<16xi32> -> vector<16xf32>
        %and3A_292 = arith.constant -65536 : i32
        %and3A_293 = vector.broadcast %and3A_292 : i32 to vector<16xi32>
        %and3A_294 = arith.andi %get3A_287, %and3A_293 : vector<16xi32>
        %bitcast_convert_type3A_295 = tpu.bitcast %and3A_294 : vector<16xi32> -> vector<16xf32>
        %get3A_296 = arith.index_cast %scan3A_233 : i32 to index
        %get3A_297 = arith.constant 32 : index
        %get3A_298 = tpu.vector_load %arg14[%get3A_296, %get3A_297] {strides = array<i32>} : memref<64x128xf32, #tpu.memory_space<vmem>>, vector<1x16xf32>,
        %get3A_299 = vector.shape_cast %get3A_298 : vector<1x16xf32> to vector<16xf32>
        %get3A_300 = arith.index_cast %scan3A_233 : i32 to index
        %get3A_301 = arith.constant 32 : index
        %get3A_302 = tpu.vector_load %arg16[%get3A_300, %get3A_301] {strides = array<i32>} : memref<64x128xf32, #tpu.memory_space<vmem>>, vector<1x16xf32>,
        %get3A_303 = vector.shape_cast %get3A_302 : vector<1x16xf32> to vector<16xf32>
        %add3A_304 = arith.addf %get3A_299, %get3A_303 : vector<16xf32>
        %neg3A_305 = arith.constant 0.000000e+00 : f32
        %neg3A_306 = vector.broadcast %neg3A_305 : f32 to vector<16xf32>
        %neg3A_307 = arith.subf %neg3A_306, %add3A_304 : vector<16xf32>
        %exp3A_308 = math.exp %neg3A_307 : vector<16xf32>
        %add3A_309 = arith.constant 1.000000e+00 : f32
        %add3A_310 = vector.broadcast %add3A_309 : f32 to vector<16xf32>
        %add3A_311 = arith.addf %add3A_310, %exp3A_308 : vector<16xf32>
        %div3A_312 = arith.divf %add3A_304, %add3A_311 : vector<16xf32>
        %mul3A_313 = arith.mulf %div3A_312, %bitcast_convert_type3A_291 : vector<16xf32>
        %swap3A_314 = arith.index_cast %scan3A_233 : i32 to index
        %swap3A_315 = arith.constant 32 : index
        %swap3A_316 = tpu.vector_load %arg14[%swap3A_314, %swap3A_315] {strides = array<i32>} : memref<64x128xf32, #tpu.memory_space<vmem>>, vector<1x16xf32>,
        %swap3A_317 = vector.shape_cast %swap3A_316 : vector<1x16xf32> to vector<16xf32>
        %swap3A_318 = vector.shape_cast %mul3A_313 : vector<16xf32> to vector<1x16xf32>
        tpu.vector_store %arg14[%swap3A_314, %swap3A_315], %swap3A_318 {strides = array<i32>} : memref<64x128xf32, #tpu.memory_space<vmem>>, vector<1x16xf32>,
        %get3A_319 = arith.index_cast %scan3A_233 : i32 to index
        %get3A_320 = arith.constant 48 : index
        %get3A_321 = tpu.vector_load %arg14[%get3A_319, %get3A_320] {strides = array<i32>} : memref<64x128xf32, #tpu.memory_space<vmem>>, vector<1x16xf32>,
        %get3A_322 = vector.shape_cast %get3A_321 : vector<1x16xf32> to vector<16xf32>
        %get3A_323 = arith.index_cast %scan3A_233 : i32 to index
        %get3A_324 = arith.constant 48 : index
        %get3A_325 = tpu.vector_load %arg16[%get3A_323, %get3A_324] {strides = array<i32>} : memref<64x128xf32, #tpu.memory_space<vmem>>, vector<1x16xf32>,
        %get3A_326 = vector.shape_cast %get3A_325 : vector<1x16xf32> to vector<16xf32>
        %add3A_327 = arith.addf %get3A_322, %get3A_326 : vector<16xf32>
        %neg3A_328 = arith.constant 0.000000e+00 : f32
        %neg3A_329 = vector.broadcast %neg3A_328 : f32 to vector<16xf32>
        %neg3A_330 = arith.subf %neg3A_329, %add3A_327 : vector<16xf32>
        %exp3A_331 = math.exp %neg3A_330 : vector<16xf32>
        %add3A_332 = arith.constant 1.000000e+00 : f32
        %add3A_333 = vector.broadcast %add3A_332 : f32 to vector<16xf32>
        %add3A_334 = arith.addf %add3A_333, %exp3A_331 : vector<16xf32>
        %div3A_335 = arith.divf %add3A_327, %add3A_334 : vector<16xf32>
        %mul3A_336 = arith.mulf %div3A_335, %bitcast_convert_type3A_295 : vector<16xf32>
        %swap3A_337 = arith.index_cast %scan3A_233 : i32 to index
        %swap3A_338 = arith.constant 48 : index
        %swap3A_339 = tpu.vector_load %arg14[%swap3A_337, %swap3A_338] {strides = array<i32>} : memref<64x128xf32, #tpu.memory_space<vmem>>, vector<1x16xf32>,
        %swap3A_340 = vector.shape_cast %swap3A_339 : vector<1x16xf32> to vector<16xf32>
        %swap3A_341 = vector.shape_cast %mul3A_336 : vector<16xf32> to vector<1x16xf32>
        tpu.vector_store %arg14[%swap3A_337, %swap3A_338], %swap3A_341 {strides = array<i32>} : memref<64x128xf32, #tpu.memory_space<vmem>>, vector<1x16xf32>,
        %get3A_342 = arith.index_cast %scan3A_233 : i32 to index
        %get3A_343 = arith.constant 32 : index
        %get3A_344 = tpu.vector_load %arg18[%get3A_342, %get3A_343] {strides = array<i32>} : memref<64x64xi32, #tpu.memory_space<vmem>>, vector<1x16xi32>,
        %get3A_345 = vector.shape_cast %get3A_344 : vector<1x16xi32> to vector<16xi32>
        %shift_left3A_346 = arith.constant 16 : i32
        %shift_left3A_347 = vector.broadcast %shift_left3A_346 : i32 to vector<16xi32>
        %shift_left3A_348 = arith.shli %get3A_345, %shift_left3A_347 : vector<16xi32>
        %bitcast_convert_type3A_349 = tpu.bitcast %shift_left3A_348 : vector<16xi32> -> vector<16xf32>
        %and3A_350 = arith.constant -65536 : i32
        %and3A_351 = vector.broadcast %and3A_350 : i32 to vector<16xi32>
        %and3A_352 = arith.andi %get3A_345, %and3A_351 : vector<16xi32>
        %bitcast_convert_type3A_353 = tpu.bitcast %and3A_352 : vector<16xi32> -> vector<16xf32>
        %get3A_354 = arith.index_cast %scan3A_233 : i32 to index
        %get3A_355 = arith.constant 64 : index
        %get3A_356 = tpu.vector_load %arg14[%get3A_354, %get3A_355] {strides = array<i32>} : memref<64x128xf32, #tpu.memory_space<vmem>>, vector<1x16xf32>,
        %get3A_357 = vector.shape_cast %get3A_356 : vector<1x16xf32> to vector<16xf32>
        %get3A_358 = arith.index_cast %scan3A_233 : i32 to index
        %get3A_359 = arith.constant 64 : index
        %get3A_360 = tpu.vector_load %arg16[%get3A_358, %get3A_359] {strides = array<i32>} : memref<64x128xf32, #tpu.memory_space<vmem>>, vector<1x16xf32>,
        %get3A_361 = vector.shape_cast %get3A_360 : vector<1x16xf32> to vector<16xf32>
        %add3A_362 = arith.addf %get3A_357, %get3A_361 : vector<16xf32>
        %neg3A_363 = arith.constant 0.000000e+00 : f32
        %neg3A_364 = vector.broadcast %neg3A_363 : f32 to vector<16xf32>
        %neg3A_365 = arith.subf %neg3A_364, %add3A_362 : vector<16xf32>
        %exp3A_366 = math.exp %neg3A_365 : vector<16xf32>
        %add3A_367 = arith.constant 1.000000e+00 : f32
        %add3A_368 = vector.broadcast %add3A_367 : f32 to vector<16xf32>
        %add3A_369 = arith.addf %add3A_368, %exp3A_366 : vector<16xf32>
        %div3A_370 = arith.divf %add3A_362, %add3A_369 : vector<16xf32>
        %mul3A_371 = arith.mulf %div3A_370, %bitcast_convert_type3A_349 : vector<16xf32>
        %swap3A_372 = arith.index_cast %scan3A_233 : i32 to index
        %swap3A_373 = arith.constant 64 : index
        %swap3A_374 = tpu.vector_load %arg14[%swap3A_372, %swap3A_373] {strides = array<i32>} : memref<64x128xf32, #tpu.memory_space<vmem>>, vector<1x16xf32>,
        %swap3A_375 = vector.shape_cast %swap3A_374 : vector<1x16xf32> to vector<16xf32>
        %swap3A_376 = vector.shape_cast %mul3A_371 : vector<16xf32> to vector<1x16xf32>
        tpu.vector_store %arg14[%swap3A_372, %swap3A_373], %swap3A_376 {strides = array<i32>} : memref<64x128xf32, #tpu.memory_space<vmem>>, vector<1x16xf32>,
        %get3A_377 = arith.index_cast %scan3A_233 : i32 to index
        %get3A_378 = arith.constant 80 : index
        %get3A_379 = tpu.vector_load %arg14[%get3A_377, %get3A_378] {strides = array<i32>} : memref<64x128xf32, #tpu.memory_space<vmem>>, vector<1x16xf32>,
        %get3A_380 = vector.shape_cast %get3A_379 : vector<1x16xf32> to vector<16xf32>
        %get3A_381 = arith.index_cast %scan3A_233 : i32 to index
        %get3A_382 = arith.constant 80 : index
        %get3A_383 = tpu.vector_load %arg16[%get3A_381, %get3A_382] {strides = array<i32>} : memref<64x128xf32, #tpu.memory_space<vmem>>, vector<1x16xf32>,
        %get3A_384 = vector.shape_cast %get3A_383 : vector<1x16xf32> to vector<16xf32>
        %add3A_385 = arith.addf %get3A_380, %get3A_384 : vector<16xf32>
        %neg3A_386 = arith.constant 0.000000e+00 : f32
        %neg3A_387 = vector.broadcast %neg3A_386 : f32 to vector<16xf32>
        %neg3A_388 = arith.subf %neg3A_387, %add3A_385 : vector<16xf32>
        %exp3A_389 = math.exp %neg3A_388 : vector<16xf32>
        %add3A_390 = arith.constant 1.000000e+00 : f32
        %add3A_391 = vector.broadcast %add3A_390 : f32 to vector<16xf32>
        %add3A_392 = arith.addf %add3A_391, %exp3A_389 : vector<16xf32>
        %div3A_393 = arith.divf %add3A_385, %add3A_392 : vector<16xf32>
        %mul3A_394 = arith.mulf %div3A_393, %bitcast_convert_type3A_353 : vector<16xf32>
        %swap3A_395 = arith.index_cast %scan3A_233 : i32 to index
        %swap3A_396 = arith.constant 80 : index
        %swap3A_397 = tpu.vector_load %arg14[%swap3A_395, %swap3A_396] {strides = array<i32>} : memref<64x128xf32, #tpu.memory_space<vmem>>, vector<1x16xf32>,
        %swap3A_398 = vector.shape_cast %swap3A_397 : vector<1x16xf32> to vector<16xf32>
        %swap3A_399 = vector.shape_cast %mul3A_394 : vector<16xf32> to vector<1x16xf32>
        tpu.vector_store %arg14[%swap3A_395, %swap3A_396], %swap3A_399 {strides = array<i32>} : memref<64x128xf32, #tpu.memory_space<vmem>>, vector<1x16xf32>,
        %get3A_400 = arith.index_cast %scan3A_233 : i32 to index
        %get3A_401 = arith.constant 48 : index
        %get3A_402 = tpu.vector_load %arg18[%get3A_400, %get3A_401] {strides = array<i32>} : memref<64x64xi32, #tpu.memory_space<vmem>>, vector<1x16xi32>,
        %get3A_403 = vector.shape_cast %get3A_402 : vector<1x16xi32> to vector<16xi32>
        %shift_left3A_404 = arith.constant 16 : i32
        %shift_left3A_405 = vector.broadcast %shift_left3A_404 : i32 to vector<16xi32>
        %shift_left3A_406 = arith.shli %get3A_403, %shift_left3A_405 : vector<16xi32>
        %bitcast_convert_type3A_407 = tpu.bitcast %shift_left3A_406 : vector<16xi32> -> vector<16xf32>
        %and3A_408 = arith.constant -65536 : i32
        %and3A_409 = vector.broadcast %and3A_408 : i32 to vector<16xi32>
        %and3A_410 = arith.andi %get3A_403, %and3A_409 : vector<16xi32>
        %bitcast_convert_type3A_411 = tpu.bitcast %and3A_410 : vector<16xi32> -> vector<16xf32>
        %get3A_412 = arith.index_cast %scan3A_233 : i32 to index
        %get3A_413 = arith.constant 96 : index
        %get3A_414 = tpu.vector_load %arg14[%get3A_412, %get3A_413] {strides = array<i32>} : memref<64x128xf32, #tpu.memory_space<vmem>>, vector<1x16xf32>,
        %get3A_415 = vector.shape_cast %get3A_414 : vector<1x16xf32> to vector<16xf32>
        %get3A_416 = arith.index_cast %scan3A_233 : i32 to index
        %get3A_417 = arith.constant 96 : index
        %get3A_418 = tpu.vector_load %arg16[%get3A_416, %get3A_417] {strides = array<i32>} : memref<64x128xf32, #tpu.memory_space<vmem>>, vector<1x16xf32>,
        %get3A_419 = vector.shape_cast %get3A_418 : vector<1x16xf32> to vector<16xf32>
        %add3A_420 = arith.addf %get3A_415, %get3A_419 : vector<16xf32>
        %neg3A_421 = arith.constant 0.000000e+00 : f32
        %neg3A_422 = vector.broadcast %neg3A_421 : f32 to vector<16xf32>
        %neg3A_423 = arith.subf %neg3A_422, %add3A_420 : vector<16xf32>
        %exp3A_424 = math.exp %neg3A_423 : vector<16xf32>
        %add3A_425 = arith.constant 1.000000e+00 : f32
        %add3A_426 = vector.broadcast %add3A_425 : f32 to vector<16xf32>
        %add3A_427 = arith.addf %add3A_426, %exp3A_424 : vector<16xf32>
        %div3A_428 = arith.divf %add3A_420, %add3A_427 : vector<16xf32>
        %mul3A_429 = arith.mulf %div3A_428, %bitcast_convert_type3A_407 : vector<16xf32>
        %swap3A_430 = arith.index_cast %scan3A_233 : i32 to index
        %swap3A_431 = arith.constant 96 : index
        %swap3A_432 = tpu.vector_load %arg14[%swap3A_430, %swap3A_431] {strides = array<i32>} : memref<64x128xf32, #tpu.memory_space<vmem>>, vector<1x16xf32>,
        %swap3A_433 = vector.shape_cast %swap3A_432 : vector<1x16xf32> to vector<16xf32>
        %swap3A_434 = vector.shape_cast %mul3A_429 : vector<16xf32> to vector<1x16xf32>
        tpu.vector_store %arg14[%swap3A_430, %swap3A_431], %swap3A_434 {strides = array<i32>} : memref<64x128xf32, #tpu.memory_space<vmem>>, vector<1x16xf32>,
        %get3A_435 = arith.index_cast %scan3A_233 : i32 to index
        %get3A_436 = arith.constant 112 : index
        %get3A_437 = tpu.vector_load %arg14[%get3A_435, %get3A_436] {strides = array<i32>} : memref<64x128xf32, #tpu.memory_space<vmem>>, vector<1x16xf32>,
        %get3A_438 = vector.shape_cast %get3A_437 : vector<1x16xf32> to vector<16xf32>
        %get3A_439 = arith.index_cast %scan3A_233 : i32 to index
        %get3A_440 = arith.constant 112 : index
        %get3A_441 = tpu.vector_load %arg16[%get3A_439, %get3A_440] {strides = array<i32>} : memref<64x128xf32, #tpu.memory_space<vmem>>, vector<1x16xf32>,
        %get3A_442 = vector.shape_cast %get3A_441 : vector<1x16xf32> to vector<16xf32>
        %add3A_443 = arith.addf %get3A_438, %get3A_442 : vector<16xf32>
        %neg3A_444 = arith.constant 0.000000e+00 : f32
        %neg3A_445 = vector.broadcast %neg3A_444 : f32 to vector<16xf32>
        %neg3A_446 = arith.subf %neg3A_445, %add3A_443 : vector<16xf32>
        %exp3A_447 = math.exp %neg3A_446 : vector<16xf32>
        %add3A_448 = arith.constant 1.000000e+00 : f32
        %add3A_449 = vector.broadcast %add3A_448 : f32 to vector<16xf32>
        %add3A_450 = arith.addf %add3A_449, %exp3A_447 : vector<16xf32>
        %div3A_451 = arith.divf %add3A_443, %add3A_450 : vector<16xf32>
        %mul3A_452 = arith.mulf %div3A_451, %bitcast_convert_type3A_411 : vector<16xf32>
        %swap3A_453 = arith.index_cast %scan3A_233 : i32 to index
        %swap3A_454 = arith.constant 112 : index
        %swap3A_455 = tpu.vector_load %arg14[%swap3A_453, %swap3A_454] {strides = array<i32>} : memref<64x128xf32, #tpu.memory_space<vmem>>, vector<1x16xf32>,
        %swap3A_456 = vector.shape_cast %swap3A_455 : vector<1x16xf32> to vector<16xf32>
        %swap3A_457 = vector.shape_cast %mul3A_452 : vector<16xf32> to vector<1x16xf32>
        tpu.vector_store %arg14[%swap3A_453, %swap3A_454], %swap3A_457 {strides = array<i32>} : memref<64x128xf32, #tpu.memory_space<vmem>>, vector<1x16xf32>,
      }
      %scan3A_188 = arith.constant 64 : i32
      %dma_start3A_189 = arith.constant 0 : i32
      %dma_start3A_190 = arith.constant 0 : i32
      %dma_start3A_191 = tpu.memref_slice %arg21[%dma_start3A_189, %dma_start3A_190] : memref<10112x128xf32, #tpu.memory_space<vmem_shared>> -> memref<10112x128xf32, #tpu.memory_space<vmem_shared>>
      tpu.enqueue_indirect_dma source(%arg14 : memref<64x128xf32, #tpu.memory_space<vmem>>) target(%dma_start3A_191 : memref<10112x128xf32, #tpu.memory_space<vmem_shared>>) offsets(%arg12 : memref<64xi32, #tpu.memory_space<vmem>>) semaphore(%arg29 : memref<!tpu.dma_semaphore, #tpu.memory_space<semaphore_mem>>) {add = true}
      %add3A_192 = arith.constant 1 : i32
      %add3A_193 = arith.addi %add3A_150, %add3A_192 : i32
      %add3A_194 = arith.constant 1 : i32
      %add3A_195 = arith.addi %add3A_193, %add3A_194 : i32
      %dma_wait3A_196 = arith.constant 0 : i32
      %dma_wait3A_197 = arith.constant 0 : i32
      %dma_wait3A_198 = tpu.memref_slice %arg21[%dma_wait3A_196, %dma_wait3A_197] : memref<10112x128xf32, #tpu.memory_space<vmem_shared>> -> memref<10112x128xf32, #tpu.memory_space<vmem_shared>>
      tpu.wait_indirect_dma semaphore(%arg29 : memref<!tpu.dma_semaphore, #tpu.memory_space<semaphore_mem>>) src(%arg14 : memref<64x128xf32, #tpu.memory_space<vmem>>) dst(%dma_wait3A_198 : memref<10112x128xf32, #tpu.memory_space<vmem_shared>>)
      %mul3A_199 = arith.constant 64 : i32
      %mul3A_200 = arith.muli %add3A_195, %mul3A_199 : i32
      %add3A_201 = arith.addi %mul3A_29, %mul3A_200 : i32
      "tpu.region"() ({
        %run_scoped3A = tpu.sem_alloc : memref<!tpu.dma_semaphore, #tpu.memory_space<semaphore_mem>>
        %dma_start3A_233 = tpu.memref_slice %arg5[%add3A_201] : memref<320000xi32, #tpu.memory_space<hbm>> -> memref<64xi32, #tpu.memory_space<hbm>>
        %dma_start3A_234 = tpu.memref_slice %arg5[%add3A_201] : memref<320000xi32, #tpu.memory_space<hbm>> -> memref<64xi32, #tpu.memory_space<hbm>>
        tpu.enqueue_dma source(%dma_start3A_234 : memref<64xi32, #tpu.memory_space<hbm>>) target(%arg10 : memref<64xi32, #tpu.memory_space<vmem>>) target_semaphore(%run_scoped3A : memref<!tpu.dma_semaphore, #tpu.memory_space<semaphore_mem>>)
        %dma_wait3A_235 = tpu.memref_slice %arg5[%add3A_201] : memref<320000xi32, #tpu.memory_space<hbm>> -> memref<64xi32, #tpu.memory_space<hbm>>
        %dma_wait3A_236 = tpu.memref_slice %arg5[%add3A_201] : memref<320000xi32, #tpu.memory_space<hbm>> -> memref<64xi32, #tpu.memory_space<hbm>>
        tpu.wait_dma2 semaphore(%run_scoped3A : memref<!tpu.dma_semaphore, #tpu.memory_space<semaphore_mem>>) src(%dma_wait3A_236 : memref<64xi32, #tpu.memory_space<hbm>>) dst(%arg10 : memref<64xi32, #tpu.memory_space<vmem>>)
        tpu.yield
      }) : () -> ()
      "tpu.region"() ({
        %run_scoped3A = tpu.sem_alloc : memref<!tpu.dma_semaphore, #tpu.memory_space<semaphore_mem>>
        %dma_start3A_233 = tpu.memref_slice %arg6[%add3A_201] : memref<320000xi32, #tpu.memory_space<hbm>> -> memref<64xi32, #tpu.memory_space<hbm>>
        %dma_start3A_234 = tpu.memref_slice %arg6[%add3A_201] : memref<320000xi32, #tpu.memory_space<hbm>> -> memref<64xi32, #tpu.memory_space<hbm>>
        tpu.enqueue_dma source(%dma_start3A_234 : memref<64xi32, #tpu.memory_space<hbm>>) target(%arg12 : memref<64xi32, #tpu.memory_space<vmem>>) target_semaphore(%run_scoped3A : memref<!tpu.dma_semaphore, #tpu.memory_space<semaphore_mem>>)
        %dma_wait3A_235 = tpu.memref_slice %arg6[%add3A_201] : memref<320000xi32, #tpu.memory_space<hbm>> -> memref<64xi32, #tpu.memory_space<hbm>>
        %dma_wait3A_236 = tpu.memref_slice %arg6[%add3A_201] : memref<320000xi32, #tpu.memory_space<hbm>> -> memref<64xi32, #tpu.memory_space<hbm>>
        tpu.wait_dma2 semaphore(%run_scoped3A : memref<!tpu.dma_semaphore, #tpu.memory_space<semaphore_mem>>) src(%dma_wait3A_236 : memref<64xi32, #tpu.memory_space<hbm>>) dst(%arg12 : memref<64xi32, #tpu.memory_space<vmem>>)
        tpu.yield
      }) : () -> ()
      %dma_start3A_202 = arith.constant 0 : i32
      %dma_start3A_203 = arith.constant 0 : i32
      %dma_start3A_204 = tpu.memref_slice %arg2[%dma_start3A_202, %dma_start3A_203] : memref<10000x128xf32, #tpu.memory_space<hbm>> -> memref<10000x128xf32, #tpu.memory_space<hbm>>
      tpu.enqueue_indirect_dma source(%dma_start3A_204 : memref<10000x128xf32, #tpu.memory_space<hbm>>) target(%arg14 : memref<64x128xf32, #tpu.memory_space<vmem>>) offsets(%arg10 : memref<64xi32, #tpu.memory_space<vmem>>) semaphore(%arg23 : memref<!tpu.dma_semaphore, #tpu.memory_space<semaphore_mem>>)
      %dma_start3A_205 = arith.constant 0 : i32
      %dma_start3A_206 = arith.constant 0 : i32
      %dma_start3A_207 = tpu.memref_slice %arg3[%dma_start3A_205, %dma_start3A_206] : memref<10000x128xf32, #tpu.memory_space<hbm>> -> memref<10000x128xf32, #tpu.memory_space<hbm>>
      tpu.enqueue_indirect_dma source(%dma_start3A_207 : memref<10000x128xf32, #tpu.memory_space<hbm>>) target(%arg16 : memref<64x128xf32, #tpu.memory_space<vmem>>) offsets(%arg12 : memref<64xi32, #tpu.memory_space<vmem>>) semaphore(%arg25 : memref<!tpu.dma_semaphore, #tpu.memory_space<semaphore_mem>>)
      %dma_start3A_208 = arith.constant 0 : i32
      %dma_start3A_209 = tpu.memref_slice %arg4[%add3A_201, %dma_start3A_208] : memref<320000x64xi32, #tpu.memory_space<hbm>> -> memref<64x64xi32, #tpu.memory_space<hbm>>
      %dma_start3A_210 = arith.constant 0 : i32
      %dma_start3A_211 = tpu.memref_slice %arg4[%add3A_201, %dma_start3A_210] : memref<320000x64xi32, #tpu.memory_space<hbm>> -> memref<64x64xi32, #tpu.memory_space<hbm>>
      tpu.enqueue_dma source(%dma_start3A_211 : memref<64x64xi32, #tpu.memory_space<hbm>>) target(%arg18 : memref<64x64xi32, #tpu.memory_space<vmem>>) target_semaphore(%arg27 : memref<!tpu.dma_semaphore, #tpu.memory_space<semaphore_mem>>)
      %dma_wait3A_212 = arith.constant 0 : i32
      %dma_wait3A_213 = arith.constant 0 : i32
      %dma_wait3A_214 = tpu.memref_slice %arg2[%dma_wait3A_212, %dma_wait3A_213] : memref<10000x128xf32, #tpu.memory_space<hbm>> -> memref<10000x128xf32, #tpu.memory_space<hbm>>
      tpu.wait_indirect_dma semaphore(%arg22 : memref<!tpu.dma_semaphore, #tpu.memory_space<semaphore_mem>>) src(%dma_wait3A_214 : memref<10000x128xf32, #tpu.memory_space<hbm>>) dst(%arg13 : memref<64x128xf32, #tpu.memory_space<vmem>>)
      %dma_wait3A_215 = arith.constant 0 : i32
      %dma_wait3A_216 = arith.constant 0 : i32
      %dma_wait3A_217 = tpu.memref_slice %arg3[%dma_wait3A_215, %dma_wait3A_216] : memref<10000x128xf32, #tpu.memory_space<hbm>> -> memref<10000x128xf32, #tpu.memory_space<hbm>>
      tpu.wait_indirect_dma semaphore(%arg24 : memref<!tpu.dma_semaphore, #tpu.memory_space<semaphore_mem>>) src(%dma_wait3A_217 : memref<10000x128xf32, #tpu.memory_space<hbm>>) dst(%arg15 : memref<64x128xf32, #tpu.memory_space<vmem>>)
      %dma_wait3A_218 = arith.constant 0 : i32
      %dma_wait3A_219 = arith.constant 0 : i32
      %dma_wait3A_220 = tpu.memref_slice %arg4[%dma_wait3A_218, %dma_wait3A_219] : memref<320000x64xi32, #tpu.memory_space<hbm>> -> memref<64x64xi32, #tpu.memory_space<hbm>>
      %dma_wait3A_221 = arith.constant 0 : i32
      %dma_wait3A_222 = arith.constant 0 : i32
      %dma_wait3A_223 = tpu.memref_slice %arg4[%dma_wait3A_221, %dma_wait3A_222] : memref<320000x64xi32, #tpu.memory_space<hbm>> -> memref<64x64xi32, #tpu.memory_space<hbm>>
      tpu.wait_dma2 semaphore(%arg26 : memref<!tpu.dma_semaphore, #tpu.memory_space<semaphore_mem>>) src(%dma_wait3A_223 : memref<64x64xi32, #tpu.memory_space<hbm>>) dst(%arg17 : memref<64x64xi32, #tpu.memory_space<vmem>>)
      %scan3A_224 = arith.constant 0 : i32
      %scan3A_225 = arith.constant 0 : i32
      %scan3A_226 = arith.constant 64 : i32
      %scan3A_227 = arith.addi %scan3A_225, %scan3A_226 : i32
      %scan3A_228 = arith.constant 1 : i32
      scf.for %scan3A_233 = %scan3A_225 to %scan3A_227 step %scan3A_228  : i32 {
        %get3A = arith.index_cast %scan3A_233 : i32 to index
        %get3A_234 = arith.constant 0 : index
        %get3A_235 = tpu.vector_load %arg17[%get3A, %get3A_234] {strides = array<i32>} : memref<64x64xi32, #tpu.memory_space<vmem>>, vector<1x16xi32>,
        %get3A_236 = vector.shape_cast %get3A_235 : vector<1x16xi32> to vector<16xi32>
        %shift_left3A = arith.constant 16 : i32
        %shift_left3A_237 = vector.broadcast %shift_left3A : i32 to vector<16xi32>
        %shift_left3A_238 = arith.shli %get3A_236, %shift_left3A_237 : vector<16xi32>
        %bitcast_convert_type3A = tpu.bitcast %shift_left3A_238 : vector<16xi32> -> vector<16xf32>
        %and3A = arith.constant -65536 : i32
        %and3A_239 = vector.broadcast %and3A : i32 to vector<16xi32>
        %and3A_240 = arith.andi %get3A_236, %and3A_239 : vector<16xi32>
        %bitcast_convert_type3A_241 = tpu.bitcast %and3A_240 : vector<16xi32> -> vector<16xf32>
        %get3A_242 = arith.index_cast %scan3A_233 : i32 to index
        %get3A_243 = arith.constant 0 : index
        %get3A_244 = tpu.vector_load %arg13[%get3A_242, %get3A_243] {strides = array<i32>} : memref<64x128xf32, #tpu.memory_space<vmem>>, vector<1x16xf32>,
        %get3A_245 = vector.shape_cast %get3A_244 : vector<1x16xf32> to vector<16xf32>
        %get3A_246 = arith.index_cast %scan3A_233 : i32 to index
        %get3A_247 = arith.constant 0 : index
        %get3A_248 = tpu.vector_load %arg15[%get3A_246, %get3A_247] {strides = array<i32>} : memref<64x128xf32, #tpu.memory_space<vmem>>, vector<1x16xf32>,
        %get3A_249 = vector.shape_cast %get3A_248 : vector<1x16xf32> to vector<16xf32>
        %add3A_250 = arith.addf %get3A_245, %get3A_249 : vector<16xf32>
        %neg3A = arith.constant 0.000000e+00 : f32
        %neg3A_251 = vector.broadcast %neg3A : f32 to vector<16xf32>
        %neg3A_252 = arith.subf %neg3A_251, %add3A_250 : vector<16xf32>
        %exp3A = math.exp %neg3A_252 : vector<16xf32>
        %add3A_253 = arith.constant 1.000000e+00 : f32
        %add3A_254 = vector.broadcast %add3A_253 : f32 to vector<16xf32>
        %add3A_255 = arith.addf %add3A_254, %exp3A : vector<16xf32>
        %div3A = arith.divf %add3A_250, %add3A_255 : vector<16xf32>
        %mul3A_256 = arith.mulf %div3A, %bitcast_convert_type3A : vector<16xf32>
        %swap3A = arith.index_cast %scan3A_233 : i32 to index
        %swap3A_257 = arith.constant 0 : index
        %swap3A_258 = tpu.vector_load %arg13[%swap3A, %swap3A_257] {strides = array<i32>} : memref<64x128xf32, #tpu.memory_space<vmem>>, vector<1x16xf32>,
        %swap3A_259 = vector.shape_cast %swap3A_258 : vector<1x16xf32> to vector<16xf32>
        %swap3A_260 = vector.shape_cast %mul3A_256 : vector<16xf32> to vector<1x16xf32>
        tpu.vector_store %arg13[%swap3A, %swap3A_257], %swap3A_260 {strides = array<i32>} : memref<64x128xf32, #tpu.memory_space<vmem>>, vector<1x16xf32>,
        %get3A_261 = arith.index_cast %scan3A_233 : i32 to index
        %get3A_262 = arith.constant 16 : index
        %get3A_263 = tpu.vector_load %arg13[%get3A_261, %get3A_262] {strides = array<i32>} : memref<64x128xf32, #tpu.memory_space<vmem>>, vector<1x16xf32>,
        %get3A_264 = vector.shape_cast %get3A_263 : vector<1x16xf32> to vector<16xf32>
        %get3A_265 = arith.index_cast %scan3A_233 : i32 to index
        %get3A_266 = arith.constant 16 : index
        %get3A_267 = tpu.vector_load %arg15[%get3A_265, %get3A_266] {strides = array<i32>} : memref<64x128xf32, #tpu.memory_space<vmem>>, vector<1x16xf32>,
        %get3A_268 = vector.shape_cast %get3A_267 : vector<1x16xf32> to vector<16xf32>
        %add3A_269 = arith.addf %get3A_264, %get3A_268 : vector<16xf32>
        %neg3A_270 = arith.constant 0.000000e+00 : f32
        %neg3A_271 = vector.broadcast %neg3A_270 : f32 to vector<16xf32>
        %neg3A_272 = arith.subf %neg3A_271, %add3A_269 : vector<16xf32>
        %exp3A_273 = math.exp %neg3A_272 : vector<16xf32>
        %add3A_274 = arith.constant 1.000000e+00 : f32
        %add3A_275 = vector.broadcast %add3A_274 : f32 to vector<16xf32>
        %add3A_276 = arith.addf %add3A_275, %exp3A_273 : vector<16xf32>
        %div3A_277 = arith.divf %add3A_269, %add3A_276 : vector<16xf32>
        %mul3A_278 = arith.mulf %div3A_277, %bitcast_convert_type3A_241 : vector<16xf32>
        %swap3A_279 = arith.index_cast %scan3A_233 : i32 to index
        %swap3A_280 = arith.constant 16 : index
        %swap3A_281 = tpu.vector_load %arg13[%swap3A_279, %swap3A_280] {strides = array<i32>} : memref<64x128xf32, #tpu.memory_space<vmem>>, vector<1x16xf32>,
        %swap3A_282 = vector.shape_cast %swap3A_281 : vector<1x16xf32> to vector<16xf32>
        %swap3A_283 = vector.shape_cast %mul3A_278 : vector<16xf32> to vector<1x16xf32>
        tpu.vector_store %arg13[%swap3A_279, %swap3A_280], %swap3A_283 {strides = array<i32>} : memref<64x128xf32, #tpu.memory_space<vmem>>, vector<1x16xf32>,
        %get3A_284 = arith.index_cast %scan3A_233 : i32 to index
        %get3A_285 = arith.constant 16 : index
        %get3A_286 = tpu.vector_load %arg17[%get3A_284, %get3A_285] {strides = array<i32>} : memref<64x64xi32, #tpu.memory_space<vmem>>, vector<1x16xi32>,
        %get3A_287 = vector.shape_cast %get3A_286 : vector<1x16xi32> to vector<16xi32>
        %shift_left3A_288 = arith.constant 16 : i32
        %shift_left3A_289 = vector.broadcast %shift_left3A_288 : i32 to vector<16xi32>
        %shift_left3A_290 = arith.shli %get3A_287, %shift_left3A_289 : vector<16xi32>
        %bitcast_convert_type3A_291 = tpu.bitcast %shift_left3A_290 : vector<16xi32> -> vector<16xf32>
        %and3A_292 = arith.constant -65536 : i32
        %and3A_293 = vector.broadcast %and3A_292 : i32 to vector<16xi32>
        %and3A_294 = arith.andi %get3A_287, %and3A_293 : vector<16xi32>
        %bitcast_convert_type3A_295 = tpu.bitcast %and3A_294 : vector<16xi32> -> vector<16xf32>
        %get3A_296 = arith.index_cast %scan3A_233 : i32 to index
        %get3A_297 = arith.constant 32 : index
        %get3A_298 = tpu.vector_load %arg13[%get3A_296, %get3A_297] {strides = array<i32>} : memref<64x128xf32, #tpu.memory_space<vmem>>, vector<1x16xf32>,
        %get3A_299 = vector.shape_cast %get3A_298 : vector<1x16xf32> to vector<16xf32>
        %get3A_300 = arith.index_cast %scan3A_233 : i32 to index
        %get3A_301 = arith.constant 32 : index
        %get3A_302 = tpu.vector_load %arg15[%get3A_300, %get3A_301] {strides = array<i32>} : memref<64x128xf32, #tpu.memory_space<vmem>>, vector<1x16xf32>,
        %get3A_303 = vector.shape_cast %get3A_302 : vector<1x16xf32> to vector<16xf32>
        %add3A_304 = arith.addf %get3A_299, %get3A_303 : vector<16xf32>
        %neg3A_305 = arith.constant 0.000000e+00 : f32
        %neg3A_306 = vector.broadcast %neg3A_305 : f32 to vector<16xf32>
        %neg3A_307 = arith.subf %neg3A_306, %add3A_304 : vector<16xf32>
        %exp3A_308 = math.exp %neg3A_307 : vector<16xf32>
        %add3A_309 = arith.constant 1.000000e+00 : f32
        %add3A_310 = vector.broadcast %add3A_309 : f32 to vector<16xf32>
        %add3A_311 = arith.addf %add3A_310, %exp3A_308 : vector<16xf32>
        %div3A_312 = arith.divf %add3A_304, %add3A_311 : vector<16xf32>
        %mul3A_313 = arith.mulf %div3A_312, %bitcast_convert_type3A_291 : vector<16xf32>
        %swap3A_314 = arith.index_cast %scan3A_233 : i32 to index
        %swap3A_315 = arith.constant 32 : index
        %swap3A_316 = tpu.vector_load %arg13[%swap3A_314, %swap3A_315] {strides = array<i32>} : memref<64x128xf32, #tpu.memory_space<vmem>>, vector<1x16xf32>,
        %swap3A_317 = vector.shape_cast %swap3A_316 : vector<1x16xf32> to vector<16xf32>
        %swap3A_318 = vector.shape_cast %mul3A_313 : vector<16xf32> to vector<1x16xf32>
        tpu.vector_store %arg13[%swap3A_314, %swap3A_315], %swap3A_318 {strides = array<i32>} : memref<64x128xf32, #tpu.memory_space<vmem>>, vector<1x16xf32>,
        %get3A_319 = arith.index_cast %scan3A_233 : i32 to index
        %get3A_320 = arith.constant 48 : index
        %get3A_321 = tpu.vector_load %arg13[%get3A_319, %get3A_320] {strides = array<i32>} : memref<64x128xf32, #tpu.memory_space<vmem>>, vector<1x16xf32>,
        %get3A_322 = vector.shape_cast %get3A_321 : vector<1x16xf32> to vector<16xf32>
        %get3A_323 = arith.index_cast %scan3A_233 : i32 to index
        %get3A_324 = arith.constant 48 : index
        %get3A_325 = tpu.vector_load %arg15[%get3A_323, %get3A_324] {strides = array<i32>} : memref<64x128xf32, #tpu.memory_space<vmem>>, vector<1x16xf32>,
        %get3A_326 = vector.shape_cast %get3A_325 : vector<1x16xf32> to vector<16xf32>
        %add3A_327 = arith.addf %get3A_322, %get3A_326 : vector<16xf32>
        %neg3A_328 = arith.constant 0.000000e+00 : f32
        %neg3A_329 = vector.broadcast %neg3A_328 : f32 to vector<16xf32>
        %neg3A_330 = arith.subf %neg3A_329, %add3A_327 : vector<16xf32>
        %exp3A_331 = math.exp %neg3A_330 : vector<16xf32>
        %add3A_332 = arith.constant 1.000000e+00 : f32
        %add3A_333 = vector.broadcast %add3A_332 : f32 to vector<16xf32>
        %add3A_334 = arith.addf %add3A_333, %exp3A_331 : vector<16xf32>
        %div3A_335 = arith.divf %add3A_327, %add3A_334 : vector<16xf32>
        %mul3A_336 = arith.mulf %div3A_335, %bitcast_convert_type3A_295 : vector<16xf32>
        %swap3A_337 = arith.index_cast %scan3A_233 : i32 to index
        %swap3A_338 = arith.constant 48 : index
        %swap3A_339 = tpu.vector_load %arg13[%swap3A_337, %swap3A_338] {strides = array<i32>} : memref<64x128xf32, #tpu.memory_space<vmem>>, vector<1x16xf32>,
        %swap3A_340 = vector.shape_cast %swap3A_339 : vector<1x16xf32> to vector<16xf32>
        %swap3A_341 = vector.shape_cast %mul3A_336 : vector<16xf32> to vector<1x16xf32>
        tpu.vector_store %arg13[%swap3A_337, %swap3A_338], %swap3A_341 {strides = array<i32>} : memref<64x128xf32, #tpu.memory_space<vmem>>, vector<1x16xf32>,
        %get3A_342 = arith.index_cast %scan3A_233 : i32 to index
        %get3A_343 = arith.constant 32 : index
        %get3A_344 = tpu.vector_load %arg17[%get3A_342, %get3A_343] {strides = array<i32>} : memref<64x64xi32, #tpu.memory_space<vmem>>, vector<1x16xi32>,
        %get3A_345 = vector.shape_cast %get3A_344 : vector<1x16xi32> to vector<16xi32>
        %shift_left3A_346 = arith.constant 16 : i32
        %shift_left3A_347 = vector.broadcast %shift_left3A_346 : i32 to vector<16xi32>
        %shift_left3A_348 = arith.shli %get3A_345, %shift_left3A_347 : vector<16xi32>
        %bitcast_convert_type3A_349 = tpu.bitcast %shift_left3A_348 : vector<16xi32> -> vector<16xf32>
        %and3A_350 = arith.constant -65536 : i32
        %and3A_351 = vector.broadcast %and3A_350 : i32 to vector<16xi32>
        %and3A_352 = arith.andi %get3A_345, %and3A_351 : vector<16xi32>
        %bitcast_convert_type3A_353 = tpu.bitcast %and3A_352 : vector<16xi32> -> vector<16xf32>
        %get3A_354 = arith.index_cast %scan3A_233 : i32 to index
        %get3A_355 = arith.constant 64 : index
        %get3A_356 = tpu.vector_load %arg13[%get3A_354, %get3A_355] {strides = array<i32>} : memref<64x128xf32, #tpu.memory_space<vmem>>, vector<1x16xf32>,
        %get3A_357 = vector.shape_cast %get3A_356 : vector<1x16xf32> to vector<16xf32>
        %get3A_358 = arith.index_cast %scan3A_233 : i32 to index
        %get3A_359 = arith.constant 64 : index
        %get3A_360 = tpu.vector_load %arg15[%get3A_358, %get3A_359] {strides = array<i32>} : memref<64x128xf32, #tpu.memory_space<vmem>>, vector<1x16xf32>,
        %get3A_361 = vector.shape_cast %get3A_360 : vector<1x16xf32> to vector<16xf32>
        %add3A_362 = arith.addf %get3A_357, %get3A_361 : vector<16xf32>
        %neg3A_363 = arith.constant 0.000000e+00 : f32
        %neg3A_364 = vector.broadcast %neg3A_363 : f32 to vector<16xf32>
        %neg3A_365 = arith.subf %neg3A_364, %add3A_362 : vector<16xf32>
        %exp3A_366 = math.exp %neg3A_365 : vector<16xf32>
        %add3A_367 = arith.constant 1.000000e+00 : f32
        %add3A_368 = vector.broadcast %add3A_367 : f32 to vector<16xf32>
        %add3A_369 = arith.addf %add3A_368, %exp3A_366 : vector<16xf32>
        %div3A_370 = arith.divf %add3A_362, %add3A_369 : vector<16xf32>
        %mul3A_371 = arith.mulf %div3A_370, %bitcast_convert_type3A_349 : vector<16xf32>
        %swap3A_372 = arith.index_cast %scan3A_233 : i32 to index
        %swap3A_373 = arith.constant 64 : index
        %swap3A_374 = tpu.vector_load %arg13[%swap3A_372, %swap3A_373] {strides = array<i32>} : memref<64x128xf32, #tpu.memory_space<vmem>>, vector<1x16xf32>,
        %swap3A_375 = vector.shape_cast %swap3A_374 : vector<1x16xf32> to vector<16xf32>
        %swap3A_376 = vector.shape_cast %mul3A_371 : vector<16xf32> to vector<1x16xf32>
        tpu.vector_store %arg13[%swap3A_372, %swap3A_373], %swap3A_376 {strides = array<i32>} : memref<64x128xf32, #tpu.memory_space<vmem>>, vector<1x16xf32>,
        %get3A_377 = arith.index_cast %scan3A_233 : i32 to index
        %get3A_378 = arith.constant 80 : index
        %get3A_379 = tpu.vector_load %arg13[%get3A_377, %get3A_378] {strides = array<i32>} : memref<64x128xf32, #tpu.memory_space<vmem>>, vector<1x16xf32>,
        %get3A_380 = vector.shape_cast %get3A_379 : vector<1x16xf32> to vector<16xf32>
        %get3A_381 = arith.index_cast %scan3A_233 : i32 to index
        %get3A_382 = arith.constant 80 : index
        %get3A_383 = tpu.vector_load %arg15[%get3A_381, %get3A_382] {strides = array<i32>} : memref<64x128xf32, #tpu.memory_space<vmem>>, vector<1x16xf32>,
        %get3A_384 = vector.shape_cast %get3A_383 : vector<1x16xf32> to vector<16xf32>
        %add3A_385 = arith.addf %get3A_380, %get3A_384 : vector<16xf32>
        %neg3A_386 = arith.constant 0.000000e+00 : f32
        %neg3A_387 = vector.broadcast %neg3A_386 : f32 to vector<16xf32>
        %neg3A_388 = arith.subf %neg3A_387, %add3A_385 : vector<16xf32>
        %exp3A_389 = math.exp %neg3A_388 : vector<16xf32>
        %add3A_390 = arith.constant 1.000000e+00 : f32
        %add3A_391 = vector.broadcast %add3A_390 : f32 to vector<16xf32>
        %add3A_392 = arith.addf %add3A_391, %exp3A_389 : vector<16xf32>
        %div3A_393 = arith.divf %add3A_385, %add3A_392 : vector<16xf32>
        %mul3A_394 = arith.mulf %div3A_393, %bitcast_convert_type3A_353 : vector<16xf32>
        %swap3A_395 = arith.index_cast %scan3A_233 : i32 to index
        %swap3A_396 = arith.constant 80 : index
        %swap3A_397 = tpu.vector_load %arg13[%swap3A_395, %swap3A_396] {strides = array<i32>} : memref<64x128xf32, #tpu.memory_space<vmem>>, vector<1x16xf32>,
        %swap3A_398 = vector.shape_cast %swap3A_397 : vector<1x16xf32> to vector<16xf32>
        %swap3A_399 = vector.shape_cast %mul3A_394 : vector<16xf32> to vector<1x16xf32>
        tpu.vector_store %arg13[%swap3A_395, %swap3A_396], %swap3A_399 {strides = array<i32>} : memref<64x128xf32, #tpu.memory_space<vmem>>, vector<1x16xf32>,
        %get3A_400 = arith.index_cast %scan3A_233 : i32 to index
        %get3A_401 = arith.constant 48 : index
        %get3A_402 = tpu.vector_load %arg17[%get3A_400, %get3A_401] {strides = array<i32>} : memref<64x64xi32, #tpu.memory_space<vmem>>, vector<1x16xi32>,
        %get3A_403 = vector.shape_cast %get3A_402 : vector<1x16xi32> to vector<16xi32>
        %shift_left3A_404 = arith.constant 16 : i32
        %shift_left3A_405 = vector.broadcast %shift_left3A_404 : i32 to vector<16xi32>
        %shift_left3A_406 = arith.shli %get3A_403, %shift_left3A_405 : vector<16xi32>
        %bitcast_convert_type3A_407 = tpu.bitcast %shift_left3A_406 : vector<16xi32> -> vector<16xf32>
        %and3A_408 = arith.constant -65536 : i32
        %and3A_409 = vector.broadcast %and3A_408 : i32 to vector<16xi32>
        %and3A_410 = arith.andi %get3A_403, %and3A_409 : vector<16xi32>
        %bitcast_convert_type3A_411 = tpu.bitcast %and3A_410 : vector<16xi32> -> vector<16xf32>
        %get3A_412 = arith.index_cast %scan3A_233 : i32 to index
        %get3A_413 = arith.constant 96 : index
        %get3A_414 = tpu.vector_load %arg13[%get3A_412, %get3A_413] {strides = array<i32>} : memref<64x128xf32, #tpu.memory_space<vmem>>, vector<1x16xf32>,
        %get3A_415 = vector.shape_cast %get3A_414 : vector<1x16xf32> to vector<16xf32>
        %get3A_416 = arith.index_cast %scan3A_233 : i32 to index
        %get3A_417 = arith.constant 96 : index
        %get3A_418 = tpu.vector_load %arg15[%get3A_416, %get3A_417] {strides = array<i32>} : memref<64x128xf32, #tpu.memory_space<vmem>>, vector<1x16xf32>,
        %get3A_419 = vector.shape_cast %get3A_418 : vector<1x16xf32> to vector<16xf32>
        %add3A_420 = arith.addf %get3A_415, %get3A_419 : vector<16xf32>
        %neg3A_421 = arith.constant 0.000000e+00 : f32
        %neg3A_422 = vector.broadcast %neg3A_421 : f32 to vector<16xf32>
        %neg3A_423 = arith.subf %neg3A_422, %add3A_420 : vector<16xf32>
        %exp3A_424 = math.exp %neg3A_423 : vector<16xf32>
        %add3A_425 = arith.constant 1.000000e+00 : f32
        %add3A_426 = vector.broadcast %add3A_425 : f32 to vector<16xf32>
        %add3A_427 = arith.addf %add3A_426, %exp3A_424 : vector<16xf32>
        %div3A_428 = arith.divf %add3A_420, %add3A_427 : vector<16xf32>
        %mul3A_429 = arith.mulf %div3A_428, %bitcast_convert_type3A_407 : vector<16xf32>
        %swap3A_430 = arith.index_cast %scan3A_233 : i32 to index
        %swap3A_431 = arith.constant 96 : index
        %swap3A_432 = tpu.vector_load %arg13[%swap3A_430, %swap3A_431] {strides = array<i32>} : memref<64x128xf32, #tpu.memory_space<vmem>>, vector<1x16xf32>,
        %swap3A_433 = vector.shape_cast %swap3A_432 : vector<1x16xf32> to vector<16xf32>
        %swap3A_434 = vector.shape_cast %mul3A_429 : vector<16xf32> to vector<1x16xf32>
        tpu.vector_store %arg13[%swap3A_430, %swap3A_431], %swap3A_434 {strides = array<i32>} : memref<64x128xf32, #tpu.memory_space<vmem>>, vector<1x16xf32>,
        %get3A_435 = arith.index_cast %scan3A_233 : i32 to index
        %get3A_436 = arith.constant 112 : index
        %get3A_437 = tpu.vector_load %arg13[%get3A_435, %get3A_436] {strides = array<i32>} : memref<64x128xf32, #tpu.memory_space<vmem>>, vector<1x16xf32>,
        %get3A_438 = vector.shape_cast %get3A_437 : vector<1x16xf32> to vector<16xf32>
        %get3A_439 = arith.index_cast %scan3A_233 : i32 to index
        %get3A_440 = arith.constant 112 : index
        %get3A_441 = tpu.vector_load %arg15[%get3A_439, %get3A_440] {strides = array<i32>} : memref<64x128xf32, #tpu.memory_space<vmem>>, vector<1x16xf32>,
        %get3A_442 = vector.shape_cast %get3A_441 : vector<1x16xf32> to vector<16xf32>
        %add3A_443 = arith.addf %get3A_438, %get3A_442 : vector<16xf32>
        %neg3A_444 = arith.constant 0.000000e+00 : f32
        %neg3A_445 = vector.broadcast %neg3A_444 : f32 to vector<16xf32>
        %neg3A_446 = arith.subf %neg3A_445, %add3A_443 : vector<16xf32>
        %exp3A_447 = math.exp %neg3A_446 : vector<16xf32>
        %add3A_448 = arith.constant 1.000000e+00 : f32
        %add3A_449 = vector.broadcast %add3A_448 : f32 to vector<16xf32>
        %add3A_450 = arith.addf %add3A_449, %exp3A_447 : vector<16xf32>
        %div3A_451 = arith.divf %add3A_443, %add3A_450 : vector<16xf32>
        %mul3A_452 = arith.mulf %div3A_451, %bitcast_convert_type3A_411 : vector<16xf32>
        %swap3A_453 = arith.index_cast %scan3A_233 : i32 to index
        %swap3A_454 = arith.constant 112 : index
        %swap3A_455 = tpu.vector_load %arg13[%swap3A_453, %swap3A_454] {strides = array<i32>} : memref<64x128xf32, #tpu.memory_space<vmem>>, vector<1x16xf32>,
        %swap3A_456 = vector.shape_cast %swap3A_455 : vector<1x16xf32> to vector<16xf32>
        %swap3A_457 = vector.shape_cast %mul3A_452 : vector<16xf32> to vector<1x16xf32>
        tpu.vector_store %arg13[%swap3A_453, %swap3A_454], %swap3A_457 {strides = array<i32>} : memref<64x128xf32, #tpu.memory_space<vmem>>, vector<1x16xf32>,
      }
      %scan3A_229 = arith.constant 64 : i32
      %dma_start3A_230 = arith.constant 0 : i32
      %dma_start3A_231 = arith.constant 0 : i32
      %dma_start3A_232 = tpu.memref_slice %arg21[%dma_start3A_230, %dma_start3A_231] : memref<10112x128xf32, #tpu.memory_space<vmem_shared>> -> memref<10112x128xf32, #tpu.memory_space<vmem_shared>>
      tpu.enqueue_indirect_dma source(%arg13 : memref<64x128xf32, #tpu.memory_space<vmem>>) target(%dma_start3A_232 : memref<10112x128xf32, #tpu.memory_space<vmem_shared>>) offsets(%arg11 : memref<64xi32, #tpu.memory_space<vmem>>) semaphore(%arg28 : memref<!tpu.dma_semaphore, #tpu.memory_space<semaphore_mem>>) {add = true}
    }
    %scan3A_78 = arith.constant 77 : i32
    %dma_wait3A_79 = arith.constant 0 : i32
    %dma_wait3A_80 = arith.constant 0 : i32
    %dma_wait3A_81 = tpu.memref_slice %arg2[%dma_wait3A_79, %dma_wait3A_80] : memref<10000x128xf32, #tpu.memory_space<hbm>> -> memref<10000x128xf32, #tpu.memory_space<hbm>>
    tpu.wait_indirect_dma semaphore(%arg23 : memref<!tpu.dma_semaphore, #tpu.memory_space<semaphore_mem>>) src(%dma_wait3A_81 : memref<10000x128xf32, #tpu.memory_space<hbm>>) dst(%arg14 : memref<64x128xf32, #tpu.memory_space<vmem>>)
    %dma_wait3A_82 = arith.constant 0 : i32
    %dma_wait3A_83 = arith.constant 0 : i32
    %dma_wait3A_84 = tpu.memref_slice %arg3[%dma_wait3A_82, %dma_wait3A_83] : memref<10000x128xf32, #tpu.memory_space<hbm>> -> memref<10000x128xf32, #tpu.memory_space<hbm>>
    tpu.wait_indirect_dma semaphore(%arg25 : memref<!tpu.dma_semaphore, #tpu.memory_space<semaphore_mem>>) src(%dma_wait3A_84 : memref<10000x128xf32, #tpu.memory_space<hbm>>) dst(%arg16 : memref<64x128xf32, #tpu.memory_space<vmem>>)
    %dma_wait3A_85 = arith.constant 0 : i32
    %dma_wait3A_86 = arith.constant 0 : i32
    %dma_wait3A_87 = tpu.memref_slice %arg4[%dma_wait3A_85, %dma_wait3A_86] : memref<320000x64xi32, #tpu.memory_space<hbm>> -> memref<64x64xi32, #tpu.memory_space<hbm>>
    %dma_wait3A_88 = arith.constant 0 : i32
    %dma_wait3A_89 = arith.constant 0 : i32
    %dma_wait3A_90 = tpu.memref_slice %arg4[%dma_wait3A_88, %dma_wait3A_89] : memref<320000x64xi32, #tpu.memory_space<hbm>> -> memref<64x64xi32, #tpu.memory_space<hbm>>
    tpu.wait_dma2 semaphore(%arg27 : memref<!tpu.dma_semaphore, #tpu.memory_space<semaphore_mem>>) src(%dma_wait3A_90 : memref<64x64xi32, #tpu.memory_space<hbm>>) dst(%arg18 : memref<64x64xi32, #tpu.memory_space<vmem>>)
    %scan3A_91 = arith.constant 0 : i32
    %scan3A_92 = arith.constant 0 : i32
    %scan3A_93 = arith.constant 64 : i32
    %scan3A_94 = arith.addi %scan3A_92, %scan3A_93 : i32
    %scan3A_95 = arith.constant 1 : i32
    scf.for %scan3A_146 = %scan3A_92 to %scan3A_94 step %scan3A_95  : i32 {
      %get3A = arith.index_cast %scan3A_146 : i32 to index
      %get3A_147 = arith.constant 0 : index
      %get3A_148 = tpu.vector_load %arg18[%get3A, %get3A_147] {strides = array<i32>} : memref<64x64xi32, #tpu.memory_space<vmem>>, vector<1x16xi32>,
      %get3A_149 = vector.shape_cast %get3A_148 : vector<1x16xi32> to vector<16xi32>
      %shift_left3A = arith.constant 16 : i32
      %shift_left3A_150 = vector.broadcast %shift_left3A : i32 to vector<16xi32>
      %shift_left3A_151 = arith.shli %get3A_149, %shift_left3A_150 : vector<16xi32>
      %bitcast_convert_type3A = tpu.bitcast %shift_left3A_151 : vector<16xi32> -> vector<16xf32>
      %and3A = arith.constant -65536 : i32
      %and3A_152 = vector.broadcast %and3A : i32 to vector<16xi32>
      %and3A_153 = arith.andi %get3A_149, %and3A_152 : vector<16xi32>
      %bitcast_convert_type3A_154 = tpu.bitcast %and3A_153 : vector<16xi32> -> vector<16xf32>
      %get3A_155 = arith.index_cast %scan3A_146 : i32 to index
      %get3A_156 = arith.constant 0 : index
      %get3A_157 = tpu.vector_load %arg14[%get3A_155, %get3A_156] {strides = array<i32>} : memref<64x128xf32, #tpu.memory_space<vmem>>, vector<1x16xf32>,
      %get3A_158 = vector.shape_cast %get3A_157 : vector<1x16xf32> to vector<16xf32>
      %get3A_159 = arith.index_cast %scan3A_146 : i32 to index
      %get3A_160 = arith.constant 0 : index
      %get3A_161 = tpu.vector_load %arg16[%get3A_159, %get3A_160] {strides = array<i32>} : memref<64x128xf32, #tpu.memory_space<vmem>>, vector<1x16xf32>,
      %get3A_162 = vector.shape_cast %get3A_161 : vector<1x16xf32> to vector<16xf32>
      %add3A_163 = arith.addf %get3A_158, %get3A_162 : vector<16xf32>
      %neg3A = arith.constant 0.000000e+00 : f32
      %neg3A_164 = vector.broadcast %neg3A : f32 to vector<16xf32>
      %neg3A_165 = arith.subf %neg3A_164, %add3A_163 : vector<16xf32>
      %exp3A = math.exp %neg3A_165 : vector<16xf32>
      %add3A_166 = arith.constant 1.000000e+00 : f32
      %add3A_167 = vector.broadcast %add3A_166 : f32 to vector<16xf32>
      %add3A_168 = arith.addf %add3A_167, %exp3A : vector<16xf32>
      %div3A = arith.divf %add3A_163, %add3A_168 : vector<16xf32>
      %mul3A_169 = arith.mulf %div3A, %bitcast_convert_type3A : vector<16xf32>
      %swap3A = arith.index_cast %scan3A_146 : i32 to index
      %swap3A_170 = arith.constant 0 : index
      %swap3A_171 = tpu.vector_load %arg14[%swap3A, %swap3A_170] {strides = array<i32>} : memref<64x128xf32, #tpu.memory_space<vmem>>, vector<1x16xf32>,
      %swap3A_172 = vector.shape_cast %swap3A_171 : vector<1x16xf32> to vector<16xf32>
      %swap3A_173 = vector.shape_cast %mul3A_169 : vector<16xf32> to vector<1x16xf32>
      tpu.vector_store %arg14[%swap3A, %swap3A_170], %swap3A_173 {strides = array<i32>} : memref<64x128xf32, #tpu.memory_space<vmem>>, vector<1x16xf32>,
      %get3A_174 = arith.index_cast %scan3A_146 : i32 to index
      %get3A_175 = arith.constant 16 : index
      %get3A_176 = tpu.vector_load %arg14[%get3A_174, %get3A_175] {strides = array<i32>} : memref<64x128xf32, #tpu.memory_space<vmem>>, vector<1x16xf32>,
      %get3A_177 = vector.shape_cast %get3A_176 : vector<1x16xf32> to vector<16xf32>
      %get3A_178 = arith.index_cast %scan3A_146 : i32 to index
      %get3A_179 = arith.constant 16 : index
      %get3A_180 = tpu.vector_load %arg16[%get3A_178, %get3A_179] {strides = array<i32>} : memref<64x128xf32, #tpu.memory_space<vmem>>, vector<1x16xf32>,
      %get3A_181 = vector.shape_cast %get3A_180 : vector<1x16xf32> to vector<16xf32>
      %add3A_182 = arith.addf %get3A_177, %get3A_181 : vector<16xf32>
      %neg3A_183 = arith.constant 0.000000e+00 : f32
      %neg3A_184 = vector.broadcast %neg3A_183 : f32 to vector<16xf32>
      %neg3A_185 = arith.subf %neg3A_184, %add3A_182 : vector<16xf32>
      %exp3A_186 = math.exp %neg3A_185 : vector<16xf32>
      %add3A_187 = arith.constant 1.000000e+00 : f32
      %add3A_188 = vector.broadcast %add3A_187 : f32 to vector<16xf32>
      %add3A_189 = arith.addf %add3A_188, %exp3A_186 : vector<16xf32>
      %div3A_190 = arith.divf %add3A_182, %add3A_189 : vector<16xf32>
      %mul3A_191 = arith.mulf %div3A_190, %bitcast_convert_type3A_154 : vector<16xf32>
      %swap3A_192 = arith.index_cast %scan3A_146 : i32 to index
      %swap3A_193 = arith.constant 16 : index
      %swap3A_194 = tpu.vector_load %arg14[%swap3A_192, %swap3A_193] {strides = array<i32>} : memref<64x128xf32, #tpu.memory_space<vmem>>, vector<1x16xf32>,
      %swap3A_195 = vector.shape_cast %swap3A_194 : vector<1x16xf32> to vector<16xf32>
      %swap3A_196 = vector.shape_cast %mul3A_191 : vector<16xf32> to vector<1x16xf32>
      tpu.vector_store %arg14[%swap3A_192, %swap3A_193], %swap3A_196 {strides = array<i32>} : memref<64x128xf32, #tpu.memory_space<vmem>>, vector<1x16xf32>,
      %get3A_197 = arith.index_cast %scan3A_146 : i32 to index
      %get3A_198 = arith.constant 16 : index
      %get3A_199 = tpu.vector_load %arg18[%get3A_197, %get3A_198] {strides = array<i32>} : memref<64x64xi32, #tpu.memory_space<vmem>>, vector<1x16xi32>,
      %get3A_200 = vector.shape_cast %get3A_199 : vector<1x16xi32> to vector<16xi32>
      %shift_left3A_201 = arith.constant 16 : i32
      %shift_left3A_202 = vector.broadcast %shift_left3A_201 : i32 to vector<16xi32>
      %shift_left3A_203 = arith.shli %get3A_200, %shift_left3A_202 : vector<16xi32>
      %bitcast_convert_type3A_204 = tpu.bitcast %shift_left3A_203 : vector<16xi32> -> vector<16xf32>
      %and3A_205 = arith.constant -65536 : i32
      %and3A_206 = vector.broadcast %and3A_205 : i32 to vector<16xi32>
      %and3A_207 = arith.andi %get3A_200, %and3A_206 : vector<16xi32>
      %bitcast_convert_type3A_208 = tpu.bitcast %and3A_207 : vector<16xi32> -> vector<16xf32>
      %get3A_209 = arith.index_cast %scan3A_146 : i32 to index
      %get3A_210 = arith.constant 32 : index
      %get3A_211 = tpu.vector_load %arg14[%get3A_209, %get3A_210] {strides = array<i32>} : memref<64x128xf32, #tpu.memory_space<vmem>>, vector<1x16xf32>,
      %get3A_212 = vector.shape_cast %get3A_211 : vector<1x16xf32> to vector<16xf32>
      %get3A_213 = arith.index_cast %scan3A_146 : i32 to index
      %get3A_214 = arith.constant 32 : index
      %get3A_215 = tpu.vector_load %arg16[%get3A_213, %get3A_214] {strides = array<i32>} : memref<64x128xf32, #tpu.memory_space<vmem>>, vector<1x16xf32>,
      %get3A_216 = vector.shape_cast %get3A_215 : vector<1x16xf32> to vector<16xf32>
      %add3A_217 = arith.addf %get3A_212, %get3A_216 : vector<16xf32>
      %neg3A_218 = arith.constant 0.000000e+00 : f32
      %neg3A_219 = vector.broadcast %neg3A_218 : f32 to vector<16xf32>
      %neg3A_220 = arith.subf %neg3A_219, %add3A_217 : vector<16xf32>
      %exp3A_221 = math.exp %neg3A_220 : vector<16xf32>
      %add3A_222 = arith.constant 1.000000e+00 : f32
      %add3A_223 = vector.broadcast %add3A_222 : f32 to vector<16xf32>
      %add3A_224 = arith.addf %add3A_223, %exp3A_221 : vector<16xf32>
      %div3A_225 = arith.divf %add3A_217, %add3A_224 : vector<16xf32>
      %mul3A_226 = arith.mulf %div3A_225, %bitcast_convert_type3A_204 : vector<16xf32>
      %swap3A_227 = arith.index_cast %scan3A_146 : i32 to index
      %swap3A_228 = arith.constant 32 : index
      %swap3A_229 = tpu.vector_load %arg14[%swap3A_227, %swap3A_228] {strides = array<i32>} : memref<64x128xf32, #tpu.memory_space<vmem>>, vector<1x16xf32>,
      %swap3A_230 = vector.shape_cast %swap3A_229 : vector<1x16xf32> to vector<16xf32>
      %swap3A_231 = vector.shape_cast %mul3A_226 : vector<16xf32> to vector<1x16xf32>
      tpu.vector_store %arg14[%swap3A_227, %swap3A_228], %swap3A_231 {strides = array<i32>} : memref<64x128xf32, #tpu.memory_space<vmem>>, vector<1x16xf32>,
      %get3A_232 = arith.index_cast %scan3A_146 : i32 to index
      %get3A_233 = arith.constant 48 : index
      %get3A_234 = tpu.vector_load %arg14[%get3A_232, %get3A_233] {strides = array<i32>} : memref<64x128xf32, #tpu.memory_space<vmem>>, vector<1x16xf32>,
      %get3A_235 = vector.shape_cast %get3A_234 : vector<1x16xf32> to vector<16xf32>
      %get3A_236 = arith.index_cast %scan3A_146 : i32 to index
      %get3A_237 = arith.constant 48 : index
      %get3A_238 = tpu.vector_load %arg16[%get3A_236, %get3A_237] {strides = array<i32>} : memref<64x128xf32, #tpu.memory_space<vmem>>, vector<1x16xf32>,
      %get3A_239 = vector.shape_cast %get3A_238 : vector<1x16xf32> to vector<16xf32>
      %add3A_240 = arith.addf %get3A_235, %get3A_239 : vector<16xf32>
      %neg3A_241 = arith.constant 0.000000e+00 : f32
      %neg3A_242 = vector.broadcast %neg3A_241 : f32 to vector<16xf32>
      %neg3A_243 = arith.subf %neg3A_242, %add3A_240 : vector<16xf32>
      %exp3A_244 = math.exp %neg3A_243 : vector<16xf32>
      %add3A_245 = arith.constant 1.000000e+00 : f32
      %add3A_246 = vector.broadcast %add3A_245 : f32 to vector<16xf32>
      %add3A_247 = arith.addf %add3A_246, %exp3A_244 : vector<16xf32>
      %div3A_248 = arith.divf %add3A_240, %add3A_247 : vector<16xf32>
      %mul3A_249 = arith.mulf %div3A_248, %bitcast_convert_type3A_208 : vector<16xf32>
      %swap3A_250 = arith.index_cast %scan3A_146 : i32 to index
      %swap3A_251 = arith.constant 48 : index
      %swap3A_252 = tpu.vector_load %arg14[%swap3A_250, %swap3A_251] {strides = array<i32>} : memref<64x128xf32, #tpu.memory_space<vmem>>, vector<1x16xf32>,
      %swap3A_253 = vector.shape_cast %swap3A_252 : vector<1x16xf32> to vector<16xf32>
      %swap3A_254 = vector.shape_cast %mul3A_249 : vector<16xf32> to vector<1x16xf32>
      tpu.vector_store %arg14[%swap3A_250, %swap3A_251], %swap3A_254 {strides = array<i32>} : memref<64x128xf32, #tpu.memory_space<vmem>>, vector<1x16xf32>,
      %get3A_255 = arith.index_cast %scan3A_146 : i32 to index
      %get3A_256 = arith.constant 32 : index
      %get3A_257 = tpu.vector_load %arg18[%get3A_255, %get3A_256] {strides = array<i32>} : memref<64x64xi32, #tpu.memory_space<vmem>>, vector<1x16xi32>,
      %get3A_258 = vector.shape_cast %get3A_257 : vector<1x16xi32> to vector<16xi32>
      %shift_left3A_259 = arith.constant 16 : i32
      %shift_left3A_260 = vector.broadcast %shift_left3A_259 : i32 to vector<16xi32>
      %shift_left3A_261 = arith.shli %get3A_258, %shift_left3A_260 : vector<16xi32>
      %bitcast_convert_type3A_262 = tpu.bitcast %shift_left3A_261 : vector<16xi32> -> vector<16xf32>
      %and3A_263 = arith.constant -65536 : i32
      %and3A_264 = vector.broadcast %and3A_263 : i32 to vector<16xi32>
      %and3A_265 = arith.andi %get3A_258, %and3A_264 : vector<16xi32>
      %bitcast_convert_type3A_266 = tpu.bitcast %and3A_265 : vector<16xi32> -> vector<16xf32>
      %get3A_267 = arith.index_cast %scan3A_146 : i32 to index
      %get3A_268 = arith.constant 64 : index
      %get3A_269 = tpu.vector_load %arg14[%get3A_267, %get3A_268] {strides = array<i32>} : memref<64x128xf32, #tpu.memory_space<vmem>>, vector<1x16xf32>,
      %get3A_270 = vector.shape_cast %get3A_269 : vector<1x16xf32> to vector<16xf32>
      %get3A_271 = arith.index_cast %scan3A_146 : i32 to index
      %get3A_272 = arith.constant 64 : index
      %get3A_273 = tpu.vector_load %arg16[%get3A_271, %get3A_272] {strides = array<i32>} : memref<64x128xf32, #tpu.memory_space<vmem>>, vector<1x16xf32>,
      %get3A_274 = vector.shape_cast %get3A_273 : vector<1x16xf32> to vector<16xf32>
      %add3A_275 = arith.addf %get3A_270, %get3A_274 : vector<16xf32>
      %neg3A_276 = arith.constant 0.000000e+00 : f32
      %neg3A_277 = vector.broadcast %neg3A_276 : f32 to vector<16xf32>
      %neg3A_278 = arith.subf %neg3A_277, %add3A_275 : vector<16xf32>
      %exp3A_279 = math.exp %neg3A_278 : vector<16xf32>
      %add3A_280 = arith.constant 1.000000e+00 : f32
      %add3A_281 = vector.broadcast %add3A_280 : f32 to vector<16xf32>
      %add3A_282 = arith.addf %add3A_281, %exp3A_279 : vector<16xf32>
      %div3A_283 = arith.divf %add3A_275, %add3A_282 : vector<16xf32>
      %mul3A_284 = arith.mulf %div3A_283, %bitcast_convert_type3A_262 : vector<16xf32>
      %swap3A_285 = arith.index_cast %scan3A_146 : i32 to index
      %swap3A_286 = arith.constant 64 : index
      %swap3A_287 = tpu.vector_load %arg14[%swap3A_285, %swap3A_286] {strides = array<i32>} : memref<64x128xf32, #tpu.memory_space<vmem>>, vector<1x16xf32>,
      %swap3A_288 = vector.shape_cast %swap3A_287 : vector<1x16xf32> to vector<16xf32>
      %swap3A_289 = vector.shape_cast %mul3A_284 : vector<16xf32> to vector<1x16xf32>
      tpu.vector_store %arg14[%swap3A_285, %swap3A_286], %swap3A_289 {strides = array<i32>} : memref<64x128xf32, #tpu.memory_space<vmem>>, vector<1x16xf32>,
      %get3A_290 = arith.index_cast %scan3A_146 : i32 to index
      %get3A_291 = arith.constant 80 : index
      %get3A_292 = tpu.vector_load %arg14[%get3A_290, %get3A_291] {strides = array<i32>} : memref<64x128xf32, #tpu.memory_space<vmem>>, vector<1x16xf32>,
      %get3A_293 = vector.shape_cast %get3A_292 : vector<1x16xf32> to vector<16xf32>
      %get3A_294 = arith.index_cast %scan3A_146 : i32 to index
      %get3A_295 = arith.constant 80 : index
      %get3A_296 = tpu.vector_load %arg16[%get3A_294, %get3A_295] {strides = array<i32>} : memref<64x128xf32, #tpu.memory_space<vmem>>, vector<1x16xf32>,
      %get3A_297 = vector.shape_cast %get3A_296 : vector<1x16xf32> to vector<16xf32>
      %add3A_298 = arith.addf %get3A_293, %get3A_297 : vector<16xf32>
      %neg3A_299 = arith.constant 0.000000e+00 : f32
      %neg3A_300 = vector.broadcast %neg3A_299 : f32 to vector<16xf32>
      %neg3A_301 = arith.subf %neg3A_300, %add3A_298 : vector<16xf32>
      %exp3A_302 = math.exp %neg3A_301 : vector<16xf32>
      %add3A_303 = arith.constant 1.000000e+00 : f32
      %add3A_304 = vector.broadcast %add3A_303 : f32 to vector<16xf32>
      %add3A_305 = arith.addf %add3A_304, %exp3A_302 : vector<16xf32>
      %div3A_306 = arith.divf %add3A_298, %add3A_305 : vector<16xf32>
      %mul3A_307 = arith.mulf %div3A_306, %bitcast_convert_type3A_266 : vector<16xf32>
      %swap3A_308 = arith.index_cast %scan3A_146 : i32 to index
      %swap3A_309 = arith.constant 80 : index
      %swap3A_310 = tpu.vector_load %arg14[%swap3A_308, %swap3A_309] {strides = array<i32>} : memref<64x128xf32, #tpu.memory_space<vmem>>, vector<1x16xf32>,
      %swap3A_311 = vector.shape_cast %swap3A_310 : vector<1x16xf32> to vector<16xf32>
      %swap3A_312 = vector.shape_cast %mul3A_307 : vector<16xf32> to vector<1x16xf32>
      tpu.vector_store %arg14[%swap3A_308, %swap3A_309], %swap3A_312 {strides = array<i32>} : memref<64x128xf32, #tpu.memory_space<vmem>>, vector<1x16xf32>,
      %get3A_313 = arith.index_cast %scan3A_146 : i32 to index
      %get3A_314 = arith.constant 48 : index
      %get3A_315 = tpu.vector_load %arg18[%get3A_313, %get3A_314] {strides = array<i32>} : memref<64x64xi32, #tpu.memory_space<vmem>>, vector<1x16xi32>,
      %get3A_316 = vector.shape_cast %get3A_315 : vector<1x16xi32> to vector<16xi32>
      %shift_left3A_317 = arith.constant 16 : i32
      %shift_left3A_318 = vector.broadcast %shift_left3A_317 : i32 to vector<16xi32>
      %shift_left3A_319 = arith.shli %get3A_316, %shift_left3A_318 : vector<16xi32>
      %bitcast_convert_type3A_320 = tpu.bitcast %shift_left3A_319 : vector<16xi32> -> vector<16xf32>
      %and3A_321 = arith.constant -65536 : i32
      %and3A_322 = vector.broadcast %and3A_321 : i32 to vector<16xi32>
      %and3A_323 = arith.andi %get3A_316, %and3A_322 : vector<16xi32>
      %bitcast_convert_type3A_324 = tpu.bitcast %and3A_323 : vector<16xi32> -> vector<16xf32>
      %get3A_325 = arith.index_cast %scan3A_146 : i32 to index
      %get3A_326 = arith.constant 96 : index
      %get3A_327 = tpu.vector_load %arg14[%get3A_325, %get3A_326] {strides = array<i32>} : memref<64x128xf32, #tpu.memory_space<vmem>>, vector<1x16xf32>,
      %get3A_328 = vector.shape_cast %get3A_327 : vector<1x16xf32> to vector<16xf32>
      %get3A_329 = arith.index_cast %scan3A_146 : i32 to index
      %get3A_330 = arith.constant 96 : index
      %get3A_331 = tpu.vector_load %arg16[%get3A_329, %get3A_330] {strides = array<i32>} : memref<64x128xf32, #tpu.memory_space<vmem>>, vector<1x16xf32>,
      %get3A_332 = vector.shape_cast %get3A_331 : vector<1x16xf32> to vector<16xf32>
      %add3A_333 = arith.addf %get3A_328, %get3A_332 : vector<16xf32>
      %neg3A_334 = arith.constant 0.000000e+00 : f32
      %neg3A_335 = vector.broadcast %neg3A_334 : f32 to vector<16xf32>
      %neg3A_336 = arith.subf %neg3A_335, %add3A_333 : vector<16xf32>
      %exp3A_337 = math.exp %neg3A_336 : vector<16xf32>
      %add3A_338 = arith.constant 1.000000e+00 : f32
      %add3A_339 = vector.broadcast %add3A_338 : f32 to vector<16xf32>
      %add3A_340 = arith.addf %add3A_339, %exp3A_337 : vector<16xf32>
      %div3A_341 = arith.divf %add3A_333, %add3A_340 : vector<16xf32>
      %mul3A_342 = arith.mulf %div3A_341, %bitcast_convert_type3A_320 : vector<16xf32>
      %swap3A_343 = arith.index_cast %scan3A_146 : i32 to index
      %swap3A_344 = arith.constant 96 : index
      %swap3A_345 = tpu.vector_load %arg14[%swap3A_343, %swap3A_344] {strides = array<i32>} : memref<64x128xf32, #tpu.memory_space<vmem>>, vector<1x16xf32>,
      %swap3A_346 = vector.shape_cast %swap3A_345 : vector<1x16xf32> to vector<16xf32>
      %swap3A_347 = vector.shape_cast %mul3A_342 : vector<16xf32> to vector<1x16xf32>
      tpu.vector_store %arg14[%swap3A_343, %swap3A_344], %swap3A_347 {strides = array<i32>} : memref<64x128xf32, #tpu.memory_space<vmem>>, vector<1x16xf32>,
      %get3A_348 = arith.index_cast %scan3A_146 : i32 to index
      %get3A_349 = arith.constant 112 : index
      %get3A_350 = tpu.vector_load %arg14[%get3A_348, %get3A_349] {strides = array<i32>} : memref<64x128xf32, #tpu.memory_space<vmem>>, vector<1x16xf32>,
      %get3A_351 = vector.shape_cast %get3A_350 : vector<1x16xf32> to vector<16xf32>
      %get3A_352 = arith.index_cast %scan3A_146 : i32 to index
      %get3A_353 = arith.constant 112 : index
      %get3A_354 = tpu.vector_load %arg16[%get3A_352, %get3A_353] {strides = array<i32>} : memref<64x128xf32, #tpu.memory_space<vmem>>, vector<1x16xf32>,
      %get3A_355 = vector.shape_cast %get3A_354 : vector<1x16xf32> to vector<16xf32>
      %add3A_356 = arith.addf %get3A_351, %get3A_355 : vector<16xf32>
      %neg3A_357 = arith.constant 0.000000e+00 : f32
      %neg3A_358 = vector.broadcast %neg3A_357 : f32 to vector<16xf32>
      %neg3A_359 = arith.subf %neg3A_358, %add3A_356 : vector<16xf32>
      %exp3A_360 = math.exp %neg3A_359 : vector<16xf32>
      %add3A_361 = arith.constant 1.000000e+00 : f32
      %add3A_362 = vector.broadcast %add3A_361 : f32 to vector<16xf32>
      %add3A_363 = arith.addf %add3A_362, %exp3A_360 : vector<16xf32>
      %div3A_364 = arith.divf %add3A_356, %add3A_363 : vector<16xf32>
      %mul3A_365 = arith.mulf %div3A_364, %bitcast_convert_type3A_324 : vector<16xf32>
      %swap3A_366 = arith.index_cast %scan3A_146 : i32 to index
      %swap3A_367 = arith.constant 112 : index
      %swap3A_368 = tpu.vector_load %arg14[%swap3A_366, %swap3A_367] {strides = array<i32>} : memref<64x128xf32, #tpu.memory_space<vmem>>, vector<1x16xf32>,
      %swap3A_369 = vector.shape_cast %swap3A_368 : vector<1x16xf32> to vector<16xf32>
      %swap3A_370 = vector.shape_cast %mul3A_365 : vector<16xf32> to vector<1x16xf32>
      tpu.vector_store %arg14[%swap3A_366, %swap3A_367], %swap3A_370 {strides = array<i32>} : memref<64x128xf32, #tpu.memory_space<vmem>>, vector<1x16xf32>,
    }
    %scan3A_96 = arith.constant 64 : i32
    %dma_start3A_97 = arith.constant 0 : i32
    %dma_start3A_98 = arith.constant 0 : i32
    %dma_start3A_99 = tpu.memref_slice %arg21[%dma_start3A_97, %dma_start3A_98] : memref<10112x128xf32, #tpu.memory_space<vmem_shared>> -> memref<10112x128xf32, #tpu.memory_space<vmem_shared>>
    tpu.enqueue_indirect_dma source(%arg14 : memref<64x128xf32, #tpu.memory_space<vmem>>) target(%dma_start3A_99 : memref<10112x128xf32, #tpu.memory_space<vmem_shared>>) offsets(%arg12 : memref<64xi32, #tpu.memory_space<vmem>>) semaphore(%arg29 : memref<!tpu.dma_semaphore, #tpu.memory_space<semaphore_mem>>) {add = true}
    %dma_wait3A_100 = arith.constant 0 : i32
    %dma_wait3A_101 = arith.constant 0 : i32
    %dma_wait3A_102 = tpu.memref_slice %arg21[%dma_wait3A_100, %dma_wait3A_101] : memref<10112x128xf32, #tpu.memory_space<vmem_shared>> -> memref<10112x128xf32, #tpu.memory_space<vmem_shared>>
    tpu.wait_indirect_dma semaphore(%arg28 : memref<!tpu.dma_semaphore, #tpu.memory_space<semaphore_mem>>) src(%arg13 : memref<64x128xf32, #tpu.memory_space<vmem>>) dst(%dma_wait3A_102 : memref<10112x128xf32, #tpu.memory_space<vmem_shared>>)
    %dma_wait3A_103 = arith.constant 0 : i32
    %dma_wait3A_104 = arith.constant 0 : i32
    %dma_wait3A_105 = tpu.memref_slice %arg21[%dma_wait3A_103, %dma_wait3A_104] : memref<10112x128xf32, #tpu.memory_space<vmem_shared>> -> memref<10112x128xf32, #tpu.memory_space<vmem_shared>>
    tpu.wait_indirect_dma semaphore(%arg29 : memref<!tpu.dma_semaphore, #tpu.memory_space<semaphore_mem>>) src(%arg14 : memref<64x128xf32, #tpu.memory_space<vmem>>) dst(%dma_wait3A_105 : memref<10112x128xf32, #tpu.memory_space<vmem_shared>>)
    %add3A_106 = arith.constant 9984 : i32
    %add3A_107 = arith.addi %mul3A_29, %add3A_106 : i32
    "tpu.region"() ({
      %run_scoped3A = tpu.sem_alloc : memref<!tpu.dma_semaphore, #tpu.memory_space<semaphore_mem>>
      %dma_start3A_146 = tpu.memref_slice %arg5[%add3A_107] : memref<320000xi32, #tpu.memory_space<hbm>> -> memref<16xi32, #tpu.memory_space<hbm>>
      %dma_start3A_147 = tpu.memref_slice %arg5[%add3A_107] : memref<320000xi32, #tpu.memory_space<hbm>> -> memref<16xi32, #tpu.memory_space<hbm>>
      tpu.enqueue_dma source(%dma_start3A_147 : memref<16xi32, #tpu.memory_space<hbm>>) target(%arg19 : memref<16xi32, #tpu.memory_space<vmem>>) target_semaphore(%run_scoped3A : memref<!tpu.dma_semaphore, #tpu.memory_space<semaphore_mem>>)
      %dma_wait3A_148 = tpu.memref_slice %arg5[%add3A_107] : memref<320000xi32, #tpu.memory_space<hbm>> -> memref<16xi32, #tpu.memory_space<hbm>>
      %dma_wait3A_149 = tpu.memref_slice %arg5[%add3A_107] : memref<320000xi32, #tpu.memory_space<hbm>> -> memref<16xi32, #tpu.memory_space<hbm>>
      tpu.wait_dma2 semaphore(%run_scoped3A : memref<!tpu.dma_semaphore, #tpu.memory_space<semaphore_mem>>) src(%dma_wait3A_149 : memref<16xi32, #tpu.memory_space<hbm>>) dst(%arg19 : memref<16xi32, #tpu.memory_space<vmem>>)
      tpu.yield
    }) : () -> ()
    "tpu.region"() ({
      %run_scoped3A = tpu.sem_alloc : memref<!tpu.dma_semaphore, #tpu.memory_space<semaphore_mem>>
      %dma_start3A_146 = tpu.memref_slice %arg6[%add3A_107] : memref<320000xi32, #tpu.memory_space<hbm>> -> memref<16xi32, #tpu.memory_space<hbm>>
      %dma_start3A_147 = tpu.memref_slice %arg6[%add3A_107] : memref<320000xi32, #tpu.memory_space<hbm>> -> memref<16xi32, #tpu.memory_space<hbm>>
      tpu.enqueue_dma source(%dma_start3A_147 : memref<16xi32, #tpu.memory_space<hbm>>) target(%arg20 : memref<16xi32, #tpu.memory_space<vmem>>) target_semaphore(%run_scoped3A : memref<!tpu.dma_semaphore, #tpu.memory_space<semaphore_mem>>)
      %dma_wait3A_148 = tpu.memref_slice %arg6[%add3A_107] : memref<320000xi32, #tpu.memory_space<hbm>> -> memref<16xi32, #tpu.memory_space<hbm>>
      %dma_wait3A_149 = tpu.memref_slice %arg6[%add3A_107] : memref<320000xi32, #tpu.memory_space<hbm>> -> memref<16xi32, #tpu.memory_space<hbm>>
      tpu.wait_dma2 semaphore(%run_scoped3A : memref<!tpu.dma_semaphore, #tpu.memory_space<semaphore_mem>>) src(%dma_wait3A_149 : memref<16xi32, #tpu.memory_space<hbm>>) dst(%arg20 : memref<16xi32, #tpu.memory_space<vmem>>)
      tpu.yield
    }) : () -> ()
    %dma_start3A_108 = arith.constant 0 : i32
    %dma_start3A_109 = arith.constant 0 : i32
    %dma_start3A_110 = tpu.memref_slice %arg13[%dma_start3A_108, %dma_start3A_109] : memref<64x128xf32, #tpu.memory_space<vmem>> -> memref<16x128xf32, #tpu.memory_space<vmem>>
    %dma_start3A_111 = arith.constant 0 : i32
    %dma_start3A_112 = arith.constant 0 : i32
    %dma_start3A_113 = tpu.memref_slice %arg2[%dma_start3A_111, %dma_start3A_112] : memref<10000x128xf32, #tpu.memory_space<hbm>> -> memref<10000x128xf32, #tpu.memory_space<hbm>>
    tpu.enqueue_indirect_dma source(%dma_start3A_113 : memref<10000x128xf32, #tpu.memory_space<hbm>>) target(%dma_start3A_110 : memref<16x128xf32, #tpu.memory_space<vmem>>) offsets(%arg19 : memref<16xi32, #tpu.memory_space<vmem>>) semaphore(%arg22 : memref<!tpu.dma_semaphore, #tpu.memory_space<semaphore_mem>>)
    %dma_wait3A_114 = arith.constant 0 : i32
    %dma_wait3A_115 = arith.constant 0 : i32
    %dma_wait3A_116 = tpu.memref_slice %arg13[%dma_wait3A_114, %dma_wait3A_115] : memref<64x128xf32, #tpu.memory_space<vmem>> -> memref<16x128xf32, #tpu.memory_space<vmem>>
    %dma_wait3A_117 = arith.constant 0 : i32
    %dma_wait3A_118 = arith.constant 0 : i32
    %dma_wait3A_119 = tpu.memref_slice %arg2[%dma_wait3A_117, %dma_wait3A_118] : memref<10000x128xf32, #tpu.memory_space<hbm>> -> memref<10000x128xf32, #tpu.memory_space<hbm>>
    tpu.wait_indirect_dma semaphore(%arg22 : memref<!tpu.dma_semaphore, #tpu.memory_space<semaphore_mem>>) src(%dma_wait3A_119 : memref<10000x128xf32, #tpu.memory_space<hbm>>) dst(%dma_wait3A_116 : memref<16x128xf32, #tpu.memory_space<vmem>>)
    %dma_start3A_120 = arith.constant 0 : i32
    %dma_start3A_121 = arith.constant 0 : i32
    %dma_start3A_122 = tpu.memref_slice %arg15[%dma_start3A_120, %dma_start3A_121] : memref<64x128xf32, #tpu.memory_space<vmem>> -> memref<16x128xf32, #tpu.memory_space<vmem>>
    %dma_start3A_123 = arith.constant 0 : i32
    %dma_start3A_124 = arith.constant 0 : i32
    %dma_start3A_125 = tpu.memref_slice %arg3[%dma_start3A_123, %dma_start3A_124] : memref<10000x128xf32, #tpu.memory_space<hbm>> -> memref<10000x128xf32, #tpu.memory_space<hbm>>
    tpu.enqueue_indirect_dma source(%dma_start3A_125 : memref<10000x128xf32, #tpu.memory_space<hbm>>) target(%dma_start3A_122 : memref<16x128xf32, #tpu.memory_space<vmem>>) offsets(%arg20 : memref<16xi32, #tpu.memory_space<vmem>>) semaphore(%arg24 : memref<!tpu.dma_semaphore, #tpu.memory_space<semaphore_mem>>)
    %dma_wait3A_126 = arith.constant 0 : i32
    %dma_wait3A_127 = arith.constant 0 : i32
    %dma_wait3A_128 = tpu.memref_slice %arg15[%dma_wait3A_126, %dma_wait3A_127] : memref<64x128xf32, #tpu.memory_space<vmem>> -> memref<16x128xf32, #tpu.memory_space<vmem>>
    %dma_wait3A_129 = arith.constant 0 : i32
    %dma_wait3A_130 = arith.constant 0 : i32
    %dma_wait3A_131 = tpu.memref_slice %arg3[%dma_wait3A_129, %dma_wait3A_130] : memref<10000x128xf32, #tpu.memory_space<hbm>> -> memref<10000x128xf32, #tpu.memory_space<hbm>>
    tpu.wait_indirect_dma semaphore(%arg24 : memref<!tpu.dma_semaphore, #tpu.memory_space<semaphore_mem>>) src(%dma_wait3A_131 : memref<10000x128xf32, #tpu.memory_space<hbm>>) dst(%dma_wait3A_128 : memref<16x128xf32, #tpu.memory_space<vmem>>)
    "tpu.region"() ({
      %run_scoped3A = tpu.sem_alloc : memref<!tpu.dma_semaphore, #tpu.memory_space<semaphore_mem>>
      %dma_start3A_146 = arith.constant 0 : i32
      %dma_start3A_147 = arith.constant 0 : i32
      %dma_start3A_148 = tpu.memref_slice %arg17[%dma_start3A_146, %dma_start3A_147] : memref<64x64xi32, #tpu.memory_space<vmem>> -> memref<16x64xi32, #tpu.memory_space<vmem>>
      %dma_start3A_149 = arith.constant 0 : i32
      %dma_start3A_150 = tpu.memref_slice %arg4[%add3A_107, %dma_start3A_149] : memref<320000x64xi32, #tpu.memory_space<hbm>> -> memref<16x64xi32, #tpu.memory_space<hbm>>
      %dma_start3A_151 = arith.constant 0 : i32
      %dma_start3A_152 = arith.constant 0 : i32
      %dma_start3A_153 = tpu.memref_slice %arg17[%dma_start3A_151, %dma_start3A_152] : memref<64x64xi32, #tpu.memory_space<vmem>> -> memref<16x64xi32, #tpu.memory_space<vmem>>
      %dma_start3A_154 = arith.constant 0 : i32
      %dma_start3A_155 = tpu.memref_slice %arg4[%add3A_107, %dma_start3A_154] : memref<320000x64xi32, #tpu.memory_space<hbm>> -> memref<16x64xi32, #tpu.memory_space<hbm>>
      tpu.enqueue_dma source(%dma_start3A_155 : memref<16x64xi32, #tpu.memory_space<hbm>>) target(%dma_start3A_153 : memref<16x64xi32, #tpu.memory_space<vmem>>) target_semaphore(%run_scoped3A : memref<!tpu.dma_semaphore, #tpu.memory_space<semaphore_mem>>)
      %dma_wait3A_156 = arith.constant 0 : i32
      %dma_wait3A_157 = arith.constant 0 : i32
      %dma_wait3A_158 = tpu.memref_slice %arg17[%dma_wait3A_156, %dma_wait3A_157] : memref<64x64xi32, #tpu.memory_space<vmem>> -> memref<16x64xi32, #tpu.memory_space<vmem>>
      %dma_wait3A_159 = arith.constant 0 : i32
      %dma_wait3A_160 = tpu.memref_slice %arg4[%add3A_107, %dma_wait3A_159] : memref<320000x64xi32, #tpu.memory_space<hbm>> -> memref<16x64xi32, #tpu.memory_space<hbm>>
      %dma_wait3A_161 = arith.constant 0 : i32
      %dma_wait3A_162 = arith.constant 0 : i32
      %dma_wait3A_163 = tpu.memref_slice %arg17[%dma_wait3A_161, %dma_wait3A_162] : memref<64x64xi32, #tpu.memory_space<vmem>> -> memref<16x64xi32, #tpu.memory_space<vmem>>
      %dma_wait3A_164 = arith.constant 0 : i32
      %dma_wait3A_165 = tpu.memref_slice %arg4[%add3A_107, %dma_wait3A_164] : memref<320000x64xi32, #tpu.memory_space<hbm>> -> memref<16x64xi32, #tpu.memory_space<hbm>>
      tpu.wait_dma2 semaphore(%run_scoped3A : memref<!tpu.dma_semaphore, #tpu.memory_space<semaphore_mem>>) src(%dma_wait3A_165 : memref<16x64xi32, #tpu.memory_space<hbm>>) dst(%dma_wait3A_163 : memref<16x64xi32, #tpu.memory_space<vmem>>)
      tpu.yield
    }) : () -> ()
    %scan3A_132 = arith.constant 0 : i32
    %scan3A_133 = arith.constant 0 : i32
    %scan3A_134 = arith.constant 16 : i32
    %scan3A_135 = arith.addi %scan3A_133, %scan3A_134 : i32
    %scan3A_136 = arith.constant 1 : i32
    scf.for %scan3A_146 = %scan3A_133 to %scan3A_135 step %scan3A_136  : i32 {
      %get3A = arith.index_cast %scan3A_146 : i32 to index
      %get3A_147 = arith.constant 0 : index
      %get3A_148 = tpu.vector_load %arg17[%get3A, %get3A_147] {strides = array<i32>} : memref<64x64xi32, #tpu.memory_space<vmem>>, vector<1x16xi32>,
      %get3A_149 = vector.shape_cast %get3A_148 : vector<1x16xi32> to vector<16xi32>
      %shift_left3A = arith.constant 16 : i32
      %shift_left3A_150 = vector.broadcast %shift_left3A : i32 to vector<16xi32>
      %shift_left3A_151 = arith.shli %get3A_149, %shift_left3A_150 : vector<16xi32>
      %bitcast_convert_type3A = tpu.bitcast %shift_left3A_151 : vector<16xi32> -> vector<16xf32>
      %and3A = arith.constant -65536 : i32
      %and3A_152 = vector.broadcast %and3A : i32 to vector<16xi32>
      %and3A_153 = arith.andi %get3A_149, %and3A_152 : vector<16xi32>
      %bitcast_convert_type3A_154 = tpu.bitcast %and3A_153 : vector<16xi32> -> vector<16xf32>
      %get3A_155 = arith.index_cast %scan3A_146 : i32 to index
      %get3A_156 = arith.constant 0 : index
      %get3A_157 = tpu.vector_load %arg13[%get3A_155, %get3A_156] {strides = array<i32>} : memref<64x128xf32, #tpu.memory_space<vmem>>, vector<1x16xf32>,
      %get3A_158 = vector.shape_cast %get3A_157 : vector<1x16xf32> to vector<16xf32>
      %get3A_159 = arith.index_cast %scan3A_146 : i32 to index
      %get3A_160 = arith.constant 0 : index
      %get3A_161 = tpu.vector_load %arg15[%get3A_159, %get3A_160] {strides = array<i32>} : memref<64x128xf32, #tpu.memory_space<vmem>>, vector<1x16xf32>,
      %get3A_162 = vector.shape_cast %get3A_161 : vector<1x16xf32> to vector<16xf32>
      %add3A_163 = arith.addf %get3A_158, %get3A_162 : vector<16xf32>
      %neg3A = arith.constant 0.000000e+00 : f32
      %neg3A_164 = vector.broadcast %neg3A : f32 to vector<16xf32>
      %neg3A_165 = arith.subf %neg3A_164, %add3A_163 : vector<16xf32>
      %exp3A = math.exp %neg3A_165 : vector<16xf32>
      %add3A_166 = arith.constant 1.000000e+00 : f32
      %add3A_167 = vector.broadcast %add3A_166 : f32 to vector<16xf32>
      %add3A_168 = arith.addf %add3A_167, %exp3A : vector<16xf32>
      %div3A = arith.divf %add3A_163, %add3A_168 : vector<16xf32>
      %mul3A_169 = arith.mulf %div3A, %bitcast_convert_type3A : vector<16xf32>
      %swap3A = arith.index_cast %scan3A_146 : i32 to index
      %swap3A_170 = arith.constant 0 : index
      %swap3A_171 = tpu.vector_load %arg13[%swap3A, %swap3A_170] {strides = array<i32>} : memref<64x128xf32, #tpu.memory_space<vmem>>, vector<1x16xf32>,
      %swap3A_172 = vector.shape_cast %swap3A_171 : vector<1x16xf32> to vector<16xf32>
      %swap3A_173 = vector.shape_cast %mul3A_169 : vector<16xf32> to vector<1x16xf32>
      tpu.vector_store %arg13[%swap3A, %swap3A_170], %swap3A_173 {strides = array<i32>} : memref<64x128xf32, #tpu.memory_space<vmem>>, vector<1x16xf32>,
      %get3A_174 = arith.index_cast %scan3A_146 : i32 to index
      %get3A_175 = arith.constant 16 : index
      %get3A_176 = tpu.vector_load %arg13[%get3A_174, %get3A_175] {strides = array<i32>} : memref<64x128xf32, #tpu.memory_space<vmem>>, vector<1x16xf32>,
      %get3A_177 = vector.shape_cast %get3A_176 : vector<1x16xf32> to vector<16xf32>
      %get3A_178 = arith.index_cast %scan3A_146 : i32 to index
      %get3A_179 = arith.constant 16 : index
      %get3A_180 = tpu.vector_load %arg15[%get3A_178, %get3A_179] {strides = array<i32>} : memref<64x128xf32, #tpu.memory_space<vmem>>, vector<1x16xf32>,
      %get3A_181 = vector.shape_cast %get3A_180 : vector<1x16xf32> to vector<16xf32>
      %add3A_182 = arith.addf %get3A_177, %get3A_181 : vector<16xf32>
      %neg3A_183 = arith.constant 0.000000e+00 : f32
      %neg3A_184 = vector.broadcast %neg3A_183 : f32 to vector<16xf32>
      %neg3A_185 = arith.subf %neg3A_184, %add3A_182 : vector<16xf32>
      %exp3A_186 = math.exp %neg3A_185 : vector<16xf32>
      %add3A_187 = arith.constant 1.000000e+00 : f32
      %add3A_188 = vector.broadcast %add3A_187 : f32 to vector<16xf32>
      %add3A_189 = arith.addf %add3A_188, %exp3A_186 : vector<16xf32>
      %div3A_190 = arith.divf %add3A_182, %add3A_189 : vector<16xf32>
      %mul3A_191 = arith.mulf %div3A_190, %bitcast_convert_type3A_154 : vector<16xf32>
      %swap3A_192 = arith.index_cast %scan3A_146 : i32 to index
      %swap3A_193 = arith.constant 16 : index
      %swap3A_194 = tpu.vector_load %arg13[%swap3A_192, %swap3A_193] {strides = array<i32>} : memref<64x128xf32, #tpu.memory_space<vmem>>, vector<1x16xf32>,
      %swap3A_195 = vector.shape_cast %swap3A_194 : vector<1x16xf32> to vector<16xf32>
      %swap3A_196 = vector.shape_cast %mul3A_191 : vector<16xf32> to vector<1x16xf32>
      tpu.vector_store %arg13[%swap3A_192, %swap3A_193], %swap3A_196 {strides = array<i32>} : memref<64x128xf32, #tpu.memory_space<vmem>>, vector<1x16xf32>,
      %get3A_197 = arith.index_cast %scan3A_146 : i32 to index
      %get3A_198 = arith.constant 16 : index
      %get3A_199 = tpu.vector_load %arg17[%get3A_197, %get3A_198] {strides = array<i32>} : memref<64x64xi32, #tpu.memory_space<vmem>>, vector<1x16xi32>,
      %get3A_200 = vector.shape_cast %get3A_199 : vector<1x16xi32> to vector<16xi32>
      %shift_left3A_201 = arith.constant 16 : i32
      %shift_left3A_202 = vector.broadcast %shift_left3A_201 : i32 to vector<16xi32>
      %shift_left3A_203 = arith.shli %get3A_200, %shift_left3A_202 : vector<16xi32>
      %bitcast_convert_type3A_204 = tpu.bitcast %shift_left3A_203 : vector<16xi32> -> vector<16xf32>
      %and3A_205 = arith.constant -65536 : i32
      %and3A_206 = vector.broadcast %and3A_205 : i32 to vector<16xi32>
      %and3A_207 = arith.andi %get3A_200, %and3A_206 : vector<16xi32>
      %bitcast_convert_type3A_208 = tpu.bitcast %and3A_207 : vector<16xi32> -> vector<16xf32>
      %get3A_209 = arith.index_cast %scan3A_146 : i32 to index
      %get3A_210 = arith.constant 32 : index
      %get3A_211 = tpu.vector_load %arg13[%get3A_209, %get3A_210] {strides = array<i32>} : memref<64x128xf32, #tpu.memory_space<vmem>>, vector<1x16xf32>,
      %get3A_212 = vector.shape_cast %get3A_211 : vector<1x16xf32> to vector<16xf32>
      %get3A_213 = arith.index_cast %scan3A_146 : i32 to index
      %get3A_214 = arith.constant 32 : index
      %get3A_215 = tpu.vector_load %arg15[%get3A_213, %get3A_214] {strides = array<i32>} : memref<64x128xf32, #tpu.memory_space<vmem>>, vector<1x16xf32>,
      %get3A_216 = vector.shape_cast %get3A_215 : vector<1x16xf32> to vector<16xf32>
      %add3A_217 = arith.addf %get3A_212, %get3A_216 : vector<16xf32>
      %neg3A_218 = arith.constant 0.000000e+00 : f32
      %neg3A_219 = vector.broadcast %neg3A_218 : f32 to vector<16xf32>
      %neg3A_220 = arith.subf %neg3A_219, %add3A_217 : vector<16xf32>
      %exp3A_221 = math.exp %neg3A_220 : vector<16xf32>
      %add3A_222 = arith.constant 1.000000e+00 : f32
      %add3A_223 = vector.broadcast %add3A_222 : f32 to vector<16xf32>
      %add3A_224 = arith.addf %add3A_223, %exp3A_221 : vector<16xf32>
      %div3A_225 = arith.divf %add3A_217, %add3A_224 : vector<16xf32>
      %mul3A_226 = arith.mulf %div3A_225, %bitcast_convert_type3A_204 : vector<16xf32>
      %swap3A_227 = arith.index_cast %scan3A_146 : i32 to index
      %swap3A_228 = arith.constant 32 : index
      %swap3A_229 = tpu.vector_load %arg13[%swap3A_227, %swap3A_228] {strides = array<i32>} : memref<64x128xf32, #tpu.memory_space<vmem>>, vector<1x16xf32>,
      %swap3A_230 = vector.shape_cast %swap3A_229 : vector<1x16xf32> to vector<16xf32>
      %swap3A_231 = vector.shape_cast %mul3A_226 : vector<16xf32> to vector<1x16xf32>
      tpu.vector_store %arg13[%swap3A_227, %swap3A_228], %swap3A_231 {strides = array<i32>} : memref<64x128xf32, #tpu.memory_space<vmem>>, vector<1x16xf32>,
      %get3A_232 = arith.index_cast %scan3A_146 : i32 to index
      %get3A_233 = arith.constant 48 : index
      %get3A_234 = tpu.vector_load %arg13[%get3A_232, %get3A_233] {strides = array<i32>} : memref<64x128xf32, #tpu.memory_space<vmem>>, vector<1x16xf32>,
      %get3A_235 = vector.shape_cast %get3A_234 : vector<1x16xf32> to vector<16xf32>
      %get3A_236 = arith.index_cast %scan3A_146 : i32 to index
      %get3A_237 = arith.constant 48 : index
      %get3A_238 = tpu.vector_load %arg15[%get3A_236, %get3A_237] {strides = array<i32>} : memref<64x128xf32, #tpu.memory_space<vmem>>, vector<1x16xf32>,
      %get3A_239 = vector.shape_cast %get3A_238 : vector<1x16xf32> to vector<16xf32>
      %add3A_240 = arith.addf %get3A_235, %get3A_239 : vector<16xf32>
      %neg3A_241 = arith.constant 0.000000e+00 : f32
      %neg3A_242 = vector.broadcast %neg3A_241 : f32 to vector<16xf32>
      %neg3A_243 = arith.subf %neg3A_242, %add3A_240 : vector<16xf32>
      %exp3A_244 = math.exp %neg3A_243 : vector<16xf32>
      %add3A_245 = arith.constant 1.000000e+00 : f32
      %add3A_246 = vector.broadcast %add3A_245 : f32 to vector<16xf32>
      %add3A_247 = arith.addf %add3A_246, %exp3A_244 : vector<16xf32>
      %div3A_248 = arith.divf %add3A_240, %add3A_247 : vector<16xf32>
      %mul3A_249 = arith.mulf %div3A_248, %bitcast_convert_type3A_208 : vector<16xf32>
      %swap3A_250 = arith.index_cast %scan3A_146 : i32 to index
      %swap3A_251 = arith.constant 48 : index
      %swap3A_252 = tpu.vector_load %arg13[%swap3A_250, %swap3A_251] {strides = array<i32>} : memref<64x128xf32, #tpu.memory_space<vmem>>, vector<1x16xf32>,
      %swap3A_253 = vector.shape_cast %swap3A_252 : vector<1x16xf32> to vector<16xf32>
      %swap3A_254 = vector.shape_cast %mul3A_249 : vector<16xf32> to vector<1x16xf32>
      tpu.vector_store %arg13[%swap3A_250, %swap3A_251], %swap3A_254 {strides = array<i32>} : memref<64x128xf32, #tpu.memory_space<vmem>>, vector<1x16xf32>,
      %get3A_255 = arith.index_cast %scan3A_146 : i32 to index
      %get3A_256 = arith.constant 32 : index
      %get3A_257 = tpu.vector_load %arg17[%get3A_255, %get3A_256] {strides = array<i32>} : memref<64x64xi32, #tpu.memory_space<vmem>>, vector<1x16xi32>,
      %get3A_258 = vector.shape_cast %get3A_257 : vector<1x16xi32> to vector<16xi32>
      %shift_left3A_259 = arith.constant 16 : i32
      %shift_left3A_260 = vector.broadcast %shift_left3A_259 : i32 to vector<16xi32>
      %shift_left3A_261 = arith.shli %get3A_258, %shift_left3A_260 : vector<16xi32>
      %bitcast_convert_type3A_262 = tpu.bitcast %shift_left3A_261 : vector<16xi32> -> vector<16xf32>
      %and3A_263 = arith.constant -65536 : i32
      %and3A_264 = vector.broadcast %and3A_263 : i32 to vector<16xi32>
      %and3A_265 = arith.andi %get3A_258, %and3A_264 : vector<16xi32>
      %bitcast_convert_type3A_266 = tpu.bitcast %and3A_265 : vector<16xi32> -> vector<16xf32>
      %get3A_267 = arith.index_cast %scan3A_146 : i32 to index
      %get3A_268 = arith.constant 64 : index
      %get3A_269 = tpu.vector_load %arg13[%get3A_267, %get3A_268] {strides = array<i32>} : memref<64x128xf32, #tpu.memory_space<vmem>>, vector<1x16xf32>,
      %get3A_270 = vector.shape_cast %get3A_269 : vector<1x16xf32> to vector<16xf32>
      %get3A_271 = arith.index_cast %scan3A_146 : i32 to index
      %get3A_272 = arith.constant 64 : index
      %get3A_273 = tpu.vector_load %arg15[%get3A_271, %get3A_272] {strides = array<i32>} : memref<64x128xf32, #tpu.memory_space<vmem>>, vector<1x16xf32>,
      %get3A_274 = vector.shape_cast %get3A_273 : vector<1x16xf32> to vector<16xf32>
      %add3A_275 = arith.addf %get3A_270, %get3A_274 : vector<16xf32>
      %neg3A_276 = arith.constant 0.000000e+00 : f32
      %neg3A_277 = vector.broadcast %neg3A_276 : f32 to vector<16xf32>
      %neg3A_278 = arith.subf %neg3A_277, %add3A_275 : vector<16xf32>
      %exp3A_279 = math.exp %neg3A_278 : vector<16xf32>
      %add3A_280 = arith.constant 1.000000e+00 : f32
      %add3A_281 = vector.broadcast %add3A_280 : f32 to vector<16xf32>
      %add3A_282 = arith.addf %add3A_281, %exp3A_279 : vector<16xf32>
      %div3A_283 = arith.divf %add3A_275, %add3A_282 : vector<16xf32>
      %mul3A_284 = arith.mulf %div3A_283, %bitcast_convert_type3A_262 : vector<16xf32>
      %swap3A_285 = arith.index_cast %scan3A_146 : i32 to index
      %swap3A_286 = arith.constant 64 : index
      %swap3A_287 = tpu.vector_load %arg13[%swap3A_285, %swap3A_286] {strides = array<i32>} : memref<64x128xf32, #tpu.memory_space<vmem>>, vector<1x16xf32>,
      %swap3A_288 = vector.shape_cast %swap3A_287 : vector<1x16xf32> to vector<16xf32>
      %swap3A_289 = vector.shape_cast %mul3A_284 : vector<16xf32> to vector<1x16xf32>
      tpu.vector_store %arg13[%swap3A_285, %swap3A_286], %swap3A_289 {strides = array<i32>} : memref<64x128xf32, #tpu.memory_space<vmem>>, vector<1x16xf32>,
      %get3A_290 = arith.index_cast %scan3A_146 : i32 to index
      %get3A_291 = arith.constant 80 : index
      %get3A_292 = tpu.vector_load %arg13[%get3A_290, %get3A_291] {strides = array<i32>} : memref<64x128xf32, #tpu.memory_space<vmem>>, vector<1x16xf32>,
      %get3A_293 = vector.shape_cast %get3A_292 : vector<1x16xf32> to vector<16xf32>
      %get3A_294 = arith.index_cast %scan3A_146 : i32 to index
      %get3A_295 = arith.constant 80 : index
      %get3A_296 = tpu.vector_load %arg15[%get3A_294, %get3A_295] {strides = array<i32>} : memref<64x128xf32, #tpu.memory_space<vmem>>, vector<1x16xf32>,
      %get3A_297 = vector.shape_cast %get3A_296 : vector<1x16xf32> to vector<16xf32>
      %add3A_298 = arith.addf %get3A_293, %get3A_297 : vector<16xf32>
      %neg3A_299 = arith.constant 0.000000e+00 : f32
      %neg3A_300 = vector.broadcast %neg3A_299 : f32 to vector<16xf32>
      %neg3A_301 = arith.subf %neg3A_300, %add3A_298 : vector<16xf32>
      %exp3A_302 = math.exp %neg3A_301 : vector<16xf32>
      %add3A_303 = arith.constant 1.000000e+00 : f32
      %add3A_304 = vector.broadcast %add3A_303 : f32 to vector<16xf32>
      %add3A_305 = arith.addf %add3A_304, %exp3A_302 : vector<16xf32>
      %div3A_306 = arith.divf %add3A_298, %add3A_305 : vector<16xf32>
      %mul3A_307 = arith.mulf %div3A_306, %bitcast_convert_type3A_266 : vector<16xf32>
      %swap3A_308 = arith.index_cast %scan3A_146 : i32 to index
      %swap3A_309 = arith.constant 80 : index
      %swap3A_310 = tpu.vector_load %arg13[%swap3A_308, %swap3A_309] {strides = array<i32>} : memref<64x128xf32, #tpu.memory_space<vmem>>, vector<1x16xf32>,
      %swap3A_311 = vector.shape_cast %swap3A_310 : vector<1x16xf32> to vector<16xf32>
      %swap3A_312 = vector.shape_cast %mul3A_307 : vector<16xf32> to vector<1x16xf32>
      tpu.vector_store %arg13[%swap3A_308, %swap3A_309], %swap3A_312 {strides = array<i32>} : memref<64x128xf32, #tpu.memory_space<vmem>>, vector<1x16xf32>,
      %get3A_313 = arith.index_cast %scan3A_146 : i32 to index
      %get3A_314 = arith.constant 48 : index
      %get3A_315 = tpu.vector_load %arg17[%get3A_313, %get3A_314] {strides = array<i32>} : memref<64x64xi32, #tpu.memory_space<vmem>>, vector<1x16xi32>,
      %get3A_316 = vector.shape_cast %get3A_315 : vector<1x16xi32> to vector<16xi32>
      %shift_left3A_317 = arith.constant 16 : i32
      %shift_left3A_318 = vector.broadcast %shift_left3A_317 : i32 to vector<16xi32>
      %shift_left3A_319 = arith.shli %get3A_316, %shift_left3A_318 : vector<16xi32>
      %bitcast_convert_type3A_320 = tpu.bitcast %shift_left3A_319 : vector<16xi32> -> vector<16xf32>
      %and3A_321 = arith.constant -65536 : i32
      %and3A_322 = vector.broadcast %and3A_321 : i32 to vector<16xi32>
      %and3A_323 = arith.andi %get3A_316, %and3A_322 : vector<16xi32>
      %bitcast_convert_type3A_324 = tpu.bitcast %and3A_323 : vector<16xi32> -> vector<16xf32>
      %get3A_325 = arith.index_cast %scan3A_146 : i32 to index
      %get3A_326 = arith.constant 96 : index
      %get3A_327 = tpu.vector_load %arg13[%get3A_325, %get3A_326] {strides = array<i32>} : memref<64x128xf32, #tpu.memory_space<vmem>>, vector<1x16xf32>,
      %get3A_328 = vector.shape_cast %get3A_327 : vector<1x16xf32> to vector<16xf32>
      %get3A_329 = arith.index_cast %scan3A_146 : i32 to index
      %get3A_330 = arith.constant 96 : index
      %get3A_331 = tpu.vector_load %arg15[%get3A_329, %get3A_330] {strides = array<i32>} : memref<64x128xf32, #tpu.memory_space<vmem>>, vector<1x16xf32>,
      %get3A_332 = vector.shape_cast %get3A_331 : vector<1x16xf32> to vector<16xf32>
      %add3A_333 = arith.addf %get3A_328, %get3A_332 : vector<16xf32>
      %neg3A_334 = arith.constant 0.000000e+00 : f32
      %neg3A_335 = vector.broadcast %neg3A_334 : f32 to vector<16xf32>
      %neg3A_336 = arith.subf %neg3A_335, %add3A_333 : vector<16xf32>
      %exp3A_337 = math.exp %neg3A_336 : vector<16xf32>
      %add3A_338 = arith.constant 1.000000e+00 : f32
      %add3A_339 = vector.broadcast %add3A_338 : f32 to vector<16xf32>
      %add3A_340 = arith.addf %add3A_339, %exp3A_337 : vector<16xf32>
      %div3A_341 = arith.divf %add3A_333, %add3A_340 : vector<16xf32>
      %mul3A_342 = arith.mulf %div3A_341, %bitcast_convert_type3A_320 : vector<16xf32>
      %swap3A_343 = arith.index_cast %scan3A_146 : i32 to index
      %swap3A_344 = arith.constant 96 : index
      %swap3A_345 = tpu.vector_load %arg13[%swap3A_343, %swap3A_344] {strides = array<i32>} : memref<64x128xf32, #tpu.memory_space<vmem>>, vector<1x16xf32>,
      %swap3A_346 = vector.shape_cast %swap3A_345 : vector<1x16xf32> to vector<16xf32>
      %swap3A_347 = vector.shape_cast %mul3A_342 : vector<16xf32> to vector<1x16xf32>
      tpu.vector_store %arg13[%swap3A_343, %swap3A_344], %swap3A_347 {strides = array<i32>} : memref<64x128xf32, #tpu.memory_space<vmem>>, vector<1x16xf32>,
      %get3A_348 = arith.index_cast %scan3A_146 : i32 to index
      %get3A_349 = arith.constant 112 : index
      %get3A_350 = tpu.vector_load %arg13[%get3A_348, %get3A_349] {strides = array<i32>} : memref<64x128xf32, #tpu.memory_space<vmem>>, vector<1x16xf32>,
      %get3A_351 = vector.shape_cast %get3A_350 : vector<1x16xf32> to vector<16xf32>
      %get3A_352 = arith.index_cast %scan3A_146 : i32 to index
      %get3A_353 = arith.constant 112 : index
      %get3A_354 = tpu.vector_load %arg15[%get3A_352, %get3A_353] {strides = array<i32>} : memref<64x128xf32, #tpu.memory_space<vmem>>, vector<1x16xf32>,
      %get3A_355 = vector.shape_cast %get3A_354 : vector<1x16xf32> to vector<16xf32>
      %add3A_356 = arith.addf %get3A_351, %get3A_355 : vector<16xf32>
      %neg3A_357 = arith.constant 0.000000e+00 : f32
      %neg3A_358 = vector.broadcast %neg3A_357 : f32 to vector<16xf32>
      %neg3A_359 = arith.subf %neg3A_358, %add3A_356 : vector<16xf32>
      %exp3A_360 = math.exp %neg3A_359 : vector<16xf32>
      %add3A_361 = arith.constant 1.000000e+00 : f32
      %add3A_362 = vector.broadcast %add3A_361 : f32 to vector<16xf32>
      %add3A_363 = arith.addf %add3A_362, %exp3A_360 : vector<16xf32>
      %div3A_364 = arith.divf %add3A_356, %add3A_363 : vector<16xf32>
      %mul3A_365 = arith.mulf %div3A_364, %bitcast_convert_type3A_324 : vector<16xf32>
      %swap3A_366 = arith.index_cast %scan3A_146 : i32 to index
      %swap3A_367 = arith.constant 112 : index
      %swap3A_368 = tpu.vector_load %arg13[%swap3A_366, %swap3A_367] {strides = array<i32>} : memref<64x128xf32, #tpu.memory_space<vmem>>, vector<1x16xf32>,
      %swap3A_369 = vector.shape_cast %swap3A_368 : vector<1x16xf32> to vector<16xf32>
      %swap3A_370 = vector.shape_cast %mul3A_365 : vector<16xf32> to vector<1x16xf32>
      tpu.vector_store %arg13[%swap3A_366, %swap3A_367], %swap3A_370 {strides = array<i32>} : memref<64x128xf32, #tpu.memory_space<vmem>>, vector<1x16xf32>,
    }
    %scan3A_137 = arith.constant 16 : i32
    "tpu.region"() ({
      %run_scoped3A = tpu.sem_alloc : memref<!tpu.dma_semaphore, #tpu.memory_space<semaphore_mem>>
      %dma_start3A_146 = arith.constant 0 : i32
      %dma_start3A_147 = arith.constant 0 : i32
      %dma_start3A_148 = tpu.memref_slice %arg13[%dma_start3A_146, %dma_start3A_147] : memref<64x128xf32, #tpu.memory_space<vmem>> -> memref<16x128xf32, #tpu.memory_space<vmem>>
      %dma_start3A_149 = arith.constant 0 : i32
      %dma_start3A_150 = arith.constant 0 : i32
      %dma_start3A_151 = tpu.memref_slice %arg21[%dma_start3A_149, %dma_start3A_150] : memref<10112x128xf32, #tpu.memory_space<vmem_shared>> -> memref<10112x128xf32, #tpu.memory_space<vmem_shared>>
      tpu.enqueue_indirect_dma source(%dma_start3A_148 : memref<16x128xf32, #tpu.memory_space<vmem>>) target(%dma_start3A_151 : memref<10112x128xf32, #tpu.memory_space<vmem_shared>>) offsets(%arg20 : memref<16xi32, #tpu.memory_space<vmem>>) semaphore(%run_scoped3A : memref<!tpu.dma_semaphore, #tpu.memory_space<semaphore_mem>>) {add = true}
      %dma_wait3A_152 = arith.constant 0 : i32
      %dma_wait3A_153 = arith.constant 0 : i32
      %dma_wait3A_154 = tpu.memref_slice %arg13[%dma_wait3A_152, %dma_wait3A_153] : memref<64x128xf32, #tpu.memory_space<vmem>> -> memref<16x128xf32, #tpu.memory_space<vmem>>
      %dma_wait3A_155 = arith.constant 0 : i32
      %dma_wait3A_156 = arith.constant 0 : i32
      %dma_wait3A_157 = tpu.memref_slice %arg21[%dma_wait3A_155, %dma_wait3A_156] : memref<10112x128xf32, #tpu.memory_space<vmem_shared>> -> memref<10112x128xf32, #tpu.memory_space<vmem_shared>>
      tpu.wait_indirect_dma semaphore(%run_scoped3A : memref<!tpu.dma_semaphore, #tpu.memory_space<semaphore_mem>>) src(%dma_wait3A_154 : memref<16x128xf32, #tpu.memory_space<vmem>>) dst(%dma_wait3A_157 : memref<10112x128xf32, #tpu.memory_space<vmem_shared>>)
      tpu.yield
    }) : () -> ()
    %barrier3A_138 = arith.constant 0 : index
    tpu.barrier barrier_id(%barrier3A_138)
    %eq3A = arith.constant 0 : i32
    %eq3A_139 = arith.cmpi eq, %arg0, %eq3A : i32
    %convert_element_type3A = arith.extui %eq3A_139 : i1 to i32
    %cond3A = arith.constant 0 : i32
    %cond3A_140 = arith.cmpi ne, %convert_element_type3A, %cond3A : i32
    scf.if %cond3A_140 {
      "tpu.region"() ({
        %run_scoped3A = tpu.sem_alloc : memref<!tpu.dma_semaphore, #tpu.memory_space<semaphore_mem>>
        %dma_start3A_146 = arith.constant 0 : i32
        %dma_start3A_147 = tpu.memref_slice %arg7[%mul3A_7, %dma_start3A_146] : memref<10112x128xf32, #tpu.memory_space<hbm>> -> memref<632x128xf32, #tpu.memory_space<hbm>>
        %dma_start3A_148 = arith.constant 0 : i32
        %dma_start3A_149 = tpu.memref_slice %arg21[%mul3A_7, %dma_start3A_148] : memref<10112x128xf32, #tpu.memory_space<vmem_shared>> -> memref<632x128xf32, #tpu.memory_space<vmem_shared>>
        tpu.enqueue_dma source(%dma_start3A_149 : memref<632x128xf32, #tpu.memory_space<vmem_shared>>) target(%dma_start3A_147 : memref<632x128xf32, #tpu.memory_space<hbm>>) target_semaphore(%run_scoped3A : memref<!tpu.dma_semaphore, #tpu.memory_space<semaphore_mem>>)
        %dma_wait3A_150 = arith.constant 0 : i32
        %dma_wait3A_151 = tpu.memref_slice %arg7[%mul3A_7, %dma_wait3A_150] : memref<10112x128xf32, #tpu.memory_space<hbm>> -> memref<632x128xf32, #tpu.memory_space<hbm>>
        %dma_wait3A_152 = arith.constant 0 : i32
        %dma_wait3A_153 = tpu.memref_slice %arg21[%mul3A_7, %dma_wait3A_152] : memref<10112x128xf32, #tpu.memory_space<vmem_shared>> -> memref<632x128xf32, #tpu.memory_space<vmem_shared>>
        tpu.wait_dma2 semaphore(%run_scoped3A : memref<!tpu.dma_semaphore, #tpu.memory_space<semaphore_mem>>) src(%dma_wait3A_153 : memref<632x128xf32, #tpu.memory_space<vmem_shared>>) dst(%dma_wait3A_151 : memref<632x128xf32, #tpu.memory_space<hbm>>)
        tpu.yield
      }) : () -> ()
    } else {
    }
    %eq3A_141 = arith.constant 1 : i32
    %eq3A_142 = arith.cmpi eq, %arg0, %eq3A_141 : i32
    %convert_element_type3A_143 = arith.extui %eq3A_142 : i1 to i32
    %cond3A_144 = arith.constant 0 : i32
    %cond3A_145 = arith.cmpi ne, %convert_element_type3A_143, %cond3A_144 : i32
    scf.if %cond3A_145 {
      "tpu.region"() ({
        %run_scoped3A = tpu.sem_alloc : memref<!tpu.dma_semaphore, #tpu.memory_space<semaphore_mem>>
        %dma_start3A_146 = arith.constant 0 : i32
        %dma_start3A_147 = tpu.memref_slice %arg8[%mul3A_7, %dma_start3A_146] : memref<10112x128xf32, #tpu.memory_space<hbm>> -> memref<632x128xf32, #tpu.memory_space<hbm>>
        %dma_start3A_148 = arith.constant 0 : i32
        %dma_start3A_149 = tpu.memref_slice %arg21[%mul3A_7, %dma_start3A_148] : memref<10112x128xf32, #tpu.memory_space<vmem_shared>> -> memref<632x128xf32, #tpu.memory_space<vmem_shared>>
        tpu.enqueue_dma source(%dma_start3A_149 : memref<632x128xf32, #tpu.memory_space<vmem_shared>>) target(%dma_start3A_147 : memref<632x128xf32, #tpu.memory_space<hbm>>) target_semaphore(%run_scoped3A : memref<!tpu.dma_semaphore, #tpu.memory_space<semaphore_mem>>)
        %dma_wait3A_150 = arith.constant 0 : i32
        %dma_wait3A_151 = tpu.memref_slice %arg8[%mul3A_7, %dma_wait3A_150] : memref<10112x128xf32, #tpu.memory_space<hbm>> -> memref<632x128xf32, #tpu.memory_space<hbm>>
        %dma_wait3A_152 = arith.constant 0 : i32
        %dma_wait3A_153 = tpu.memref_slice %arg21[%mul3A_7, %dma_wait3A_152] : memref<10112x128xf32, #tpu.memory_space<vmem_shared>> -> memref<632x128xf32, #tpu.memory_space<vmem_shared>>
        tpu.wait_dma2 semaphore(%run_scoped3A : memref<!tpu.dma_semaphore, #tpu.memory_space<semaphore_mem>>) src(%dma_wait3A_153 : memref<632x128xf32, #tpu.memory_space<vmem_shared>>) dst(%dma_wait3A_151 : memref<632x128xf32, #tpu.memory_space<hbm>>)
        tpu.yield
      }) : () -> ()
    } else {
    }
    return
  }
}

module attributes {stable_mosaic.version = 14 : i64} {
  func.func @_ew_body(%arg0: i32, %arg1: memref<2000x16xf32, #tpu.memory_space<vmem>>, %arg2: memref<16x128xf32, #tpu.memory_space<vmem>>, %arg3: memref<2000x64xi32, #tpu.memory_space<vmem>>) attributes {dimension_semantics = [#tpu.dimension_semantics<arbitrary>], iteration_bounds = array<i64: 160>, scalar_prefetch = 0 : i64, scratch_operands = 0 : i64, tpu.core_type = #tpu.core_type<tc>, window_params = [{transform_indices = @transform_0, window_bounds = array<i64: 2000, 16>}, {pipeline_mode = #tpu.pipeline_mode<synchronous>, transform_indices = @transform_1, window_bounds = array<i64: 16, 128>}, {transform_indices = @transform_2, window_bounds = array<i64: 2000, 64>}]} {
    %get3A = arith.constant 0 : index
    %get3A_0 = arith.constant 0 : index
    %get3A_1 = vector.load %arg1[%get3A, %get3A_0] : memref<2000x16xf32, #tpu.memory_space<vmem>>, vector<2000x16xf32>
    %get3A_2 = arith.constant 0 : index
    %get3A_3 = arith.constant 0 : index
    %get3A_4 = vector.load %arg2[%get3A_2, %get3A_3] : memref<16x128xf32, #tpu.memory_space<vmem>>, vector<16x128xf32>
    %dot_general3A = arith.constant dense<0.000000e+00> : vector<2000x128xf32>
    %dot_general3A_5 = tpu.matmul %get3A_1, %get3A_4, %dot_general3A {dimension_numbers = #tpu.dot_dimension_numbers<[1], [0], [0], [1], [0, 0, 1, 1], [], []>, transpose_lhs_hint = false} : vector<2000x16xf32>, vector<16x128xf32>, vector<2000x128xf32> -> vector<2000x128xf32>
    %slice3A = vector.extract_strided_slice %dot_general3A_5 {offsets = [0, 0], sizes = [2000, 64], strides = [1, 1]} : vector<2000x128xf32> to vector<2000x64xf32>
    %convert_element_type3A = arith.truncf %slice3A : vector<2000x64xf32> to vector<2000x64xbf16>
    %bitcast_convert_type3A = tpu.bitcast %convert_element_type3A : vector<2000x64xbf16> -> vector<2000x64xi16>
    %convert_element_type3A_6 = arith.extui %bitcast_convert_type3A : vector<2000x64xi16> to vector<2000x64xi32>
    %slice3A_7 = vector.extract_strided_slice %dot_general3A_5 {offsets = [0, 64], sizes = [2000, 64], strides = [1, 1]} : vector<2000x128xf32> to vector<2000x64xf32>
    %convert_element_type3A_8 = arith.truncf %slice3A_7 : vector<2000x64xf32> to vector<2000x64xbf16>
    %bitcast_convert_type3A_9 = tpu.bitcast %convert_element_type3A_8 : vector<2000x64xbf16> -> vector<2000x64xi16>
    %convert_element_type3A_10 = arith.extui %bitcast_convert_type3A_9 : vector<2000x64xi16> to vector<2000x64xi32>
    %shift_left3A = arith.constant 16 : i32
    %shift_left3A_11 = vector.broadcast %shift_left3A : i32 to vector<2000x64xi32>
    %shift_left3A_12 = arith.shli %convert_element_type3A_10, %shift_left3A_11 : vector<2000x64xi32>
    %or3A = arith.ori %convert_element_type3A_6, %shift_left3A_12 : vector<2000x64xi32>
    %bitcast_convert_type3A_13 = tpu.bitcast %or3A : vector<2000x64xi32> -> vector<2000x64xi32>
    %swap3A = arith.constant 0 : index
    %swap3A_14 = arith.constant 0 : index
    %swap3A_15 = vector.load %arg3[%swap3A, %swap3A_14] : memref<2000x64xi32, #tpu.memory_space<vmem>>, vector<2000x64xi32>
    tpu.vector_store %arg3[%swap3A, %swap3A_14], %bitcast_convert_type3A_13 {strides = array<i32>} : memref<2000x64xi32, #tpu.memory_space<vmem>>, vector<2000x64xi32>,
    return
  }
  func.func @transform_0(%arg0: i32) -> (i32, i32) {
    %c0_i32 = arith.constant 0 : i32
    %c0_i32_0 = arith.constant 0 : i32
    return %arg0, %c0_i32 : i32, i32
  }
  func.func @transform_1(%arg0: i32) -> (i32, i32) {
    %c0_i32 = arith.constant 0 : i32
    %c0_i32_0 = arith.constant 0 : i32
    %c0_i32_1 = arith.constant 0 : i32
    return %c0_i32, %c0_i32_0 : i32, i32
  }
  func.func @transform_2(%arg0: i32) -> (i32, i32) {
    %c0_i32 = arith.constant 0 : i32
    %c0_i32_0 = arith.constant 0 : i32
    return %arg0, %c0_i32 : i32, i32
  }
}

module attributes {stable_mosaic.version = 14 : i64} {
  func.func @_node_mm_body(%arg0: i32, %arg1: memref<400x128xf32, #tpu.memory_space<vmem>>, %arg2: memref<128x128xf32, #tpu.memory_space<vmem>>, %arg3: memref<1x128xf32, #tpu.memory_space<vmem>>, %arg4: memref<400x128xf32, #tpu.memory_space<vmem>>, %arg5: memref<128x128xf32, #tpu.memory_space<vmem>>, %arg6: memref<1x128xf32, #tpu.memory_space<vmem>>, %arg7: memref<400x128xf32, #tpu.memory_space<vmem>>, %arg8: memref<400x128xf32, #tpu.memory_space<vmem>>) attributes {dimension_semantics = [#tpu.dimension_semantics<arbitrary>], iteration_bounds = array<i64: 25>, scalar_prefetch = 0 : i64, scratch_operands = 0 : i64, tpu.core_type = #tpu.core_type<tc>, window_params = [{transform_indices = @transform_0, window_bounds = array<i64: 400, 128>}, {pipeline_mode = #tpu.pipeline_mode<synchronous>, transform_indices = @transform_1, window_bounds = array<i64: 128, 128>}, {pipeline_mode = #tpu.pipeline_mode<synchronous>, transform_indices = @transform_2, window_bounds = array<i64: 1, 128>}, {transform_indices = @transform_3, window_bounds = array<i64: 400, 128>}, {pipeline_mode = #tpu.pipeline_mode<synchronous>, transform_indices = @transform_4, window_bounds = array<i64: 128, 128>}, {pipeline_mode = #tpu.pipeline_mode<synchronous>, transform_indices = @transform_5, window_bounds = array<i64: 1, 128>}, {transform_indices = @transform_6, window_bounds = array<i64: 400, 128>}, {transform_indices = @transform_7, window_bounds = array<i64: 400, 128>}]} {
    %get3A = arith.constant 0 : index
    %get3A_0 = arith.constant 0 : index
    %get3A_1 = vector.load %arg1[%get3A, %get3A_0] : memref<400x128xf32, #tpu.memory_space<vmem>>, vector<400x128xf32>
    %get3A_2 = arith.constant 0 : index
    %get3A_3 = arith.constant 0 : index
    %get3A_4 = vector.load %arg2[%get3A_2, %get3A_3] : memref<128x128xf32, #tpu.memory_space<vmem>>, vector<128x128xf32>
    %dot_general3A = arith.constant dense<0.000000e+00> : vector<400x128xf32>
    %dot_general3A_5 = tpu.matmul %get3A_1, %get3A_4, %dot_general3A {dimension_numbers = #tpu.dot_dimension_numbers<[1], [0], [0], [1], [0, 0, 1, 1], [], []>, transpose_lhs_hint = false} : vector<400x128xf32>, vector<128x128xf32>, vector<400x128xf32> -> vector<400x128xf32>
    %get3A_6 = arith.constant 0 : index
    %get3A_7 = arith.constant 0 : index
    %get3A_8 = vector.load %arg3[%get3A_6, %get3A_7] : memref<1x128xf32, #tpu.memory_space<vmem>>, vector<1x128xf32>
    %add3A = vector.broadcast %get3A_8 : vector<1x128xf32> to vector<400x128xf32>
    %add3A_9 = arith.addf %dot_general3A_5, %add3A : vector<400x128xf32>
    %swap3A = arith.constant 0 : index
    %swap3A_10 = arith.constant 0 : index
    %swap3A_11 = vector.load %arg7[%swap3A, %swap3A_10] : memref<400x128xf32, #tpu.memory_space<vmem>>, vector<400x128xf32>
    tpu.vector_store %arg7[%swap3A, %swap3A_10], %add3A_9 {strides = array<i32>} : memref<400x128xf32, #tpu.memory_space<vmem>>, vector<400x128xf32>,
    %get3A_12 = arith.constant 0 : index
    %get3A_13 = arith.constant 0 : index
    %get3A_14 = vector.load %arg4[%get3A_12, %get3A_13] : memref<400x128xf32, #tpu.memory_space<vmem>>, vector<400x128xf32>
    %get3A_15 = arith.constant 0 : index
    %get3A_16 = arith.constant 0 : index
    %get3A_17 = vector.load %arg5[%get3A_15, %get3A_16] : memref<128x128xf32, #tpu.memory_space<vmem>>, vector<128x128xf32>
    %dot_general3A_18 = arith.constant dense<0.000000e+00> : vector<400x128xf32>
    %dot_general3A_19 = tpu.matmul %get3A_14, %get3A_17, %dot_general3A_18 {dimension_numbers = #tpu.dot_dimension_numbers<[1], [0], [0], [1], [0, 0, 1, 1], [], []>, transpose_lhs_hint = false} : vector<400x128xf32>, vector<128x128xf32>, vector<400x128xf32> -> vector<400x128xf32>
    %get3A_20 = arith.constant 0 : index
    %get3A_21 = arith.constant 0 : index
    %get3A_22 = vector.load %arg6[%get3A_20, %get3A_21] : memref<1x128xf32, #tpu.memory_space<vmem>>, vector<1x128xf32>
    %add3A_23 = vector.broadcast %get3A_22 : vector<1x128xf32> to vector<400x128xf32>
    %add3A_24 = arith.addf %dot_general3A_19, %add3A_23 : vector<400x128xf32>
    %swap3A_25 = arith.constant 0 : index
    %swap3A_26 = arith.constant 0 : index
    %swap3A_27 = vector.load %arg8[%swap3A_25, %swap3A_26] : memref<400x128xf32, #tpu.memory_space<vmem>>, vector<400x128xf32>
    tpu.vector_store %arg8[%swap3A_25, %swap3A_26], %add3A_24 {strides = array<i32>} : memref<400x128xf32, #tpu.memory_space<vmem>>, vector<400x128xf32>,
    return
  }
  func.func @transform_0(%arg0: i32) -> (i32, i32) {
    %c0_i32 = arith.constant 0 : i32
    %c0_i32_0 = arith.constant 0 : i32
    return %arg0, %c0_i32 : i32, i32
  }
  func.func @transform_1(%arg0: i32) -> (i32, i32) {
    %c0_i32 = arith.constant 0 : i32
    %c0_i32_0 = arith.constant 0 : i32
    %c0_i32_1 = arith.constant 0 : i32
    return %c0_i32, %c0_i32_0 : i32, i32
  }
  func.func @transform_2(%arg0: i32) -> (i32, i32) {
    %c0_i32 = arith.constant 0 : i32
    %c0_i32_0 = arith.constant 0 : i32
    %c0_i32_1 = arith.constant 0 : i32
    return %c0_i32, %c0_i32_0 : i32, i32
  }
  func.func @transform_3(%arg0: i32) -> (i32, i32) {
    %c0_i32 = arith.constant 0 : i32
    %c0_i32_0 = arith.constant 0 : i32
    return %arg0, %c0_i32 : i32, i32
  }
  func.func @transform_4(%arg0: i32) -> (i32, i32) {
    %c0_i32 = arith.constant 0 : i32
    %c0_i32_0 = arith.constant 0 : i32
    %c0_i32_1 = arith.constant 0 : i32
    return %c0_i32, %c0_i32_0 : i32, i32
  }
  func.func @transform_5(%arg0: i32) -> (i32, i32) {
    %c0_i32 = arith.constant 0 : i32
    %c0_i32_0 = arith.constant 0 : i32
    %c0_i32_1 = arith.constant 0 : i32
    return %c0_i32, %c0_i32_0 : i32, i32
  }
  func.func @transform_6(%arg0: i32) -> (i32, i32) {
    %c0_i32 = arith.constant 0 : i32
    %c0_i32_0 = arith.constant 0 : i32
    return %arg0, %c0_i32 : i32, i32
  }
  func.func @transform_7(%arg0: i32) -> (i32, i32) {
    %c0_i32 = arith.constant 0 : i32
    %c0_i32_0 = arith.constant 0 : i32
    return %arg0, %c0_i32 : i32, i32
  }
}

module attributes {stable_mosaic.version = 14 : i64} {
  func.func @_out_body(%arg0: i32, %arg1: memref<400x128xf32, #tpu.memory_space<vmem>>, %arg2: memref<400x128xf32, #tpu.memory_space<vmem>>, %arg3: memref<400x1xf32, #tpu.memory_space<vmem>>, %arg4: memref<128x128xf32, #tpu.memory_space<vmem>>, %arg5: memref<400x128xf32, #tpu.memory_space<vmem>>) attributes {dimension_semantics = [#tpu.dimension_semantics<arbitrary>], iteration_bounds = array<i64: 25>, scalar_prefetch = 0 : i64, scratch_operands = 0 : i64, tpu.core_type = #tpu.core_type<tc>, window_params = [{transform_indices = @transform_0, window_bounds = array<i64: 400, 128>}, {transform_indices = @transform_1, window_bounds = array<i64: 400, 128>}, {transform_indices = @transform_2, window_bounds = array<i64: 400, 1>}, {pipeline_mode = #tpu.pipeline_mode<synchronous>, transform_indices = @transform_3, window_bounds = array<i64: 128, 128>}, {transform_indices = @transform_4, window_bounds = array<i64: 400, 128>}]} {
    %get3A = arith.constant 0 : index
    %get3A_0 = arith.constant 0 : index
    %get3A_1 = vector.load %arg1[%get3A, %get3A_0] : memref<400x128xf32, #tpu.memory_space<vmem>>, vector<400x128xf32>
    %get3A_2 = arith.constant 0 : index
    %get3A_3 = arith.constant 0 : index
    %get3A_4 = vector.load %arg2[%get3A_2, %get3A_3] : memref<400x128xf32, #tpu.memory_space<vmem>>, vector<400x128xf32>
    %add3A = arith.addf %get3A_1, %get3A_4 : vector<400x128xf32>
    %get3A_5 = arith.constant 0 : index
    %get3A_6 = arith.constant 0 : index
    %get3A_7 = vector.load %arg3[%get3A_5, %get3A_6] : memref<400x1xf32, #tpu.memory_space<vmem>>, vector<400x1xf32>
    %mul3A = vector.broadcast %get3A_7 : vector<400x1xf32> to vector<400x128xf32>
    %mul3A_8 = arith.mulf %add3A, %mul3A : vector<400x128xf32>
    %get3A_9 = arith.constant 0 : index
    %get3A_10 = arith.constant 0 : index
    %get3A_11 = vector.load %arg4[%get3A_9, %get3A_10] : memref<128x128xf32, #tpu.memory_space<vmem>>, vector<128x128xf32>
    %dot_general3A = arith.constant dense<0.000000e+00> : vector<400x128xf32>
    %dot_general3A_12 = tpu.matmul %mul3A_8, %get3A_11, %dot_general3A {dimension_numbers = #tpu.dot_dimension_numbers<[1], [0], [0], [1], [0, 0, 1, 1], [], []>, transpose_lhs_hint = false} : vector<400x128xf32>, vector<128x128xf32>, vector<400x128xf32> -> vector<400x128xf32>
    %neg3A = arith.constant 0.000000e+00 : f32
    %neg3A_13 = vector.broadcast %neg3A : f32 to vector<400x128xf32>
    %neg3A_14 = arith.subf %neg3A_13, %dot_general3A_12 : vector<400x128xf32>
    %exp3A = math.exp %neg3A_14 : vector<400x128xf32>
    %add3A_15 = arith.constant 1.000000e+00 : f32
    %add3A_16 = vector.broadcast %add3A_15 : f32 to vector<400x128xf32>
    %add3A_17 = arith.addf %add3A_16, %exp3A : vector<400x128xf32>
    %div3A = arith.divf %dot_general3A_12, %add3A_17 : vector<400x128xf32>
    %mul3A_18 = arith.constant 1.67655122 : f32
    %mul3A_19 = vector.broadcast %mul3A_18 : f32 to vector<400x128xf32>
    %mul3A_20 = arith.mulf %div3A, %mul3A_19 : vector<400x128xf32>
    %swap3A = arith.constant 0 : index
    %swap3A_21 = arith.constant 0 : index
    %swap3A_22 = vector.load %arg5[%swap3A, %swap3A_21] : memref<400x128xf32, #tpu.memory_space<vmem>>, vector<400x128xf32>
    tpu.vector_store %arg5[%swap3A, %swap3A_21], %mul3A_20 {strides = array<i32>} : memref<400x128xf32, #tpu.memory_space<vmem>>, vector<400x128xf32>,
    return
  }
  func.func @transform_0(%arg0: i32) -> (i32, i32) {
    %c0_i32 = arith.constant 0 : i32
    %c0_i32_0 = arith.constant 0 : i32
    return %arg0, %c0_i32 : i32, i32
  }
  func.func @transform_1(%arg0: i32) -> (i32, i32) {
    %c0_i32 = arith.constant 0 : i32
    %c0_i32_0 = arith.constant 0 : i32
    return %arg0, %c0_i32 : i32, i32
  }
  func.func @transform_2(%arg0: i32) -> (i32, i32) {
    %c0_i32 = arith.constant 0 : i32
    %c0_i32_0 = arith.constant 0 : i32
    return %arg0, %c0_i32 : i32, i32
  }
  func.func @transform_3(%arg0: i32) -> (i32, i32) {
    %c0_i32 = arith.constant 0 : i32
    %c0_i32_0 = arith.constant 0 : i32
    %c0_i32_1 = arith.constant 0 : i32
    return %c0_i32, %c0_i32_0 : i32, i32
  }
  func.func @transform_4(%arg0: i32) -> (i32, i32) {
    %c0_i32 = arith.constant 0 : i32
    %c0_i32_0 = arith.constant 0 : i32
    return %arg0, %c0_i32 : i32, i32
  }
}

</mosaic_0001>

<sc_bundles>
// kernel: kernel.6.cloned.1.call-start
scs
__scs_entry_jumppad:
0x0: {  	(pc) =	sbr.rel $0x88, $3  }
0x1: {  	(tag) =	ssettag $0x0;
	lr =	simm.s32 $0x1  }
0x2: {  	[smem:$0x3F93] =	sst lr;
	_ =	strace $0xD0000000  }
0x3: {  	_ = 	snop  }
0x4: {  	_ = 	snop  }
0x5: {  	_ = 	snop  }
0x6: {  	_ = 	snop  }
0x7: {  	_ = 	snop  }
__scs_overlays_trampoline_lowered:
0x8: {  	[smem:$0x3FA2] =	sst s0  }
0x9: {  	[smem:$0x3FA3] =	sst s1  }
0xa: {  	[smem:$0x3FA4] =	sst s2  }
0xb: {  	[smem:$0x3FA5] =	sst s3  }
0xc: {  	[smem:$0x3FA6] =	sst s4  }
0xd: {  	[smem:$0x3FA7] =	sst s5  }
0xe: {  	[smem:$0x3FA8] =	sst s6  }
0xf: {  	[smem:$0x3FA9] =	sst s7  }
0x10: {  	[smem:$0x3FAA] =	sst s8  }
0x11: {  	[smem:$0x3FAB] =	sst s9;
	s0 =	simm.s32 @!p0 $0x0  }
0x12: {  	s1 =	sld [smem:$0x3F91];
	s0 =	simm.s32 @p0 $0x1  }
0x13: {  	[smem:$0x3FAC] =	sst s0;
	s0 =	simm.s32 @!p1 $0x0  }
0x14: {  	s2 =	sld [smem:$0x3F90];
	s0 =	simm.s32 @p1 $0x1  }
0x15: {  	[smem:$0x3FAD] =	sst s0;
	s0 =	simm.s32 @!p2 $0x0  }
0x16: {  	s3 =	sld [smem:$0x3FDB];
	s0 =	simm.s32 @p2 $0x1  }
0x17: {  	s4 =	simm.s32 $0x1BF5;
	[smem:$0x3FAF] =	sst s0  }
0x18: {  	s0 =	sld [smem:$0x3F92];
	_ =	swait.ge [sflag:s4], $0x0  }
0x19: {  	s7 =	sld [smem:$0x3F93]  }
0x1a: {  	s8 =	sadd.s32 $0xFFFFE003, lr  }
0x1b: {  	s9 =	sadd.s32 $0xFFFFFEF7, lr;
	s5 =	simm.s32 $0xFFFFFFFF;
	p2 =	slt.u32 s8, $0xFFFFF086  }
0x1c: {  	p1 =	slt.u32 s9, $0xF7A;
	s5 =	simm.s32 @!p2 $0x0  }
0x1d: {  	s5 =	simm.s32 @p1 $0x1;
	p0 =	seq.s32 s7, s2  }
0x1e: {  	s7 =	smul.u32 @!p0 $0xF7A, s2;
	p2 =	seq.s32 @!p0 s5, $0x0  }
0x1f: {  	s9 =	smul.u32 $0xF7A, s1;
	s8 =	simm.s32 @!p0 $0x1BF5;
	p2 =	por !p2, p0  }
0x20: {  	[sflag:s8] =	ssyncset.s32 @!p0 $0xFFFFF086;
	s6 =	sadd.s32 @!p0 s3, s7;
	s7 =	simm.s32 @!p0 $0x108  }
0x21: {  	s3 =	sadd.s32 s3, s9;
	s6 =	sadd.s32 @!p0 $0x88, s6;
	s7 =	simm.s32 @p2 $0x1082  }
0x22: {  	[simem:s7], [sflag:s8] =	dma.local @!p0 [hbm:s6], $0xF7A  }
0x23: {  	s9 =	sor.u32 $0xD0000000, s2;
	s6 =	simm.s32 $0x108;
	_ =	swait.ge @!p0 [sflag:s8], $0x0  }
0x24: {  	s3 =	sadd.s32 $0x88, s3;
	s6 =	simm.s32 @!p1 $0x1082;
	[sflag:s4] =	ssyncset.s32 $0xFFFFF086  }
0x25: {  	[simem:s6], [sflag:s4] =	dma.local [hbm:s3], $0xF7A  }
0x26: {  	[smem:$0x3F93] =	sst s1;
	(tag) =	ssettag s2;
	_ =	strace s9  }
0x27: {  	s1 =	sld [smem:$0x3FA3]  }
0x28: {  	s2 =	sld [smem:$0x3FA4]  }
0x29: {  	s4 =	sld [smem:$0x3FA6]  }
0x2a: {  	p0 =	seq.s32 s5, $0x0;
	s5 =	sld [smem:$0x3FA7]  }
0x2b: {  	s6 =	sld [smem:$0x3FA8]  }
0x2c: {  	s7 =	sld [smem:$0x3FA9]  }
0x2d: {  	s3 =	simm.s32 $0x108;
	s8 =	sld [smem:$0x3FAA]  }
0x2e: {  	s3 =	simm.s32 @!p0 $0x1082;
	s9 =	sld [smem:$0x3FAB]  }
0x2f: {  	lr =	sadd.s32 s0, s3;
	s0 =	sld [smem:$0x3FA2]  }
0x30: {  	s3 =	sld [smem:$0x3FA5]  }
0x31: {  	[smem:$0x3FAE] =	sst s10  }
0x32: {  	s10 =	sld [smem:$0x3FAC];
	_ =	sdelay $0x3  }
0x33: {  	p0 =	seq.s32 s10, $0x1;
	s10 =	sld [smem:$0x3FAE];
	_ =	sdelay $0x3  }
0x34: {  	[smem:$0x3FAE] =	sst s10  }
0x35: {  	s10 =	sld [smem:$0x3FAD];
	_ =	sdelay $0x3  }
0x36: {  	p1 =	seq.s32 s10, $0x1;
	s10 =	sld [smem:$0x3FAE];
	_ =	sdelay $0x3  }
0x37: {  	[smem:$0x3FAE] =	sst s10  }
0x38: {  	s10 =	sld [smem:$0x3FAF]  }
0x39: {  	_ = 	snop;
	(pc) =	sbr.ind lr, $3  }
0x3a: {  	_ = 	snop  }
0x3b: {  	_ = 	snop  }
0x3c: {  	p2 =	seq.s32 s10, $0x1;
	s10 =	sld [smem:$0x3FAE]  }
0x3d: {  	_ =	shalt  }
0x3e: {  	_ =	shalt  }
0x3f: {  	_ =	shalt  }
0x40: {  	_ =	shalt  }
0x41: {  	_ =	shalt  }
0x42: {  	_ =	shalt  }
0x43: {  	_ =	shalt  }
0x44: {  	_ =	shalt  }
0x45: {  	_ =	shalt  }
0x46: {  	_ =	shalt  }
0x47: {  	_ =	shalt  }
0x48: {  	_ =	shalt  }
0x49: {  	_ =	shalt  }
0x4a: {  	_ =	shalt  }
0x4b: {  	_ =	shalt  }
0x4c: {  	_ =	shalt  }
0x4d: {  	_ =	shalt  }
0x4e: {  	_ =	shalt  }
0x4f: {  	_ =	shalt  }
0x50: {  	_ =	shalt  }
0x51: {  	_ =	shalt  }
0x52: {  	_ =	shalt  }
0x53: {  	_ =	shalt  }
0x54: {  	_ =	shalt  }
0x55: {  	_ =	shalt  }
0x56: {  	_ =	shalt  }
0x57: {  	_ =	shalt  }
0x58: {  	_ =	shalt  }
0x59: {  	_ =	shalt  }
0x5a: {  	_ =	shalt  }
0x5b: {  	_ =	shalt  }
0x5c: {  	_ =	shalt  }
0x5d: {  	_ =	shalt  }
0x5e: {  	_ =	shalt  }
0x5f: {  	_ =	shalt  }
0x60: {  	_ =	shalt  }
0x61: {  	_ =	shalt  }
0x62: {  	_ =	shalt  }
0x63: {  	_ =	shalt  }
0x64: {  	_ =	shalt  }
0x65: {  	_ =	shalt  }
0x66: {  	_ =	shalt  }
0x67: {  	_ =	shalt  }
0x68: {  	_ =	shalt  }
0x69: {  	_ =	shalt  }
0x6a: {  	_ =	shalt  }
0x6b: {  	_ =	shalt  }
0x6c: {  	_ =	shalt  }
0x6d: {  	_ =	shalt  }
0x6e: {  	_ =	shalt  }
0x6f: {  	_ =	shalt  }
0x70: {  	_ =	shalt  }
0x71: {  	_ =	shalt  }
0x72: {  	_ =	shalt  }
0x73: {  	_ =	shalt  }
0x74: {  	_ =	shalt  }
0x75: {  	_ =	shalt  }
0x76: {  	_ =	shalt  }
0x77: {  	_ =	shalt  }
0x78: {  	_ =	shalt  }
0x79: {  	_ =	shalt  }
0x7a: {  	_ =	shalt  }
0x7b: {  	_ =	shalt  }
0x7c: {  	_ =	shalt  }
0x7d: {  	_ =	shalt  }
0x7e: {  	_ =	shalt  }
0x7f: {  	_ =	shalt  }
0x80: {  	_ =	shalt  }
0x81: {  	_ =	shalt  }
0x82: {  	_ =	shalt  }
0x83: {  	_ =	shalt  }
0x84: {  	_ =	shalt  }
0x85: {  	_ =	shalt  }
0x86: {  	_ =	shalt  }
0x87: {  	_ =	shalt  }
.Lfunc_end0:
.L_simem_size_0:
called_computation_lowered:
.L_overlay_start_0:
0x88: {  	s2 =	sld [smem:$0x3FD9]  }
0x89: {  	s3 =	sld [smem:$0x3FFE];
	_ =	sdelay $0x1  }
0x8a: {  	s1 =	srdreg.scid  }
0x8b: {  	s0 =	sand.u32 $0x1, s1  }
0x8c: {  	s17 =	sshll.u32 s0, $0xA;
	s2 =	sadd.s32 s3, s2  }
0x8d: {  	s2 =	sadd.s32 s2, s17  }
0x8e: {  	[smem:$0x3FBA] =	sst s2  }
0x8f: {  	_ = 	snop  }
0x90: {  	s2 =	sld [smem:$0x3FC6]  }
0x91: {  	s18 =	sld [smem:$0x3FC5]  }
0x92: {  	s4 =	sld [smem:$0x3FD0];
	(tm) =	ssettm $0x1  }
0x93: {  	s5 =	sld [smem:$0x3FFB];
	_ =	sdelay $0x3  }
0x94: {  	_ =	strace s5  }
0x95: {  	s5 =	sld [smem:$0x3FFC];
	_ =	sdelay $0x3  }
0x96: {  	_ =	strace s5  }
0x97: {  	s5 =	sld [smem:$0x3FFD];
	_ =	sdelay $0x3  }
0x98: {  	_ =	strace s5  }
0x99: {  	_ =	strace $0x8FFFFFFF  }
0x9a: {  	s19 =	sld [smem:$0x3FDB];
	_ =	sdelay $0x1  }
0x9b: {  	s6 =	simm.s32 $_scs_section_size  }
0x9c: {  	s7 =	simm.s32 $_size__tile_overlayer_lowered;
	s8 =	simm.s32 $_tile_overlayer_lowered  }
0x9d: {  	s22 =	simm.s32 $0x1BFF;
	s21 =	sshll.u32 s8, $0x1;
	s5 =	sadd.s32 s6, s19  }
0x9e: {  	s9 =	simm.s32 $0x0;
	s20 =	sshll.u32 s7, $0x1;
	s7 =	sadd.s32 s21, s5  }
0x9f: {  	[timem:s9], [sflag:s22] =	dma.local [hbm:s7], s20  }
0xa0: {  	_ =	swait.ge [sflag:s22], s20  }
0xa1: {  	s6 =	ssub.s32 $0x0, s20;
	[sflag:s22] =	ssyncset.done $0x0  }
0xa2: {  	[sflag:s22] =	ssyncadd.s32 s6;
	_ =	sdelay $0x1  }
0xa3: {  	s23 =	simm.s32 $0x1B8B  }
0xa4: {  	_ =	swait.ge [sflag:s23], $0x1  }
0xa5: {  	[sflag:s23] =	ssyncset.done $0x0  }
0xa6: {  	s25 =	simm.s32 $0x1B8E;
	s24 =	sld [smem:$0x3FFE];
	[sflag:s23] =	ssyncadd.s32 $0xFFFFFFFF  }
0xa7: {  	s26 =	simm.s32 $execute0_lowered;
	[smem:$0x3FD2] =	sst s25  }
0xa8: {  	s7 =	sshll.u32 s26, $0x1;
	_ =	strace $0x80000046;
	[dreg:$0x1] =	wrdreg $0xFFFFFFFF  }
0xa9: {  	s28 =	simm.s32 $_size_execute0_lowered;
	s5 =	sadd.s32 s5, s7;
	[dreg:$0x0] =	wrdreg $0x0  }
0xaa: {  	s7 =	sshll.u32 s28, $0x1;
	[dreg:$0x2] =	wrdreg s5  }
0xab: {  	[dreg:$0x3] =	wrdreg s7  }
0xac: {  	[dreg:$0x4] =	wrdreg $0xC0  }
0xad: {  	_ =	task [dreg:s9], $0x5FFFF  }
0xae: {  	[dreg:$0x1] =	wrdreg $0xFFFFFFFF  }
0xaf: {  	[dreg:$0x0] =	wrdreg $0x60  }
0xb0: {  	[dreg:$0x2] =	wrdreg s4  }
0xb1: {  	[dreg:$0x3] =	wrdreg s24  }
0xb2: {  	[dreg:$0x4] =	wrdreg s2  }
0xb3: {  	[dreg:$0x5] =	wrdreg s18  }
0xb4: {  	[dreg:$0x6] =	wrdreg $0xC3000  }
0xb5: {  	[dreg:$0x7] =	wrdreg $0x9  }
0xb6: {  	_ =	task.clear_ibuf [dreg:s9], $0x8FFFF;
	_ =	strace $0x90000046  }
0xb7: {  	s29 =	simm.s32 $0x9;
	_ =	strace $0x80000048  }
0xb8: {  	_ =	swait.ge [sflag:s29], $0x1  }
0xb9: {  	[sflag:s29] =	ssyncadd.s32 $0xFFFFFFFF  }
0xba: {  	_ =	strace $0x90000048  }
0xbb: {  	_ =	sfence  }
0xbc: {  	s30 =	sld [smem:$0x0];
	_ =	sdelay $0x2  }
0xbd: {  	s31 =	sshll.u32 s1, $0xD;
	s1 =	sshrl.u32 s1, $0x2  }
0xbe: {  	s3 =	sand.u32 $0x4000, s31;
	s1 =	sadd.s32 s1, s30  }
0xbf: {  	s0 =	sor.u32 s3, s0;
	s1 =	sshll.u32 s1, $0x11  }
0xc0: {  	s0 =	sor.u32 s1, s0  }
0xc1: {  	s0 =	sadd.s32 $0x8F2B, s0  }
0xc2: {  	[sflag:s0] =	ssyncadd.remote.s32 $0x1  }
0xc3: {  	_ =	sfence.sel $0xFFFF  }
0xc4: {  	[dreg:$0x0] =	wrdreg $0xFFFFFFFF;
	(pc) =	sbr.abs _section_cstart, $3  }
0xc5: {  	[dreg:$0x1] =	wrdreg $0xFFFFFFFF  }
0xc6: {  	_ =	task.clear_ibuf [dreg:s9], $0x2FFFF;
	_ =	strace $0x9FFFFFFF  }
0xc7: {  	(tm) =	ssettm $0x7FFFFFFF  }
tec
execute0_lowered:
.L_overlay_start_1:
0x0: {  	(tag) =	ssettag $0x1  }
0x1: {  	s1 =	rddreg [dreg:$0x0]  }
0x2: {  	s0 =	rddreg [dreg:$0x1]  }
0x3: {  	s2 =	rddreg [dreg:$0x2]  }
0x4: {  	s3 =	rddreg [dreg:$0x3]  }
0x5: {  	s4 =	rddreg [dreg:$0x4];
	s18 =	simm.s32 $0x0;
	s5 =	srdreg.scid  }
0x6: {  	s13 =	stileid.u32;
	s28 =	simm.s32 $0x4;
	s29 =	simm.s32 $0x6  }
0x7: {  	s30 =	simm.s32 $0x8;
	[smem:$0x7FF] =	sst s18;
	s7 =	sadd.s32 $0x3600, s0  }
0x8: {  	s5 =	sand.u32 $0x1, s5;
	s6 =	smul.u32 $0x4F000, s13;
	s8 =	sadd.s32 $0x4E5600, s0  }
0x9: {  	s10 =	sshll.u32 s13, $0x1;
	_ =	strace $0x80000047;
	s9 =	ssub.s32 $0x2, s5  }
0xa: {  	s10 =	sor.u32 s5, s10;
	p0 =	seq.s32 s5, $0x1;
	s5 =	simm.s32 $0x52000  }
0xb: {  	s11 =	sshrl.u32 s9, $0x1;
	s6 =	sshrl.u32 s6, $0x2;
	s17 =	smul.u32 $0x2710, s10  }
0xc: {  	s10 =	smul.u32 $0x27100, s10;
	s9 =	ssub.s32 s9, s11;
	s21 =	sadd.s32 s6, s4  }
0xd: {  	s19 =	sadd.s32 $0x2000, s21;
	s20 =	sadd.s32 $0x4000, s21;
	[dreg:$0x7] =	wrdreg s21  }
0xe: {  	s22 =	sadd.s32 $0x6000, s21;
	s23 =	sshrl.u32 s17, $0x3;
	[dreg:$0x8] =	wrdreg s19  }
0xf: {  	s12 =	sadd.s32 $0x40, s17;
	s10 =	sadd.s32 s8, s10;
	[dreg:$0x9] =	wrdreg s20  }
0x10: {  	[dreg:$0xa] =	wrdreg s22;
	s14 =	sadd.s32 s2, s23;
	s11 =	sadd.s32 s3, s23  }
0x11: {  	s24 =	sshrl.u32 s12, $0x3;
	[dreg:$0xd] =	wrdreg s10;
	s31 =	sshll.u32 s12, $0x4  }
0x12: {  	s19 =	sadd.s32 $0x80, s17;
	s12 =	sadd.s32 $0x2700, s17;
	[dreg:$0xb] =	wrdreg s14  }
0x13: {  	s20 =	sadd.s32 $0xC0, s17;
	s17 =	smax.u32 s9, $0x1;
	[dreg:$0xc] =	wrdreg s11  }
0x14: {  	s5 =	simm.s32 @!p0 $0x2A800;
	s22 =	sadd.s32 $0x8000, s21;
	[dreg:$0x15] =	wrdreg s17  }
0x15: {  	s0 =	sadd.s32 s5, s0;
	s23 =	sadd.s32 $0xA000, s21;
	[dreg:$0x16] =	wrdreg s22  }
0x16: {  	s5 =	simm.s32 $0x200;
	s25 =	sadd.s32 s2, s24;
	[dreg:$0x17] =	wrdreg s23  }
0x17: {  	s26 =	sadd.s32 s3, s24;
	s10 =	sadd.s32 s8, s31;
	[dreg:$0xe] =	wrdreg s25  }
0x18: {  	s11 =	smul.u32 $0x2780, s13;
	s13 =	sshrl.u32 s12, $0x3;
	[dreg:$0xf] =	wrdreg s26  }
0x19: {  	s16 =	sshll.u32 s12, $0x4;
	s24 =	sadd.s32 $0xC000, s21;
	[dreg:$0x10] =	wrdreg s10  }
0x1a: {  	s31 =	sadd.s32 $0x12000, s21;
	s12 =	simm.s32 $0x40;
	[dreg:$0x18] =	wrdreg s24  }
0x1b: {  	s17 =	simm.s32 $0x2200;
	s14 =	sadd.s32 s2, s13;
	[dreg:$0x1b] =	wrdreg s31  }
0x1c: {  	s22 =	simm.s32 $0x1;
	s15 =	sadd.s32 s3, s13;
	[dreg:$0x12] =	wrdreg s14  }
0x1d: {  	s23 =	simm.s32 $0x3;
	s25 =	sadd.s32 $0xE000, s21;
	[dreg:$0x13] =	wrdreg s15  }
0x1e: {  	s26 =	sadd.s32 $0x10000, s21;
	s10 =	simm.s32 $0x9;
	[dreg:$0x19] =	wrdreg s25  }
0x1f: {  	s24 =	simm.s32 $0x5;
	s0 =	sadd.s32 s0, s11;
	[dreg:$0x1a] =	wrdreg s26  }
0x20: {  	s11 =	simm.s32 $0x100;
	s14 =	simm.s32 $0x8200;
	s15 =	simm.s32 $0x80  }
0x21: {  	s25 =	simm.s32 $0x7;
	[dreg:$0x11] =	wrdreg s0;
	s0 =	sadd.s32 s8, s16  }
0x22: {  	v0 =	vimm.f32 $0.0e+00;
	s26 =	simm.s32 $0x2;
	s16 =	simm.s32 $0x180;
	[dreg:$0x14] =	wrdreg s0  }
.LBB2_1:
0x23: {  	[dreg:$0x6] =	wrdreg s18;
	s0 =	simm.s32 $0x0;
	s6 =	simm.s32 $0x200  }
.LBB2_2:
0x24: {  	p0 =	sne.s32 s6, $0x7E00;
	[tilespmem:s0+$0x270] =	vst v0  }
0x25: {  	[tilespmem:s0+$0x200] =	vst v0  }
0x26: {  	[tilespmem:s0+$0x210] =	vst v0  }
.Ltmp0:
0x27: {  	[tilespmem:s0+$0x220] =	vst v0;
	(pc) =	sbr.rel @p0 .LBB2_2-.Ltmp0, $4  }
0x28: {  	[tilespmem:s0+$0x230] =	vst v0  }
0x29: {  	[tilespmem:s0+$0x240] =	vst v0  }
0x2a: {  	[tilespmem:s0+$0x250] =	vst v0  }
0x2b: {  	[tilespmem:s0+$0x260] =	vst v0;
	s0 =	sshra.s32 s6, $0x2;
	s6 =	sadd.s32 $0x200, s6  }
0x2c: {  	[tilespmem:s0+$0x270] =	vst v0  }
0x2d: {  	[tilespmem:s0+$0x200] =	vst v0  }
0x2e: {  	[tilespmem:s0+$0x210] =	vst v0  }
0x2f: {  	[tilespmem:s0+$0x220] =	vst v0  }
0x30: {  	[tilespmem:s0+$0x230] =	vst v0  }
0x31: {  	[tilespmem:s0+$0x240] =	vst v0  }
0x32: {  	[tilespmem:s0+$0x250] =	vst v0  }
0x33: {  	[tilespmem:s0+$0x260] =	vst v0  }
0x34: {  	[spmem:s21] =	stream.linear.scatter [tilespmem:s5], [sflag:$0x9], $0x2000, $0x38;
	[tilespmem:$0x1FF00] =	vst v63  }
0x35: {  	_ =	swait.ge [sflag:s10], $0x2000  }
0x36: {  	[sflag:s10] =	ssyncset.done $0x0  }
0x37: {  	s9 =	rddreg [dreg:$0x8];
	[sflag:s10] =	ssyncadd.s32 $0xFFFFE000  }
0x38: {  	[spmem:s9] =	stream.linear.scatter [tilespmem:s5], [sflag:$0x9], $0x2000, $0x38;
	[tilespmem:$0x1FF00] =	vst v63  }
0x39: {  	_ =	swait.ge [sflag:s10], $0x2000  }
0x3a: {  	[sflag:s10] =	ssyncset.done $0x0  }
0x3b: {  	s13 =	rddreg [dreg:$0x9];
	[sflag:s10] =	ssyncadd.s32 $0xFFFFE000  }
0x3c: {  	[spmem:s13] =	stream.linear.scatter [tilespmem:s5], [sflag:$0x9], $0x2000, $0x38;
	[tilespmem:$0x1FF00] =	vst v63  }
0x3d: {  	_ =	swait.ge [sflag:s10], $0x2000  }
0x3e: {  	[sflag:s10] =	ssyncset.done $0x0  }
0x3f: {  	s18 =	rddreg [dreg:$0xa];
	[sflag:s10] =	ssyncadd.s32 $0xFFFFE000  }
0x40: {  	[spmem:s18] =	stream.linear.scatter [tilespmem:s5], [sflag:$0x9], $0x2000, $0x38;
	[tilespmem:$0x1FF00] =	vst v63  }
0x41: {  	_ =	swait.ge [sflag:s10], $0x2000  }
0x42: {  	[sflag:s10] =	ssyncset.done $0x0  }
0x43: {  	s21 =	rddreg [dreg:$0x16];
	[sflag:s10] =	ssyncadd.s32 $0xFFFFE000  }
0x44: {  	[spmem:s21] =	stream.linear.scatter [tilespmem:s5], [sflag:$0x9], $0x2000, $0x38;
	[tilespmem:$0x1FF00] =	vst v63  }
0x45: {  	_ =	swait.ge [sflag:s10], $0x2000  }
0x46: {  	[sflag:s10] =	ssyncset.done $0x0  }
0x47: {  	s31 =	rddreg [dreg:$0x17];
	[sflag:s10] =	ssyncadd.s32 $0xFFFFE000  }
0x48: {  	[spmem:s31] =	stream.linear.scatter [tilespmem:s5], [sflag:$0x9], $0x2000, $0x38;
	[tilespmem:$0x1FF00] =	vst v63  }
0x49: {  	_ =	swait.ge [sflag:s10], $0x2000  }
0x4a: {  	[sflag:s10] =	ssyncset.done $0x0  }
0x4b: {  	s6 =	rddreg [dreg:$0x18];
	[sflag:s10] =	ssyncadd.s32 $0xFFFFE000  }
0x4c: {  	[spmem:s6] =	stream.linear.scatter [tilespmem:s5], [sflag:$0x9], $0x2000, $0x38;
	[tilespmem:$0x1FF00] =	vst v63  }
0x4d: {  	_ =	swait.ge [sflag:s10], $0x2000  }
0x4e: {  	[sflag:s10] =	ssyncset.done $0x0  }
0x4f: {  	s9 =	rddreg [dreg:$0x19];
	[sflag:s10] =	ssyncadd.s32 $0xFFFFE000  }
0x50: {  	[spmem:s9] =	stream.linear.scatter [tilespmem:s5], [sflag:$0x9], $0x2000, $0x38;
	[tilespmem:$0x1FF00] =	vst v63  }
0x51: {  	_ =	swait.ge [sflag:s10], $0x2000  }
0x52: {  	[sflag:s10] =	ssyncset.done $0x0  }
0x53: {  	s13 =	rddreg [dreg:$0x1a];
	[sflag:s10] =	ssyncadd.s32 $0xFFFFE000  }
0x54: {  	[spmem:s13] =	stream.linear.scatter [tilespmem:s5], [sflag:$0x9], $0x2000, $0x38;
	[tilespmem:$0x1FF00] =	vst v63  }
0x55: {  	_ =	swait.ge [sflag:s10], $0x2000  }
0x56: {  	[sflag:s10] =	ssyncset.done $0x0  }
0x57: {  	s18 =	rddreg [dreg:$0x1b];
	[sflag:s10] =	ssyncadd.s32 $0xFFFFE000  }
0x58: {  	[spmem:s18] =	stream.linear.scatter [tilespmem:s5], [sflag:$0x9], $0x1C00, $0x38;
	[tilespmem:$0x1FF00] =	vst v63  }
0x59: {  	_ =	swait.ge [sflag:s10], $0x1C00  }
0x5a: {  	[sflag:s10] =	ssyncset.done $0x0  }
0x5b: {  	[sflag:s10] =	ssyncadd.s32 $0xFFFFE400  }
0x5c: {  	[bflag:$0x0] =	sbarrier.arrive $0xFFFF  }
0x5d: {  	s0 =	simm.s32 $0x0;
	s6 =	rddreg [dreg:$0xb]  }
0x5e: {  	[tilespmem:s0], [sflag:$0x9] =	stream.linear.gather [hbm4b:s6+s0], $0x40, $0x38;
	[tilespmem:$0x1FF00] =	vst v63  }
0x5f: {  	_ =	swait.ge [sflag:s10], $0x40  }
0x60: {  	[sflag:s10] =	ssyncset.done $0x0  }
0x61: {  	s21 =	rddreg [dreg:$0xc];
	[sflag:s10] =	ssyncadd.s32 $0xFFFFFFC0  }
0x62: {  	[tilespmem:s11], [sflag:$0x9] =	stream.linear.gather [hbm4b:s21+s0], $0x40, $0x38;
	[tilespmem:$0x1FF00] =	vst v63  }
0x63: {  	_ =	swait.ge [sflag:s10], $0x40  }
0x64: {  	[sflag:s10] =	ssyncset.done $0x0  }
0x65: {  	[sflag:s10] =	ssyncadd.s32 $0xFFFFFFC0  }
0x66: {  	[tilespmem:s5], [sflag:$0x1] =	stream.indirect.gather [hbm4b:s1+s12], $0x80, s0, s12, $0xb8;
	[tilespmem:$0x1FF00] =	vst v63  }
0x67: {  	s31 =	simm.s32 $0x4200  }
0x68: {  	[tilespmem:s31], [sflag:$0x3] =	stream.indirect.gather [hbm4b:s7+s12], $0x80, s11, s12, $0xb8;
	[tilespmem:$0x1FF00] =	vst v63  }
0x69: {  	s9 =	rddreg [dreg:$0xd]  }
0x6a: {  	[tilespmem:s14], [sflag:$0x5] =	stream.linear.gather [hbm4b:s9+s0], $0x2000, $0x38;
	[tilespmem:$0x1FF00] =	vst v63  }
0x6b: {  	s13 =	rddreg [dreg:$0xe]  }
0x6c: {  	[tilespmem:s15], [sflag:$0x9] =	stream.linear.gather [hbm4b:s13+s0], $0x40, $0x38;
	[tilespmem:$0x1FF00] =	vst v63  }
0x6d: {  	_ =	swait.ge [sflag:s10], $0x40  }
0x6e: {  	[sflag:s10] =	ssyncset.done $0x0  }
0x6f: {  	s18 =	rddreg [dreg:$0xf];
	[sflag:s10] =	ssyncadd.s32 $0xFFFFFFC0  }
0x70: {  	[tilespmem:s16], [sflag:$0x9] =	stream.linear.gather [hbm4b:s18+s0], $0x40, $0x38;
	[tilespmem:$0x1FF00] =	vst v63  }
0x71: {  	_ =	swait.ge [sflag:s10], $0x40  }
0x72: {  	[sflag:s10] =	ssyncset.done $0x0  }
0x73: {  	[sflag:s10] =	ssyncadd.s32 $0xFFFFFFC0  }
0x74: {  	[tilespmem:s17], [sflag:$0x2] =	stream.indirect.gather [hbm4b:s1+s12], $0x80, s15, s12, $0xb8;
	[tilespmem:$0x1FF00] =	vst v63  }
0x75: {  	s21 =	simm.s32 $0x6200  }
0x76: {  	[tilespmem:s21], [sflag:$0x4] =	stream.indirect.gather [hbm4b:s7+s12], $0x80, s16, s12, $0xb8;
	[tilespmem:$0x1FF00] =	vst v63  }
0x77: {  	s9 =	simm.s32 $0xA200;
	s31 =	rddreg [dreg:$0x10]  }
0x78: {  	[tilespmem:s9], [sflag:$0x6] =	stream.linear.gather [hbm4b:s31+s0], $0x2000, $0x38;
	[tilespmem:$0x1FF00] =	vst v63  }
0x79: {  	_ =	swait.ge [sflag:s22], $0x2000  }
0x7a: {  	[sflag:s22] =	ssyncset.done $0x0  }
0x7b: {  	[sflag:s22] =	ssyncadd.s32 $0xFFFFE000  }
0x7c: {  	_ =	swait.ge [sflag:s23], $0x2000  }
0x7d: {  	[sflag:s23] =	ssyncset.done $0x0  }
0x7e: {  	[sflag:s23] =	ssyncadd.s32 $0xFFFFE000  }
0x7f: {  	_ =	swait.ge [sflag:s24], $0x2000  }
0x80: {  	[sflag:s24] =	ssyncset.done $0x0  }
0x81: {  	s0 =	simm.s32 $0x0;
	[sflag:s24] =	ssyncadd.s32 $0xFFFFE000  }
0x82: {  	v1 =	vld [tilespmem:s0+$0x4220]  }
0x83: {  	v2 =	vld [tilespmem:s0+$0x4230]  }
0x84: {  	v3 =	vld [tilespmem:s0+$0x4270]  }
0x85: {  	v6 =	vld [tilespmem:s0+$0x4210]  }
0x86: {  	v4 =	vld [tilespmem:s0+$0x4250]  }
0x87: {  	v5 =	vld [tilespmem:s0+$0x270]  }
0x88: {  	v7 =	vld [tilespmem:s0+$0x4240]  }
0x89: {  	v8 =	vld [tilespmem:s0+$0x250]  }
0x8a: {  	v10 =	vld [tilespmem:s0+$0x240]  }
0x8b: {  	v11 =	vld [tilespmem:s0+$0x4200]  }
0x8c: {  	v12 =	vld [tilespmem:s0+$0x230]  }
0x8d: {  	v9 =	vadd.f32 v3, v5;
	v3 =	vld [tilespmem:s0+$0x220]  }
0x8e: {  	v13 =	vld [tilespmem:s0+$0x210]  }
0x8f: {  	v14 =	vld [tilespmem:s0+$0x200];
	v8 =	vadd.f32 v4, v8  }
0x90: {  	v15 =	vld [tilespmem:s0+$0x4260];
	v7 =	vadd.f32 v7, v10;
	v4 =	vsub.f32 $0.0e+00, v9  }
0x91: {  	v5 =	vadd.f32 v2, v12;
	v12 =	vld [tilespmem:s0+$0x260];
	v10 =	vsub.f32 $0.0e+00, v8  }
0x92: {  	v2 =	vsub.f32 $0.0e+00, v7;
	v16 =	vmul.f32 $1.442695020e+00, v4;
	v4 =	vadd.f32 v1, v3  }
0x93: {  	v1 =	vmul.f32 $1.442695020e+00, v10;
	v3 =	vadd.f32 v6, v13;
	v6 =	vsub.f32 $0.0e+00, v5  }
0x94: {  	v10 =	vmul.f32 $1.442695020e+00, v2;
	v2 =	vadd.f32 v11, v14;
	(erf) = vpow2.f32 v16  }
0x95: {  	v11 =	vsub.f32 $0.0e+00, v4;
	(erf) = vpow2.f32 v1;
	v6 =	vmul.f32 $1.442695020e+00, v6  }
0x96: {  	v1 =	vadd.f32 v15, v12;
	(erf) = vpow2.f32 v10;
	v10 =	vsub.f32 $0.0e+00, v2  }
0x97: {  	v13 =	vsub.f32 $0.0e+00, v3;
	v11 =	vmul.f32 $1.442695020e+00, v11  }
0x98: {  	(erf) = vpow2.f32 v6;
	v6 =	vmul.f32 $1.442695020e+00, v10;
	v10 =	vsub.f32 $0.0e+00, v1  }
0x99: {  	v12 =	vmul.f32 $1.442695020e+00, v13  }
0x9a: {  	(erf) = vpow2.f32 v11;
	v10 =	vmul.f32 $1.442695020e+00, v10  }
0x9b: {  	(erf) = vpow2.f32 v12;
	_ =	sdelay $0x1  }
0x9c: {  	(erf) = vpow2.f32 v6;
	v6 =	vpop (erf)  }
0x9d: {  	(erf) = vpow2.f32 v10;
	v6 =	vadd.f32 $1.000000000e+00, v6;
	v10 =	vpop (erf)  }
0x9e: {  	v11 =	vpop (erf)  }
0x9f: {  	(erf) = vrcp.f32 v6;
	v6 =	vadd.f32 $1.000000000e+00, v11  }
0xa0: {  	v10 =	vadd.f32 $1.000000000e+00, v10  }
0xa1: {  	v11 =	vpop (erf)  }
0xa2: {  	(erf) = vrcp.f32 v10;
	v10 =	vadd.f32 $1.000000000e+00, v11;
	v11 =	vpop (erf)  }
0xa3: {  	(erf) = vrcp.f32 v6;
	v6 =	vpop (erf)  }
0xa4: {  	v12 =	vadd.f32 $1.000000000e+00, v6  }
0xa5: {  	v11 =	vadd.f32 $1.000000000e+00, v11  }
0xa6: {  	(erf) = vrcp.f32 v10;
	v13 =	vpop (erf)  }
0xa7: {  	v6 =	vld [tilespmem:s0+$0x8230];
	(erf) = vrcp.f32 v11;
	v13 =	vadd.f32 $1.000000000e+00, v13  }
0xa8: {  	v11 =	vld [tilespmem:s0+$0x8220];
	(erf) = vrcp.f32 v12;
	v12 =	vpop (erf)  }
0xa9: {  	s6 =	simm.s32 $0x400;
	s9 =	simm.s32 $0x200;
	v10 =	vld [tilespmem:s0+$0x8200];
	(erf) = vrcp.f32 v13;
	v12 =	vadd.f32 $1.000000000e+00, v12  }
.LBB2_4:
0xaa: {  	p0 =	sne.s32 s6, $0x7E00  }
0xab: {  	s18 =	sshra.s32 s9, $0x2;
	v13 =	vld [tilespmem:s0+$0x8210];
	v14 =	vpop (erf);
	s9 =	smov.u32 s6;
	s6 =	sadd.s32 $0x200, s6  }
0xac: {  	v15 =	vld [tilespmem:s18+$0x4220];
	v9 =	vmul.f32 v14, v9;
	(erf) = vrcp.f32 v12  }
0xad: {  	v19 =	vand.u32 $0xFFFF0000, v6;
	v12 =	vld [tilespmem:s18+$0x4230];
	v14 =	vand.u32 $0xFFFF0000, v11;
	v17 =	vpop (erf)  }
0xae: {  	v18 =	vld [tilespmem:s18+$0x4270];
	v8 =	vmul.f32 v17, v8;
	v19 =	vmul.f32 v19, v9;
	v16 =	vpop (erf)  }
0xaf: {  	v17 =	vld [tilespmem:s18+$0x4210];
	v7 =	vmul.f32 v16, v7  }
0xb0: {  	v11 =	vshll.u32 v11, $0x10;
	v16 =	vld [tilespmem:s18+$0x4250];
	v21 =	vmul.f32 v14, v8;
	[tilespmem:s0+$0x270] =	vst v19;
	v9 =	vpop (erf)  }
0xb1: {  	v19 =	vand.u32 $0xFFFF0000, v13;
	v14 =	vld [tilespmem:s18+$0x270];
	v5 =	vmul.f32 v9, v5;
	v22 =	vmul.f32 v11, v7;
	v9 =	vpop (erf)  }
0xb2: {  	v20 =	vand.u32 $0xFFFF0000, v10;
	v11 =	vld [tilespmem:s18+$0x4240];
	v4 =	vmul.f32 v9, v4;
	[tilespmem:s0+$0x250] =	vst v21;
	v8 =	vpop (erf)  }
0xb3: {  	v21 =	vld [tilespmem:s18+$0x250];
	v3 =	vmul.f32 v8, v3;
	v8 =	vshll.u32 v13, $0x10;
	v9 =	vmul.f32 v19, v5;
	[tilespmem:s0+$0x240] =	vst v22;
	v7 =	vpop (erf)  }
0xb4: {  	v6 =	vshll.u32 v6, $0x10;
	v13 =	vld [tilespmem:s18+$0x240];
	v2 =	vmul.f32 v7, v2;
	v4 =	vmul.f32 v8, v4  }
0xb5: {  	v7 =	vshll.u32 v10, $0x10;
	v19 =	vld [tilespmem:s18+$0x4200];
	v3 =	vmul.f32 v20, v3;
	[tilespmem:s0+$0x230] =	vst v9;
	v5 =	vpop (erf)  }
0xb6: {  	v10 =	vld [tilespmem:s18+$0x230];
	v9 =	vadd.f32 v18, v14;
	v2 =	vmul.f32 v7, v2;
	[tilespmem:s0+$0x220] =	vst v4;
	v1 =	vmul.f32 v5, v1  }
0xb7: {  	v4 =	vld [tilespmem:s18+$0x220];
	[tilespmem:s0+$0x210] =	vst v3  }
0xb8: {  	v3 =	vld [tilespmem:s18+$0x210];
	v8 =	vadd.f32 v16, v21;
	v5 =	vsub.f32 $0.0e+00, v9;
	[tilespmem:s0+$0x200] =	vst v2;
	v1 =	vmul.f32 v6, v1  }
0xb9: {  	v2 =	vld [tilespmem:s18+$0x200];
	v7 =	vadd.f32 v11, v13  }
0xba: {  	v6 =	vsub.f32 $0.0e+00, v8;
	v11 =	vld [tilespmem:s18+$0x4260];
	v13 =	vmul.f32 $1.442695020e+00, v5;
	[tilespmem:s0+$0x260] =	vst v1;
	s0 =	smov.u32 s18  }
0xbb: {  	v5 =	vadd.f32 v12, v10;
	v1 =	vsub.f32 $0.0e+00, v7;
	v12 =	vld [tilespmem:s0+$0x260]  }
0xbc: {  	v4 =	vadd.f32 v15, v4;
	v14 =	vmul.f32 $1.442695020e+00, v6;
	v6 =	vld [tilespmem:s0+$0x8230];
	(erf) = vpow2.f32 v13  }
0xbd: {  	v10 =	vld [tilespmem:s0+$0x8200];
	v3 =	vadd.f32 v17, v3;
	v13 =	vsub.f32 $0.0e+00, v5;
	v1 =	vmul.f32 $1.442695020e+00, v1  }
0xbe: {  	v2 =	vadd.f32 v19, v2;
	v15 =	vsub.f32 $0.0e+00, v4;
	(erf) = vpow2.f32 v14  }
0xbf: {  	v14 =	vsub.f32 $0.0e+00, v3;
	v13 =	vmul.f32 $1.442695020e+00, v13;
	(erf) = vpow2.f32 v1  }
0xc0: {  	v16 =	vsub.f32 $0.0e+00, v2;
	v15 =	vmul.f32 $1.442695020e+00, v15;
	v1 =	vadd.f32 v11, v12  }
0xc1: {  	v11 =	vmul.f32 $1.442695020e+00, v14;
	(erf) = vpow2.f32 v13  }
0xc2: {  	v14 =	vmul.f32 $1.442695020e+00, v16;
	v13 =	vsub.f32 $0.0e+00, v1;
	(erf) = vpow2.f32 v15  }
0xc3: {  	(erf) = vpow2.f32 v11  }
0xc4: {  	v13 =	vmul.f32 $1.442695020e+00, v13;
	(erf) = vpow2.f32 v14  }
0xc5: {  	v12 =	vpop (erf)  }
0xc6: {  	v12 =	vadd.f32 $1.000000000e+00, v12;
	(erf) = vpow2.f32 v13  }
0xc7: {  	v11 =	vpop (erf)  }
0xc8: {  	v11 =	vadd.f32 $1.000000000e+00, v11;
	v13 =	vpop (erf);
	(erf) = vrcp.f32 v12  }
0xc9: {  	v12 =	vadd.f32 $1.000000000e+00, v13  }
0xca: {  	v13 =	vpop (erf);
	(erf) = vrcp.f32 v11  }
0xcb: {  	v11 =	vadd.f32 $1.000000000e+00, v13;
	v13 =	vpop (erf);
	(erf) = vrcp.f32 v12  }
.Ltmp1:
0xcc: {  	v15 =	vadd.f32 $1.000000000e+00, v13;
	v13 =	vpop (erf);
	(pc) =	sbr.rel @p0 .LBB2_4-.Ltmp1, $4  }
0xcd: {  	v13 =	vadd.f32 $1.000000000e+00, v13;
	v14 =	vpop (erf);
	(erf) = vrcp.f32 v11  }
0xce: {  	v14 =	vadd.f32 $1.000000000e+00, v14;
	v11 =	vld [tilespmem:s0+$0x8220];
	(erf) = vrcp.f32 v15  }
0xcf: {  	(erf) = vrcp.f32 v13;
	v12 =	vpop (erf)  }
0xd0: {  	v12 =	vadd.f32 $1.000000000e+00, v12;
	(erf) = vrcp.f32 v14  }
0xd1: {  	s6 =	sshra.s32 s9, $0x2;
	v13 =	vld [tilespmem:s0+$0x8210];
	v14 =	vpop (erf)  }
0xd2: {  	v15 =	vld [tilespmem:s6+$0x4220];
	v9 =	vmul.f32 v14, v9;
	(erf) = vrcp.f32 v12  }
0xd3: {  	v16 =	vand.u32 $0xFFFF0000, v6;
	v53 =	vld [tilespmem:s6+$0x4230];
	v18 =	vpop (erf)  }
0xd4: {  	v17 =	vld [tilespmem:s6+$0x4270];
	v9 =	vmul.f32 v16, v9;
	v8 =	vmul.f32 v18, v8;
	v20 =	vpop (erf)  }
0xd5: {  	v54 =	vld [tilespmem:s6+$0x4210];
	v19 =	vand.u32 $0xFFFF0000, v11;
	v7 =	vmul.f32 v20, v7  }
0xd6: {  	v55 =	vld [tilespmem:s6+$0x4250];
	v56 =	vshll.u32 v11, $0x10;
	[tilespmem:s0+$0x270] =	vst v9;
	v8 =	vmul.f32 v19, v8;
	v58 =	vpop (erf)  }
0xd7: {  	v9 =	vld [tilespmem:s6+$0x270];
	v7 =	vmul.f32 v56, v7;
	v5 =	vmul.f32 v58, v5;
	v60 =	vpop (erf)  }
0xd8: {  	v59 =	vand.u32 $0xFFFF0000, v13;
	v57 =	vld [tilespmem:s6+$0x4240];
	[tilespmem:s0+$0x250] =	vst v8;
	v4 =	vmul.f32 v60, v4;
	v61 =	vpop (erf)  }
0xd9: {  	v62 =	vshll.u32 v13, $0x10;
	v8 =	vld [tilespmem:s6+$0x250];
	[tilespmem:s0+$0x240] =	vst v7;
	v5 =	vmul.f32 v59, v5;
	v3 =	vmul.f32 v61, v3;
	v21 =	vpop (erf)  }
0xda: {  	v20 =	vand.u32 $0xFFFF0000, v10;
	v7 =	vld [tilespmem:s6+$0x240];
	v4 =	vmul.f32 v62, v4;
	v2 =	vmul.f32 v21, v2  }
0xdb: {  	v23 =	vshll.u32 v10, $0x10;
	v63 =	vld [tilespmem:s6+$0x4200];
	[tilespmem:s0+$0x230] =	vst v5;
	v3 =	vmul.f32 v20, v3;
	v25 =	vpop (erf)  }
0xdc: {  	v22 =	vld [tilespmem:s6+$0x230];
	[tilespmem:s0+$0x220] =	vst v4;
	v2 =	vmul.f32 v23, v2;
	v1 =	vmul.f32 v25, v1  }
0xdd: {  	v26 =	vshll.u32 v6, $0x10;
	v24 =	vld [tilespmem:s6+$0x220];
	[tilespmem:s0+$0x210] =	vst v3  }
0xde: {  	v27 =	vadd.f32 v17, v9;
	v3 =	vld [tilespmem:s6+$0x210];
	[tilespmem:s0+$0x200] =	vst v2;
	v1 =	vmul.f32 v26, v1  }
0xdf: {  	v28 =	vadd.f32 v55, v8;
	v2 =	vld [tilespmem:s6+$0x200]  }
0xe0: {  	v29 =	vsub.f32 $0.0e+00, v27;
	v30 =	vld [tilespmem:s6+$0x4260];
	[tilespmem:s0+$0x260] =	vst v1  }
0xe1: {  	v7 =	vadd.f32 v57, v7;
	v1 =	vsub.f32 $0.0e+00, v28;
	v31 =	vld [tilespmem:s6+$0x260]  }
0xe2: {  	v8 =	vmul.f32 $1.442695020e+00, v29;
	v32 =	vadd.f32 v53, v22  }
0xe3: {  	v33 =	vsub.f32 $0.0e+00, v7;
	v5 =	vadd.f32 v15, v24;
	v1 =	vmul.f32 $1.442695020e+00, v1  }
0xe4: {  	(erf) = vpow2.f32 v8;
	v3 =	vadd.f32 v54, v3;
	v34 =	vsub.f32 $0.0e+00, v32  }
0xe5: {  	v12 =	vmul.f32 $1.442695020e+00, v33;
	v35 =	vsub.f32 $0.0e+00, v5;
	(erf) = vpow2.f32 v1  }
0xe6: {  	v1 =	vsub.f32 $0.0e+00, v3;
	v8 =	vmul.f32 $1.442695020e+00, v34;
	v9 =	vadd.f32 v30, v31  }
0xe7: {  	v2 =	vadd.f32 v63, v2;
	(erf) = vpow2.f32 v12;
	v37 =	vmul.f32 $1.442695020e+00, v35  }
0xe8: {  	v1 =	vmul.f32 $1.442695020e+00, v1;
	(erf) = vpow2.f32 v8;
	v38 =	vsub.f32 $0.0e+00, v9  }
0xe9: {  	v36 =	vsub.f32 $0.0e+00, v2;
	(erf) = vpow2.f32 v37  }
0xea: {  	(erf) = vpow2.f32 v1;
	v1 =	vmul.f32 $1.442695020e+00, v38  }
0xeb: {  	v10 =	vmul.f32 $1.442695020e+00, v36;
	_ =	sdelay $0x1  }
0xec: {  	(erf) = vpow2.f32 v10  }
0xed: {  	(erf) = vpow2.f32 v1;
	v1 =	vpop (erf)  }
0xee: {  	v1 =	vadd.f32 $1.000000000e+00, v1;
	v39 =	vpop (erf)  }
0xef: {  	v8 =	vadd.f32 $1.000000000e+00, v39;
	v40 =	vpop (erf)  }
0xf0: {  	(erf) = vrcp.f32 v1;
	v1 =	vadd.f32 $1.000000000e+00, v40;
	v41 =	vpop (erf)  }
0xf1: {  	(erf) = vrcp.f32 v8;
	v43 =	vpop (erf)  }
0xf2: {  	(erf) = vrcp.f32 v1;
	v1 =	vadd.f32 $1.000000000e+00, v43  }
0xf3: {  	v42 =	vadd.f32 $1.000000000e+00, v41  }
0xf4: {  	v44 =	vpop (erf)  }
0xf5: {  	v10 =	vadd.f32 $1.000000000e+00, v44;
	v45 =	vpop (erf);
	(erf) = vrcp.f32 v42  }
0xf6: {  	v46 =	vadd.f32 $1.000000000e+00, v45;
	(erf) = vrcp.f32 v1;
	v1 =	vpop (erf)  }
0xf7: {  	(erf) = vrcp.f32 v10;
	v1 =	vadd.f32 $1.000000000e+00, v1  }
0xf8: {  	v47 =	vld [tilespmem:s6+$0x8230];
	(erf) = vrcp.f32 v46  }
0xf9: {  	v48 =	vld [tilespmem:s6+$0x8220];
	(erf) = vrcp.f32 v1;
	_ =	sdelay $0x1  }
0xfa: {  	v49 =	vld [tilespmem:s6+$0x8210];
	v1 =	vpop (erf)  }
0xfb: {  	v1 =	vmul.f32 v1, v27;
	v50 =	vpop (erf)  }
0xfc: {  	v51 =	vld [tilespmem:s6+$0x8200];
	v52 =	vand.u32 $0xFFFF0000, v47;
	v4 =	vmul.f32 v50, v28;
	v53 =	vpop (erf)  }
0xfd: {  	v54 =	vand.u32 $0xFFFF0000, v48;
	v1 =	vmul.f32 v52, v1;
	v6 =	vmul.f32 v53, v7;
	v55 =	vpop (erf)  }
0xfe: {  	v8 =	vshll.u32 v48, $0x10;
	v4 =	vmul.f32 v54, v4;
	v7 =	vmul.f32 v55, v32;
	v56 =	vpop (erf)  }
0xff: {  	[tilespmem:s6+$0x270] =	vst v1;
	v1 =	vand.u32 $0xFFFF0000, v49;
	v6 =	vmul.f32 v8, v6;
	v5 =	vmul.f32 v56, v5;
	v57 =	vpop (erf)  }
0x100: {  	v58 =	vshll.u32 v49, $0x10;
	[tilespmem:s6+$0x250] =	vst v4;
	v3 =	vmul.f32 v57, v3;
	v1 =	vmul.f32 v1, v7;
	v59 =	vpop (erf)  }
0x101: {  	v60 =	vand.u32 $0xFFFF0000, v51;
	[tilespmem:s6+$0x240] =	vst v6;
	v2 =	vmul.f32 v59, v2;
	v4 =	vmul.f32 v58, v5;
	v61 =	vpop (erf)  }
0x102: {  	v62 =	vshll.u32 v51, $0x10;
	v3 =	vmul.f32 v60, v3;
	[tilespmem:s6+$0x230] =	vst v1;
	v1 =	vmul.f32 v61, v9  }
0x103: {  	v63 =	vshll.u32 v47, $0x10;
	v2 =	vmul.f32 v62, v2;
	[tilespmem:s6+$0x220] =	vst v4  }
0x104: {  	[tilespmem:s6+$0x210] =	vst v3;
	v1 =	vmul.f32 v63, v1  }
0x105: {  	[tilespmem:s6+$0x200] =	vst v2  }
0x106: {  	s31 =	simm.s32 $0x0;
	s0 =	simm.s32 $0x0;
	[tilespmem:s6+$0x260] =	vst v1  }
0x107: {  	[spmem:s4] =	stream.indirect.scatter.add.f32 [tilespmem:s5], [sflag:$0x7], $0x80, s11, s12, $0xb8;
	[tilespmem:$0x1FF00] =	vst v63  }
.LBB2_6:
0x108: {  	s9 =	sshll.u32 s0, $0x7  }
0x109: {  	_ =	swait.ge [sflag:s25], $0x2000;
	s6 =	sadd.s32 s9, s19  }
0x10a: {  	[sflag:s25] =	ssyncset.done $0x0;
	s13 =	sshrl.u32 s6, $0x3  }
0x10b: {  	[sflag:s25] =	ssyncadd.s32 $0xFFFFE000;
	s18 =	sadd.s32 s2, s13  }
0x10c: {  	[tilespmem:s31], [sflag:$0x9] =	stream.linear.gather [hbm4b:s18+s31], $0x40, $0x38;
	[tilespmem:$0x1FF00] =	vst v63  }
0x10d: {  	_ =	swait.ge [sflag:s10], $0x40  }
0x10e: {  	[sflag:s10] =	ssyncset.done $0x0  }
0x10f: {  	s13 =	sadd.s32 s3, s13;
	[sflag:s10] =	ssyncadd.s32 $0xFFFFFFC0  }
0x110: {  	[tilespmem:s11], [sflag:$0x9] =	stream.linear.gather [hbm4b:s13+s31], $0x40, $0x38;
	[tilespmem:$0x1FF00] =	vst v63  }
0x111: {  	_ =	swait.ge [sflag:s10], $0x40  }
0x112: {  	[sflag:s10] =	ssyncset.done $0x0  }
0x113: {  	[sflag:s10] =	ssyncadd.s32 $0xFFFFFFC0  }
0x114: {  	[tilespmem:s5], [sflag:$0x1] =	stream.indirect.gather [hbm4b:s1+s12], $0x80, s31, s12, $0xb8;
	[tilespmem:$0x1FF00] =	vst v63  }
0x115: {  	s21 =	simm.s32 $0x4200;
	s6 =	sshll.u32 s6, $0x4  }
0x116: {  	[tilespmem:s21], [sflag:$0x3] =	stream.indirect.gather [hbm4b:s7+s12], $0x80, s11, s12, $0xb8;
	[tilespmem:$0x1FF00] =	vst v63  }
0x117: {  	s6 =	sadd.s32 s8, s6  }
0x118: {  	[tilespmem:s14], [sflag:$0x5] =	stream.linear.gather [hbm4b:s6+s31], $0x2000, $0x38;
	[tilespmem:$0x1FF00] =	vst v63  }
0x119: {  	_ =	swait.ge [sflag:s26], $0x2000  }
0x11a: {  	[sflag:s26] =	ssyncset.done $0x0  }
0x11b: {  	[sflag:s26] =	ssyncadd.s32 $0xFFFFE000  }
0x11c: {  	_ =	swait.ge [sflag:s28], $0x2000  }
0x11d: {  	[sflag:s28] =	ssyncset.done $0x0  }
0x11e: {  	[sflag:s28] =	ssyncadd.s32 $0xFFFFE000  }
0x11f: {  	_ =	swait.ge [sflag:s29], $0x2000  }
0x120: {  	[sflag:s29] =	ssyncset.done $0x0  }
0x121: {  	s6 =	simm.s32 $0x0;
	[sflag:s29] =	ssyncadd.s32 $0xFFFFE000  }
0x122: {  	v1 =	vld [tilespmem:s6+$0x6220]  }
0x123: {  	v2 =	vld [tilespmem:s6+$0x6230]  }
0x124: {  	v3 =	vld [tilespmem:s6+$0x6270]  }
0x125: {  	v6 =	vld [tilespmem:s6+$0x6210]  }
0x126: {  	v4 =	vld [tilespmem:s6+$0x6250]  }
0x127: {  	v5 =	vld [tilespmem:s6+$0x2270]  }
0x128: {  	v7 =	vld [tilespmem:s6+$0x6240]  }
0x129: {  	v8 =	vld [tilespmem:s6+$0x2250]  }
0x12a: {  	v10 =	vld [tilespmem:s6+$0x2240]  }
0x12b: {  	v11 =	vld [tilespmem:s6+$0x6200]  }
0x12c: {  	v12 =	vld [tilespmem:s6+$0x2230]  }
0x12d: {  	v9 =	vadd.f32 v3, v5;
	v3 =	vld [tilespmem:s6+$0x2220]  }
0x12e: {  	v13 =	vld [tilespmem:s6+$0x2210]  }
0x12f: {  	v14 =	vld [tilespmem:s6+$0x2200];
	v8 =	vadd.f32 v4, v8  }
0x130: {  	v15 =	vld [tilespmem:s6+$0x6260];
	v7 =	vadd.f32 v7, v10;
	v4 =	vsub.f32 $0.0e+00, v9  }
0x131: {  	v5 =	vadd.f32 v2, v12;
	v12 =	vld [tilespmem:s6+$0x2260];
	v10 =	vsub.f32 $0.0e+00, v8  }
0x132: {  	v2 =	vsub.f32 $0.0e+00, v7;
	v16 =	vmul.f32 $1.442695020e+00, v4;
	v4 =	vadd.f32 v1, v3  }
0x133: {  	v1 =	vmul.f32 $1.442695020e+00, v10;
	v3 =	vadd.f32 v6, v13;
	v6 =	vsub.f32 $0.0e+00, v5  }
0x134: {  	v10 =	vmul.f32 $1.442695020e+00, v2;
	v2 =	vadd.f32 v11, v14;
	(erf) = vpow2.f32 v16  }
0x135: {  	v11 =	vsub.f32 $0.0e+00, v4;
	(erf) = vpow2.f32 v1;
	v6 =	vmul.f32 $1.442695020e+00, v6  }
0x136: {  	v1 =	vadd.f32 v15, v12;
	(erf) = vpow2.f32 v10;
	v10 =	vsub.f32 $0.0e+00, v2  }
0x137: {  	v13 =	vsub.f32 $0.0e+00, v3;
	v11 =	vmul.f32 $1.442695020e+00, v11  }
0x138: {  	(erf) = vpow2.f32 v6;
	v6 =	vmul.f32 $1.442695020e+00, v10;
	v10 =	vsub.f32 $0.0e+00, v1  }
0x139: {  	v12 =	vmul.f32 $1.442695020e+00, v13  }
0x13a: {  	(erf) = vpow2.f32 v11;
	v10 =	vmul.f32 $1.442695020e+00, v10  }
0x13b: {  	(erf) = vpow2.f32 v12;
	_ =	sdelay $0x1  }
0x13c: {  	(erf) = vpow2.f32 v6;
	v6 =	vpop (erf)  }
0x13d: {  	(erf) = vpow2.f32 v10;
	v6 =	vadd.f32 $1.000000000e+00, v6;
	v10 =	vpop (erf)  }
0x13e: {  	v11 =	vpop (erf)  }
0x13f: {  	(erf) = vrcp.f32 v6;
	v6 =	vadd.f32 $1.000000000e+00, v11  }
0x140: {  	v10 =	vadd.f32 $1.000000000e+00, v10  }
0x141: {  	v11 =	vpop (erf)  }
0x142: {  	(erf) = vrcp.f32 v10;
	v10 =	vadd.f32 $1.000000000e+00, v11;
	v11 =	vpop (erf)  }
0x143: {  	(erf) = vrcp.f32 v6;
	v6 =	vpop (erf)  }
0x144: {  	v12 =	vadd.f32 $1.000000000e+00, v6  }
0x145: {  	v11 =	vadd.f32 $1.000000000e+00, v11  }
0x146: {  	(erf) = vrcp.f32 v10;
	v13 =	vpop (erf)  }
0x147: {  	v6 =	vld [tilespmem:s6+$0xA230];
	(erf) = vrcp.f32 v11;
	v13 =	vadd.f32 $1.000000000e+00, v13  }
0x148: {  	v11 =	vld [tilespmem:s6+$0xA220];
	(erf) = vrcp.f32 v12;
	v12 =	vpop (erf)  }
0x149: {  	s18 =	simm.s32 $0x400;
	s21 =	simm.s32 $0x200;
	v10 =	vld [tilespmem:s6+$0xA200];
	(erf) = vrcp.f32 v13;
	v12 =	vadd.f32 $1.000000000e+00, v12  }
.LBB2_7:
0x14a: {  	p0 =	sne.s32 s18, $0x7E00  }
0x14b: {  	s13 =	sshra.s32 s21, $0x2;
	v13 =	vld [tilespmem:s6+$0xA210];
	v14 =	vpop (erf);
	s21 =	smov.u32 s18;
	s18 =	sadd.s32 $0x200, s18  }
0x14c: {  	v15 =	vld [tilespmem:s13+$0x6220];
	v9 =	vmul.f32 v14, v9;
	(erf) = vrcp.f32 v12  }
0x14d: {  	v19 =	vand.u32 $0xFFFF0000, v6;
	v12 =	vld [tilespmem:s13+$0x6230];
	v14 =	vand.u32 $0xFFFF0000, v11;
	v17 =	vpop (erf)  }
0x14e: {  	v18 =	vld [tilespmem:s13+$0x6270];
	v8 =	vmul.f32 v17, v8;
	v19 =	vmul.f32 v19, v9;
	v16 =	vpop (erf)  }
0x14f: {  	v17 =	vld [tilespmem:s13+$0x6210];
	v7 =	vmul.f32 v16, v7  }
0x150: {  	v11 =	vshll.u32 v11, $0x10;
	v16 =	vld [tilespmem:s13+$0x6250];
	v21 =	vmul.f32 v14, v8;
	[tilespmem:s6+$0x2270] =	vst v19;
	v9 =	vpop (erf)  }
0x151: {  	v19 =	vand.u32 $0xFFFF0000, v13;
	v14 =	vld [tilespmem:s13+$0x2270];
	v5 =	vmul.f32 v9, v5;
	v22 =	vmul.f32 v11, v7;
	v9 =	vpop (erf)  }
0x152: {  	v20 =	vand.u32 $0xFFFF0000, v10;
	v11 =	vld [tilespmem:s13+$0x6240];
	v4 =	vmul.f32 v9, v4;
	[tilespmem:s6+$0x2250] =	vst v21;
	v8 =	vpop (erf)  }
0x153: {  	v21 =	vld [tilespmem:s13+$0x2250];
	v3 =	vmul.f32 v8, v3;
	v8 =	vshll.u32 v13, $0x10;
	v9 =	vmul.f32 v19, v5;
	[tilespmem:s6+$0x2240] =	vst v22;
	v7 =	vpop (erf)  }
0x154: {  	v6 =	vshll.u32 v6, $0x10;
	v13 =	vld [tilespmem:s13+$0x2240];
	v2 =	vmul.f32 v7, v2;
	v4 =	vmul.f32 v8, v4  }
0x155: {  	v7 =	vshll.u32 v10, $0x10;
	v19 =	vld [tilespmem:s13+$0x6200];
	v3 =	vmul.f32 v20, v3;
	[tilespmem:s6+$0x2230] =	vst v9;
	v5 =	vpop (erf)  }
0x156: {  	v10 =	vld [tilespmem:s13+$0x2230];
	v9 =	vadd.f32 v18, v14;
	v2 =	vmul.f32 v7, v2;
	[tilespmem:s6+$0x2220] =	vst v4;
	v1 =	vmul.f32 v5, v1  }
0x157: {  	v4 =	vld [tilespmem:s13+$0x2220];
	[tilespmem:s6+$0x2210] =	vst v3  }
0x158: {  	v3 =	vld [tilespmem:s13+$0x2210];
	v8 =	vadd.f32 v16, v21;
	v5 =	vsub.f32 $0.0e+00, v9;
	[tilespmem:s6+$0x2200] =	vst v2;
	v1 =	vmul.f32 v6, v1  }
0x159: {  	v2 =	vld [tilespmem:s13+$0x2200];
	v7 =	vadd.f32 v11, v13  }
0x15a: {  	v6 =	vsub.f32 $0.0e+00, v8;
	v11 =	vld [tilespmem:s13+$0x6260];
	v13 =	vmul.f32 $1.442695020e+00, v5;
	[tilespmem:s6+$0x2260] =	vst v1;
	s6 =	smov.u32 s13  }
0x15b: {  	v5 =	vadd.f32 v12, v10;
	v1 =	vsub.f32 $0.0e+00, v7;
	v12 =	vld [tilespmem:s6+$0x2260]  }
0x15c: {  	v4 =	vadd.f32 v15, v4;
	v14 =	vmul.f32 $1.442695020e+00, v6;
	v6 =	vld [tilespmem:s6+$0xA230];
	(erf) = vpow2.f32 v13  }
0x15d: {  	v10 =	vld [tilespmem:s6+$0xA200];
	v3 =	vadd.f32 v17, v3;
	v13 =	vsub.f32 $0.0e+00, v5;
	v1 =	vmul.f32 $1.442695020e+00, v1  }
0x15e: {  	v2 =	vadd.f32 v19, v2;
	v15 =	vsub.f32 $0.0e+00, v4;
	(erf) = vpow2.f32 v14  }
0x15f: {  	v14 =	vsub.f32 $0.0e+00, v3;
	v13 =	vmul.f32 $1.442695020e+00, v13;
	(erf) = vpow2.f32 v1  }
0x160: {  	v16 =	vsub.f32 $0.0e+00, v2;
	v15 =	vmul.f32 $1.442695020e+00, v15;
	v1 =	vadd.f32 v11, v12  }
0x161: {  	v11 =	vmul.f32 $1.442695020e+00, v14;
	(erf) = vpow2.f32 v13  }
0x162: {  	v14 =	vmul.f32 $1.442695020e+00, v16;
	v13 =	vsub.f32 $0.0e+00, v1;
	(erf) = vpow2.f32 v15  }
0x163: {  	(erf) = vpow2.f32 v11  }
0x164: {  	v13 =	vmul.f32 $1.442695020e+00, v13;
	(erf) = vpow2.f32 v14  }
0x165: {  	v12 =	vpop (erf)  }
0x166: {  	v12 =	vadd.f32 $1.000000000e+00, v12;
	(erf) = vpow2.f32 v13  }
0x167: {  	v11 =	vpop (erf)  }
0x168: {  	v11 =	vadd.f32 $1.000000000e+00, v11;
	v13 =	vpop (erf);
	(erf) = vrcp.f32 v12  }
0x169: {  	v12 =	vadd.f32 $1.000000000e+00, v13  }
0x16a: {  	v13 =	vpop (erf);
	(erf) = vrcp.f32 v11  }
0x16b: {  	v11 =	vadd.f32 $1.000000000e+00, v13;
	v13 =	vpop (erf);
	(erf) = vrcp.f32 v12  }
.Ltmp2:
0x16c: {  	v15 =	vadd.f32 $1.000000000e+00, v13;
	v13 =	vpop (erf);
	(pc) =	sbr.rel @p0 .LBB2_7-.Ltmp2, $4  }
0x16d: {  	v13 =	vadd.f32 $1.000000000e+00, v13;
	v14 =	vpop (erf);
	(erf) = vrcp.f32 v11  }
0x16e: {  	v14 =	vadd.f32 $1.000000000e+00, v14;
	v11 =	vld [tilespmem:s6+$0xA220];
	(erf) = vrcp.f32 v15  }
0x16f: {  	(erf) = vrcp.f32 v13;
	v12 =	vpop (erf)  }
0x170: {  	v12 =	vadd.f32 $1.000000000e+00, v12;
	(erf) = vrcp.f32 v14  }
0x171: {  	v14 =	vpop (erf)  }
0x172: {  	s18 =	sshra.s32 s21, $0x2;
	v13 =	vld [tilespmem:s6+$0xA210];
	v9 =	vmul.f32 v14, v9  }
0x173: {  	v16 =	vand.u32 $0xFFFF0000, v6;
	v15 =	vld [tilespmem:s18+$0x6220];
	v18 =	vpop (erf)  }
0x174: {  	v14 =	vld [tilespmem:s18+$0x6230];
	(erf) = vrcp.f32 v12;
	v9 =	vmul.f32 v16, v9;
	v20 =	vpop (erf)  }
0x175: {  	v17 =	vld [tilespmem:s18+$0x6270];
	v8 =	vmul.f32 v18, v8;
	v7 =	vmul.f32 v20, v7  }
0x176: {  	v60 =	vld [tilespmem:s18+$0x6210];
	v19 =	vand.u32 $0xFFFF0000, v11;
	v11 =	vshll.u32 v11, $0x10  }
0x177: {  	v61 =	vld [tilespmem:s18+$0x6250];
	[tilespmem:s6+$0x2270] =	vst v9;
	v8 =	vmul.f32 v19, v8;
	v12 =	vpop (erf);
	v7 =	vmul.f32 v11, v7;
	v11 =	vand.u32 $0xFFFF0000, v13  }
0x178: {  	v9 =	vld [tilespmem:s18+$0x2270];
	v5 =	vmul.f32 v12, v5;
	v12 =	vpop (erf)  }
0x179: {  	v62 =	vld [tilespmem:s18+$0x6240];
	[tilespmem:s6+$0x2250] =	vst v8;
	v4 =	vmul.f32 v12, v4  }
0x17a: {  	v12 =	vshll.u32 v13, $0x10;
	v8 =	vld [tilespmem:s18+$0x2250];
	[tilespmem:s6+$0x2240] =	vst v7;
	v5 =	vmul.f32 v11, v5;
	v11 =	vpop (erf)  }
0x17b: {  	v7 =	vld [tilespmem:s18+$0x2240];
	v4 =	vmul.f32 v12, v4;
	v3 =	vmul.f32 v11, v3;
	v11 =	vpop (erf)  }
0x17c: {  	v13 =	vld [tilespmem:s18+$0x6200];
	[tilespmem:s6+$0x2230] =	vst v5;
	v5 =	vand.u32 $0xFFFF0000, v10;
	v2 =	vmul.f32 v11, v2  }
0x17d: {  	v12 =	vld [tilespmem:s18+$0x2230];
	[tilespmem:s6+$0x2220] =	vst v4;
	v4 =	vshll.u32 v10, $0x10;
	v10 =	vpop (erf);
	v3 =	vmul.f32 v5, v3  }
0x17e: {  	v1 =	vmul.f32 v10, v1;
	v2 =	vmul.f32 v4, v2  }
0x17f: {  	v5 =	vld [tilespmem:s18+$0x2220];
	v4 =	vshll.u32 v6, $0x10;
	[tilespmem:s6+$0x2210] =	vst v3  }
0x180: {  	v6 =	vadd.f32 v17, v9;
	v1 =	vmul.f32 v4, v1;
	v4 =	vadd.f32 v61, v8;
	v3 =	vld [tilespmem:s18+$0x2210];
	[tilespmem:s6+$0x2200] =	vst v2  }
0x181: {  	v7 =	vadd.f32 v62, v7;
	v2 =	vld [tilespmem:s18+$0x2200]  }
0x182: {  	v8 =	vsub.f32 $0.0e+00, v6;
	v9 =	vld [tilespmem:s18+$0x6260];
	[tilespmem:s6+$0x2260] =	vst v1;
	v1 =	vsub.f32 $0.0e+00, v4  }
0x183: {  	v11 =	vadd.f32 v14, v12;
	v12 =	vsub.f32 $0.0e+00, v7;
	v10 =	vld [tilespmem:s18+$0x2260]  }
0x184: {  	v8 =	vmul.f32 $1.442695020e+00, v8  }
0x185: {  	v5 =	vadd.f32 v15, v5;
	v1 =	vmul.f32 $1.442695020e+00, v1;
	v12 =	vmul.f32 $1.442695020e+00, v12  }
0x186: {  	(erf) = vpow2.f32 v8;
	v8 =	vsub.f32 $0.0e+00, v11;
	v3 =	vadd.f32 v60, v3  }
0x187: {  	(erf) = vpow2.f32 v1;
	v2 =	vadd.f32 v13, v2;
	v13 =	vsub.f32 $0.0e+00, v5  }
0x188: {  	v8 =	vmul.f32 $1.442695020e+00, v8;
	v1 =	vsub.f32 $0.0e+00, v3;
	v9 =	vadd.f32 v9, v10  }
0x189: {  	(erf) = vpow2.f32 v12;
	v12 =	vmul.f32 $1.442695020e+00, v13  }
0x18a: {  	(erf) = vpow2.f32 v8;
	v1 =	vmul.f32 $1.442695020e+00, v1;
	v8 =	vsub.f32 $0.0e+00, v9  }
0x18b: {  	v10 =	vsub.f32 $0.0e+00, v2;
	(erf) = vpow2.f32 v12  }
0x18c: {  	(erf) = vpow2.f32 v1;
	v1 =	vmul.f32 $1.442695020e+00, v8  }
0x18d: {  	v10 =	vmul.f32 $1.442695020e+00, v10;
	_ =	sdelay $0x1  }
0x18e: {  	(erf) = vpow2.f32 v10  }
0x18f: {  	(erf) = vpow2.f32 v1;
	v1 =	vpop (erf)  }
0x190: {  	v1 =	vadd.f32 $1.000000000e+00, v1;
	v8 =	vpop (erf)  }
0x191: {  	v8 =	vadd.f32 $1.000000000e+00, v8;
	v10 =	vpop (erf)  }
0x192: {  	(erf) = vrcp.f32 v1;
	v1 =	vadd.f32 $1.000000000e+00, v10;
	v10 =	vpop (erf)  }
0x193: {  	(erf) = vrcp.f32 v8;
	v8 =	vadd.f32 $1.000000000e+00, v10;
	v10 =	vpop (erf)  }
0x194: {  	(erf) = vrcp.f32 v1;
	v1 =	vadd.f32 $1.000000000e+00, v10  }
0x195: {  	v10 =	vpop (erf);
	(erf) = vrcp.f32 v8  }
0x196: {  	v10 =	vadd.f32 $1.000000000e+00, v10;
	(erf) = vrcp.f32 v1  }
0x197: {  	v12 =	vpop (erf)  }
0x198: {  	v8 =	vadd.f32 $1.000000000e+00, v12;
	v1 =	vpop (erf);
	(erf) = vrcp.f32 v10;
	v10 =	vld [tilespmem:s18+$0xA230]  }
0x199: {  	v1 =	vadd.f32 $1.000000000e+00, v1  }
0x19a: {  	(erf) = vrcp.f32 v8;
	v8 =	vld [tilespmem:s18+$0xA220]  }
0x19b: {  	(erf) = vrcp.f32 v1;
	v1 =	vld [tilespmem:s18+$0xA210];
	v12 =	vpop (erf)  }
0x19c: {  	v6 =	vmul.f32 v12, v6;
	v12 =	vpop (erf)  }
0x19d: {  	v14 =	vand.u32 $0xFFFF0000, v10;
	v4 =	vmul.f32 v12, v4;
	v12 =	vpop (erf)  }
0x19e: {  	v6 =	vmul.f32 v14, v6;
	v7 =	vmul.f32 v12, v7;
	v12 =	vpop (erf)  }
0x19f: {  	v13 =	vld [tilespmem:s18+$0xA200];
	v15 =	vand.u32 $0xFFFF0000, v8;
	v8 =	vshll.u32 v8, $0x10;
	v11 =	vmul.f32 v12, v11;
	v12 =	vpop (erf)  }
0x1a0: {  	[tilespmem:s18+$0x2270] =	vst v6;
	v6 =	vand.u32 $0xFFFF0000, v1;
	v5 =	vmul.f32 v12, v5  }
0x1a1: {  	v4 =	vmul.f32 v15, v4  }
0x1a2: {  	v7 =	vmul.f32 v8, v7;
	v8 =	vpop (erf)  }
0x1a3: {  	v1 =	vshll.u32 v1, $0x10;
	[tilespmem:s18+$0x2250] =	vst v4;
	v4 =	vmul.f32 v6, v11;
	v3 =	vmul.f32 v8, v3;
	v6 =	vpop (erf)  }
0x1a4: {  	v8 =	vand.u32 $0xFFFF0000, v13;
	[tilespmem:s18+$0x2240] =	vst v7;
	v1 =	vmul.f32 v1, v5;
	v2 =	vmul.f32 v6, v2;
	v5 =	vpop (erf)  }
0x1a5: {  	[tilespmem:s18+$0x2230] =	vst v4;
	v6 =	vshll.u32 v13, $0x10;
	v3 =	vmul.f32 v8, v3;
	v4 =	vmul.f32 v5, v9  }
0x1a6: {  	[tilespmem:s18+$0x2220] =	vst v1;
	v5 =	vshll.u32 v10, $0x10;
	v2 =	vmul.f32 v6, v2  }
0x1a7: {  	[tilespmem:s18+$0x2210] =	vst v3;
	v1 =	vmul.f32 v5, v4  }
0x1a8: {  	[tilespmem:s18+$0x2200] =	vst v2  }
0x1a9: {  	[tilespmem:s18+$0x2260] =	vst v1  }
0x1aa: {  	[spmem:s4] =	stream.indirect.scatter.add.f32 [tilespmem:s17], [sflag:$0x8], $0x80, s16, s12, $0xb8;
	[tilespmem:$0x1FF00] =	vst v63  }
0x1ab: {  	s21 =	sadd.s32 s9, s20;
	_ =	swait.ge [sflag:s30], $0x2000  }
0x1ac: {  	s9 =	sshrl.u32 s21, $0x3;
	[sflag:s30] =	ssyncset.done $0x0  }
0x1ad: {  	s13 =	sadd.s32 s2, s9;
	s18 =	simm.s32 $0x0;
	[sflag:s30] =	ssyncadd.s32 $0xFFFFE000  }
0x1ae: {  	[tilespmem:s15], [sflag:$0x9] =	stream.linear.gather [hbm4b:s13+s18], $0x40, $0x38;
	[tilespmem:$0x1FF00] =	vst v63  }
0x1af: {  	_ =	swait.ge [sflag:s10], $0x40  }
0x1b0: {  	[sflag:s10] =	ssyncset.done $0x0  }
0x1b1: {  	s9 =	sadd.s32 s3, s9;
	[sflag:s10] =	ssyncadd.s32 $0xFFFFFFC0  }
0x1b2: {  	[tilespmem:s16], [sflag:$0x9] =	stream.linear.gather [hbm4b:s9+s18], $0x40, $0x38;
	[tilespmem:$0x1FF00] =	vst v63  }
0x1b3: {  	_ =	swait.ge [sflag:s10], $0x40  }
0x1b4: {  	[sflag:s10] =	ssyncset.done $0x0  }
0x1b5: {  	[sflag:s10] =	ssyncadd.s32 $0xFFFFFFC0  }
0x1b6: {  	[tilespmem:s17], [sflag:$0x2] =	stream.indirect.gather [hbm4b:s1+s12], $0x80, s15, s12, $0xb8;
	[tilespmem:$0x1FF00] =	vst v63  }
0x1b7: {  	s6 =	sshll.u32 s21, $0x4;
	s13 =	simm.s32 $0x6200  }
0x1b8: {  	[tilespmem:s13], [sflag:$0x4] =	stream.indirect.gather [hbm4b:s7+s12], $0x80, s16, s12, $0xb8;
	[tilespmem:$0x1FF00] =	vst v63  }
0x1b9: {  	s21 =	simm.s32 $0xA200;
	s6 =	sadd.s32 s8, s6  }
0x1ba: {  	[tilespmem:s21], [sflag:$0x6] =	stream.linear.gather [hbm4b:s6+s18], $0x2000, $0x38;
	[tilespmem:$0x1FF00] =	vst v63  }
0x1bb: {  	_ =	swait.ge [sflag:s22], $0x2000  }
0x1bc: {  	[sflag:s22] =	ssyncset.done $0x0  }
0x1bd: {  	[sflag:s22] =	ssyncadd.s32 $0xFFFFE000  }
0x1be: {  	_ =	swait.ge [sflag:s23], $0x2000  }
0x1bf: {  	[sflag:s23] =	ssyncset.done $0x0  }
0x1c0: {  	[sflag:s23] =	ssyncadd.s32 $0xFFFFE000  }
0x1c1: {  	_ =	swait.ge [sflag:s24], $0x2000  }
0x1c2: {  	[sflag:s24] =	ssyncset.done $0x0  }
0x1c3: {  	s6 =	simm.s32 $0x0;
	[sflag:s24] =	ssyncadd.s32 $0xFFFFE000  }
0x1c4: {  	v1 =	vld [tilespmem:s6+$0x4220]  }
0x1c5: {  	v2 =	vld [tilespmem:s6+$0x4230]  }
0x1c6: {  	v3 =	vld [tilespmem:s6+$0x4270]  }
0x1c7: {  	v6 =	vld [tilespmem:s6+$0x4210]  }
0x1c8: {  	v4 =	vld [tilespmem:s6+$0x4250]  }
0x1c9: {  	v5 =	vld [tilespmem:s6+$0x270]  }
0x1ca: {  	v7 =	vld [tilespmem:s6+$0x4240]  }
0x1cb: {  	v8 =	vld [tilespmem:s6+$0x250]  }
0x1cc: {  	v10 =	vld [tilespmem:s6+$0x240]  }
0x1cd: {  	v11 =	vld [tilespmem:s6+$0x4200]  }
0x1ce: {  	v12 =	vld [tilespmem:s6+$0x230]  }
0x1cf: {  	v9 =	vadd.f32 v3, v5;
	v3 =	vld [tilespmem:s6+$0x220]  }
0x1d0: {  	v13 =	vld [tilespmem:s6+$0x210]  }
0x1d1: {  	v14 =	vld [tilespmem:s6+$0x200];
	v8 =	vadd.f32 v4, v8  }
0x1d2: {  	v15 =	vld [tilespmem:s6+$0x4260];
	v7 =	vadd.f32 v7, v10;
	v4 =	vsub.f32 $0.0e+00, v9  }
0x1d3: {  	v5 =	vadd.f32 v2, v12;
	v12 =	vld [tilespmem:s6+$0x260];
	v10 =	vsub.f32 $0.0e+00, v8  }
0x1d4: {  	v2 =	vsub.f32 $0.0e+00, v7;
	v63 =	vmul.f32 $1.442695020e+00, v4;
	v4 =	vadd.f32 v1, v3  }
0x1d5: {  	v1 =	vmul.f32 $1.442695020e+00, v10;
	v3 =	vadd.f32 v6, v13;
	v6 =	vsub.f32 $0.0e+00, v5  }
0x1d6: {  	v10 =	vmul.f32 $1.442695020e+00, v2;
	v2 =	vadd.f32 v11, v14;
	(erf) = vpow2.f32 v63  }
0x1d7: {  	v11 =	vsub.f32 $0.0e+00, v4;
	(erf) = vpow2.f32 v1;
	v6 =	vmul.f32 $1.442695020e+00, v6  }
0x1d8: {  	v1 =	vadd.f32 v15, v12;
	(erf) = vpow2.f32 v10;
	v10 =	vsub.f32 $0.0e+00, v2  }
0x1d9: {  	v13 =	vsub.f32 $0.0e+00, v3;
	v11 =	vmul.f32 $1.442695020e+00, v11  }
0x1da: {  	(erf) = vpow2.f32 v6;
	v6 =	vmul.f32 $1.442695020e+00, v10;
	v10 =	vsub.f32 $0.0e+00, v1  }
0x1db: {  	v12 =	vmul.f32 $1.442695020e+00, v13  }
0x1dc: {  	(erf) = vpow2.f32 v11;
	v10 =	vmul.f32 $1.442695020e+00, v10  }
0x1dd: {  	(erf) = vpow2.f32 v12;
	_ =	sdelay $0x1  }
0x1de: {  	(erf) = vpow2.f32 v6;
	v6 =	vpop (erf)  }
0x1df: {  	(erf) = vpow2.f32 v10;
	v6 =	vadd.f32 $1.000000000e+00, v6;
	v10 =	vpop (erf)  }
0x1e0: {  	v11 =	vpop (erf)  }
0x1e1: {  	(erf) = vrcp.f32 v6;
	v6 =	vadd.f32 $1.000000000e+00, v11  }
0x1e2: {  	v10 =	vadd.f32 $1.000000000e+00, v10  }
0x1e3: {  	v11 =	vpop (erf)  }
0x1e4: {  	(erf) = vrcp.f32 v10;
	v10 =	vadd.f32 $1.000000000e+00, v11;
	v11 =	vpop (erf)  }
0x1e5: {  	(erf) = vrcp.f32 v6;
	v6 =	vpop (erf)  }
0x1e6: {  	v12 =	vadd.f32 $1.000000000e+00, v6  }
0x1e7: {  	v11 =	vadd.f32 $1.000000000e+00, v11  }
0x1e8: {  	(erf) = vrcp.f32 v10;
	v13 =	vpop (erf)  }
0x1e9: {  	v6 =	vld [tilespmem:s6+$0x8230];
	(erf) = vrcp.f32 v11;
	v13 =	vadd.f32 $1.000000000e+00, v13  }
0x1ea: {  	v11 =	vld [tilespmem:s6+$0x8220];
	(erf) = vrcp.f32 v12;
	v12 =	vpop (erf)  }
0x1eb: {  	s9 =	simm.s32 $0x400;
	s18 =	simm.s32 $0x200;
	v10 =	vld [tilespmem:s6+$0x8200];
	(erf) = vrcp.f32 v13;
	v12 =	vadd.f32 $1.000000000e+00, v12  }
.LBB2_9:
0x1ec: {  	p0 =	sne.s32 s9, $0x7E00  }
0x1ed: {  	s13 =	sshra.s32 s18, $0x2;
	v13 =	vld [tilespmem:s6+$0x8210];
	v14 =	vpop (erf);
	s18 =	smov.u32 s9;
	s9 =	sadd.s32 $0x200, s9  }
0x1ee: {  	v15 =	vld [tilespmem:s13+$0x4220];
	v9 =	vmul.f32 v14, v9;
	(erf) = vrcp.f32 v12  }
0x1ef: {  	v19 =	vand.u32 $0xFFFF0000, v6;
	v12 =	vld [tilespmem:s13+$0x4230];
	v14 =	vand.u32 $0xFFFF0000, v11;
	v17 =	vpop (erf)  }
0x1f0: {  	v18 =	vld [tilespmem:s13+$0x4270];
	v8 =	vmul.f32 v17, v8;
	v19 =	vmul.f32 v19, v9;
	v16 =	vpop (erf)  }
0x1f1: {  	v17 =	vld [tilespmem:s13+$0x4210];
	v7 =	vmul.f32 v16, v7  }
0x1f2: {  	v11 =	vshll.u32 v11, $0x10;
	v16 =	vld [tilespmem:s13+$0x4250];
	v21 =	vmul.f32 v14, v8;
	[tilespmem:s6+$0x270] =	vst v19;
	v9 =	vpop (erf)  }
0x1f3: {  	v19 =	vand.u32 $0xFFFF0000, v13;
	v14 =	vld [tilespmem:s13+$0x270];
	v5 =	vmul.f32 v9, v5;
	v22 =	vmul.f32 v11, v7;
	v9 =	vpop (erf)  }
0x1f4: {  	v20 =	vand.u32 $0xFFFF0000, v10;
	v11 =	vld [tilespmem:s13+$0x4240];
	v4 =	vmul.f32 v9, v4;
	[tilespmem:s6+$0x250] =	vst v21;
	v8 =	vpop (erf)  }
0x1f5: {  	v21 =	vld [tilespmem:s13+$0x250];
	v3 =	vmul.f32 v8, v3;
	v8 =	vshll.u32 v13, $0x10;
	v9 =	vmul.f32 v19, v5;
	[tilespmem:s6+$0x240] =	vst v22;
	v7 =	vpop (erf)  }
0x1f6: {  	v6 =	vshll.u32 v6, $0x10;
	v13 =	vld [tilespmem:s13+$0x240];
	v2 =	vmul.f32 v7, v2;
	v4 =	vmul.f32 v8, v4  }
0x1f7: {  	v7 =	vshll.u32 v10, $0x10;
	v19 =	vld [tilespmem:s13+$0x4200];
	v3 =	vmul.f32 v20, v3;
	[tilespmem:s6+$0x230] =	vst v9;
	v5 =	vpop (erf)  }
0x1f8: {  	v10 =	vld [tilespmem:s13+$0x230];
	v9 =	vadd.f32 v18, v14;
	v2 =	vmul.f32 v7, v2;
	[tilespmem:s6+$0x220] =	vst v4;
	v1 =	vmul.f32 v5, v1  }
0x1f9: {  	v4 =	vld [tilespmem:s13+$0x220];
	[tilespmem:s6+$0x210] =	vst v3  }
0x1fa: {  	v3 =	vld [tilespmem:s13+$0x210];
	v8 =	vadd.f32 v16, v21;
	v5 =	vsub.f32 $0.0e+00, v9;
	[tilespmem:s6+$0x200] =	vst v2;
	v1 =	vmul.f32 v6, v1  }
0x1fb: {  	v2 =	vld [tilespmem:s13+$0x200];
	v7 =	vadd.f32 v11, v13  }
0x1fc: {  	v6 =	vsub.f32 $0.0e+00, v8;
	v11 =	vld [tilespmem:s13+$0x4260];
	v13 =	vmul.f32 $1.442695020e+00, v5;
	[tilespmem:s6+$0x260] =	vst v1;
	s6 =	smov.u32 s13  }
0x1fd: {  	v5 =	vadd.f32 v12, v10;
	v1 =	vsub.f32 $0.0e+00, v7;
	v12 =	vld [tilespmem:s6+$0x260]  }
0x1fe: {  	v4 =	vadd.f32 v15, v4;
	v14 =	vmul.f32 $1.442695020e+00, v6;
	v6 =	vld [tilespmem:s6+$0x8230];
	(erf) = vpow2.f32 v13  }
0x1ff: {  	v10 =	vld [tilespmem:s6+$0x8200];
	v3 =	vadd.f32 v17, v3;
	v13 =	vsub.f32 $0.0e+00, v5;
	v1 =	vmul.f32 $1.442695020e+00, v1  }
0x200: {  	v2 =	vadd.f32 v19, v2;
	v15 =	vsub.f32 $0.0e+00, v4;
	(erf) = vpow2.f32 v14  }
0x201: {  	v14 =	vsub.f32 $0.0e+00, v3;
	v13 =	vmul.f32 $1.442695020e+00, v13;
	(erf) = vpow2.f32 v1  }
0x202: {  	v16 =	vsub.f32 $0.0e+00, v2;
	v15 =	vmul.f32 $1.442695020e+00, v15;
	v1 =	vadd.f32 v11, v12  }
0x203: {  	v11 =	vmul.f32 $1.442695020e+00, v14;
	(erf) = vpow2.f32 v13  }
0x204: {  	v14 =	vmul.f32 $1.442695020e+00, v16;
	v13 =	vsub.f32 $0.0e+00, v1;
	(erf) = vpow2.f32 v15  }
0x205: {  	(erf) = vpow2.f32 v11  }
0x206: {  	v13 =	vmul.f32 $1.442695020e+00, v13;
	(erf) = vpow2.f32 v14  }
0x207: {  	v12 =	vpop (erf)  }
0x208: {  	v12 =	vadd.f32 $1.000000000e+00, v12;
	(erf) = vpow2.f32 v13  }
0x209: {  	v11 =	vpop (erf)  }
0x20a: {  	v11 =	vadd.f32 $1.000000000e+00, v11;
	v13 =	vpop (erf);
	(erf) = vrcp.f32 v12  }
0x20b: {  	v12 =	vadd.f32 $1.000000000e+00, v13  }
0x20c: {  	v13 =	vpop (erf);
	(erf) = vrcp.f32 v11  }
0x20d: {  	v11 =	vadd.f32 $1.000000000e+00, v13;
	v13 =	vpop (erf);
	(erf) = vrcp.f32 v12  }
.Ltmp3:
0x20e: {  	v15 =	vadd.f32 $1.000000000e+00, v13;
	v13 =	vpop (erf);
	(pc) =	sbr.rel @p0 .LBB2_9-.Ltmp3, $4  }
0x20f: {  	v13 =	vadd.f32 $1.000000000e+00, v13;
	v14 =	vpop (erf);
	(erf) = vrcp.f32 v11  }
0x210: {  	v14 =	vadd.f32 $1.000000000e+00, v14;
	v11 =	vld [tilespmem:s6+$0x8220];
	(erf) = vrcp.f32 v15  }
0x211: {  	(erf) = vrcp.f32 v13;
	v12 =	vpop (erf)  }
0x212: {  	v12 =	vadd.f32 $1.000000000e+00, v12;
	(erf) = vrcp.f32 v14  }
0x213: {  	s9 =	sshra.s32 s18, $0x2;
	v13 =	vld [tilespmem:s6+$0x8210];
	v14 =	vpop (erf)  }
0x214: {  	v15 =	vld [tilespmem:s9+$0x4220];
	v9 =	vmul.f32 v14, v9;
	(erf) = vrcp.f32 v12  }
0x215: {  	v16 =	vand.u32 $0xFFFF0000, v6;
	v53 =	vld [tilespmem:s9+$0x4230];
	v18 =	vpop (erf)  }
0x216: {  	v17 =	vld [tilespmem:s9+$0x4270];
	v9 =	vmul.f32 v16, v9;
	v8 =	vmul.f32 v18, v8;
	v20 =	vpop (erf)  }
0x217: {  	v54 =	vld [tilespmem:s9+$0x4210];
	v19 =	vand.u32 $0xFFFF0000, v11;
	v7 =	vmul.f32 v20, v7  }
0x218: {  	v55 =	vld [tilespmem:s9+$0x4250];
	v56 =	vshll.u32 v11, $0x10;
	[tilespmem:s6+$0x270] =	vst v9;
	v8 =	vmul.f32 v19, v8;
	v58 =	vpop (erf)  }
0x219: {  	v9 =	vld [tilespmem:s9+$0x270];
	v7 =	vmul.f32 v56, v7;
	v5 =	vmul.f32 v58, v5;
	v60 =	vpop (erf)  }
0x21a: {  	v59 =	vand.u32 $0xFFFF0000, v13;
	v57 =	vld [tilespmem:s9+$0x4240];
	[tilespmem:s6+$0x250] =	vst v8;
	v4 =	vmul.f32 v60, v4;
	v61 =	vpop (erf)  }
0x21b: {  	v62 =	vshll.u32 v13, $0x10;
	v8 =	vld [tilespmem:s9+$0x250];
	[tilespmem:s6+$0x240] =	vst v7;
	v5 =	vmul.f32 v59, v5;
	v3 =	vmul.f32 v61, v3;
	v21 =	vpop (erf)  }
0x21c: {  	v20 =	vand.u32 $0xFFFF0000, v10;
	v7 =	vld [tilespmem:s9+$0x240];
	v4 =	vmul.f32 v62, v4;
	v2 =	vmul.f32 v21, v2  }
0x21d: {  	v23 =	vshll.u32 v10, $0x10;
	v63 =	vld [tilespmem:s9+$0x4200];
	[tilespmem:s6+$0x230] =	vst v5;
	v3 =	vmul.f32 v20, v3;
	v25 =	vpop (erf)  }
0x21e: {  	v22 =	vld [tilespmem:s9+$0x230];
	[tilespmem:s6+$0x220] =	vst v4;
	v2 =	vmul.f32 v23, v2;
	v1 =	vmul.f32 v25, v1  }
0x21f: {  	v26 =	vshll.u32 v6, $0x10;
	v24 =	vld [tilespmem:s9+$0x220];
	[tilespmem:s6+$0x210] =	vst v3  }
0x220: {  	v27 =	vadd.f32 v17, v9;
	v3 =	vld [tilespmem:s9+$0x210];
	[tilespmem:s6+$0x200] =	vst v2;
	v1 =	vmul.f32 v26, v1  }
0x221: {  	v28 =	vadd.f32 v55, v8;
	v2 =	vld [tilespmem:s9+$0x200]  }
0x222: {  	v29 =	vsub.f32 $0.0e+00, v27;
	v30 =	vld [tilespmem:s9+$0x4260];
	[tilespmem:s6+$0x260] =	vst v1  }
0x223: {  	v7 =	vadd.f32 v57, v7;
	v1 =	vsub.f32 $0.0e+00, v28;
	v31 =	vld [tilespmem:s9+$0x260]  }
0x224: {  	v8 =	vmul.f32 $1.442695020e+00, v29;
	v32 =	vadd.f32 v53, v22  }
0x225: {  	v33 =	vsub.f32 $0.0e+00, v7;
	v5 =	vadd.f32 v15, v24;
	v1 =	vmul.f32 $1.442695020e+00, v1  }
0x226: {  	(erf) = vpow2.f32 v8;
	v3 =	vadd.f32 v54, v3;
	v34 =	vsub.f32 $0.0e+00, v32  }
0x227: {  	v12 =	vmul.f32 $1.442695020e+00, v33;
	v35 =	vsub.f32 $0.0e+00, v5;
	(erf) = vpow2.f32 v1  }
0x228: {  	v1 =	vsub.f32 $0.0e+00, v3;
	v8 =	vmul.f32 $1.442695020e+00, v34;
	v9 =	vadd.f32 v30, v31  }
0x229: {  	v2 =	vadd.f32 v63, v2;
	(erf) = vpow2.f32 v12;
	v37 =	vmul.f32 $1.442695020e+00, v35  }
0x22a: {  	v1 =	vmul.f32 $1.442695020e+00, v1;
	(erf) = vpow2.f32 v8;
	v38 =	vsub.f32 $0.0e+00, v9  }
0x22b: {  	v36 =	vsub.f32 $0.0e+00, v2;
	(erf) = vpow2.f32 v37  }
0x22c: {  	(erf) = vpow2.f32 v1;
	v1 =	vmul.f32 $1.442695020e+00, v38  }
0x22d: {  	v10 =	vmul.f32 $1.442695020e+00, v36;
	_ =	sdelay $0x1  }
0x22e: {  	(erf) = vpow2.f32 v10  }
0x22f: {  	(erf) = vpow2.f32 v1;
	v1 =	vpop (erf)  }
0x230: {  	v1 =	vadd.f32 $1.000000000e+00, v1;
	v39 =	vpop (erf)  }
0x231: {  	v8 =	vadd.f32 $1.000000000e+00, v39;
	v40 =	vpop (erf)  }
0x232: {  	(erf) = vrcp.f32 v1;
	v1 =	vadd.f32 $1.000000000e+00, v40;
	v41 =	vpop (erf)  }
0x233: {  	(erf) = vrcp.f32 v8;
	v43 =	vpop (erf)  }
0x234: {  	(erf) = vrcp.f32 v1;
	v1 =	vadd.f32 $1.000000000e+00, v43  }
0x235: {  	v42 =	vadd.f32 $1.000000000e+00, v41  }
0x236: {  	v44 =	vpop (erf)  }
0x237: {  	v10 =	vadd.f32 $1.000000000e+00, v44;
	v45 =	vpop (erf);
	(erf) = vrcp.f32 v42  }
0x238: {  	v46 =	vadd.f32 $1.000000000e+00, v45;
	(erf) = vrcp.f32 v1;
	v1 =	vpop (erf)  }
0x239: {  	(erf) = vrcp.f32 v10;
	v1 =	vadd.f32 $1.000000000e+00, v1  }
0x23a: {  	v47 =	vld [tilespmem:s9+$0x8230];
	(erf) = vrcp.f32 v46  }
0x23b: {  	v48 =	vld [tilespmem:s9+$0x8220];
	(erf) = vrcp.f32 v1;
	_ =	sdelay $0x1  }
0x23c: {  	v49 =	vld [tilespmem:s9+$0x8210];
	v1 =	vpop (erf)  }
0x23d: {  	v1 =	vmul.f32 v1, v27;
	v50 =	vpop (erf)  }
0x23e: {  	v51 =	vld [tilespmem:s9+$0x8200];
	v52 =	vand.u32 $0xFFFF0000, v47;
	v4 =	vmul.f32 v50, v28;
	v53 =	vpop (erf)  }
0x23f: {  	v54 =	vand.u32 $0xFFFF0000, v48;
	v1 =	vmul.f32 v52, v1;
	v6 =	vmul.f32 v53, v7;
	v55 =	vpop (erf)  }
0x240: {  	v8 =	vshll.u32 v48, $0x10;
	v4 =	vmul.f32 v54, v4;
	v7 =	vmul.f32 v55, v32;
	v56 =	vpop (erf)  }
0x241: {  	[tilespmem:s9+$0x270] =	vst v1;
	v1 =	vand.u32 $0xFFFF0000, v49;
	v6 =	vmul.f32 v8, v6;
	v5 =	vmul.f32 v56, v5;
	v57 =	vpop (erf)  }
0x242: {  	v58 =	vshll.u32 v49, $0x10;
	[tilespmem:s9+$0x250] =	vst v4;
	v3 =	vmul.f32 v57, v3;
	v1 =	vmul.f32 v1, v7;
	v59 =	vpop (erf)  }
0x243: {  	s0 =	sadd.s32 $0x1, s0;
	v60 =	vand.u32 $0xFFFF0000, v51;
	[tilespmem:s9+$0x240] =	vst v6;
	v2 =	vmul.f32 v59, v2;
	v4 =	vmul.f32 v58, v5;
	v61 =	vpop (erf)  }
0x244: {  	p0 =	sne.s32 s0, $0x4D;
	v62 =	vshll.u32 v51, $0x10;
	v3 =	vmul.f32 v60, v3;
	[tilespmem:s9+$0x230] =	vst v1;
	v1 =	vmul.f32 v61, v9  }
.Ltmp4:
0x245: {  	v63 =	vshll.u32 v47, $0x10;
	v2 =	vmul.f32 v62, v2;
	[tilespmem:s9+$0x220] =	vst v4;
	(pc) =	sbr.rel @p0 .LBB2_6-.Ltmp4, $4  }
0x246: {  	[tilespmem:s9+$0x210] =	vst v3;
	v1 =	vmul.f32 v63, v1  }
0x247: {  	[tilespmem:s9+$0x200] =	vst v2  }
0x248: {  	[tilespmem:s9+$0x260] =	vst v1  }
0x249: {  	[spmem:s4] =	stream.indirect.scatter.add.f32 [tilespmem:s5], [sflag:$0x7], $0x80, s11, s12, $0xb8;
	[tilespmem:$0x1FF00] =	vst v63  }
0x24a: {  	_ =	swait.ge [sflag:s26], $0x2000  }
0x24b: {  	[sflag:s26] =	ssyncset.done $0x0  }
0x24c: {  	[sflag:s26] =	ssyncadd.s32 $0xFFFFE000  }
0x24d: {  	_ =	swait.ge [sflag:s28], $0x2000  }
0x24e: {  	[sflag:s28] =	ssyncset.done $0x0  }
0x24f: {  	[sflag:s28] =	ssyncadd.s32 $0xFFFFE000  }
0x250: {  	_ =	swait.ge [sflag:s29], $0x2000  }
0x251: {  	[sflag:s29] =	ssyncset.done $0x0  }
0x252: {  	s0 =	simm.s32 $0x0;
	[sflag:s29] =	ssyncadd.s32 $0xFFFFE000  }
0x253: {  	v1 =	vld [tilespmem:s0+$0x6220]  }
0x254: {  	v2 =	vld [tilespmem:s0+$0x6230]  }
0x255: {  	v3 =	vld [tilespmem:s0+$0x6270]  }
0x256: {  	v6 =	vld [tilespmem:s0+$0x6210]  }
0x257: {  	v4 =	vld [tilespmem:s0+$0x6250]  }
0x258: {  	v5 =	vld [tilespmem:s0+$0x2270]  }
0x259: {  	v7 =	vld [tilespmem:s0+$0x6240]  }
0x25a: {  	v8 =	vld [tilespmem:s0+$0x2250]  }
0x25b: {  	v10 =	vld [tilespmem:s0+$0x2240]  }
0x25c: {  	v11 =	vld [tilespmem:s0+$0x6200]  }
0x25d: {  	v12 =	vld [tilespmem:s0+$0x2230]  }
0x25e: {  	v9 =	vadd.f32 v3, v5;
	v3 =	vld [tilespmem:s0+$0x2220]  }
0x25f: {  	v13 =	vld [tilespmem:s0+$0x2210]  }
0x260: {  	v14 =	vld [tilespmem:s0+$0x2200];
	v8 =	vadd.f32 v4, v8  }
0x261: {  	v15 =	vld [tilespmem:s0+$0x6260];
	v7 =	vadd.f32 v7, v10;
	v4 =	vsub.f32 $0.0e+00, v9  }
0x262: {  	v5 =	vadd.f32 v2, v12;
	v12 =	vld [tilespmem:s0+$0x2260];
	v10 =	vsub.f32 $0.0e+00, v8  }
0x263: {  	v2 =	vsub.f32 $0.0e+00, v7;
	v16 =	vmul.f32 $1.442695020e+00, v4;
	v4 =	vadd.f32 v1, v3  }
0x264: {  	v1 =	vmul.f32 $1.442695020e+00, v10;
	v3 =	vadd.f32 v6, v13;
	v6 =	vsub.f32 $0.0e+00, v5  }
0x265: {  	v10 =	vmul.f32 $1.442695020e+00, v2;
	v2 =	vadd.f32 v11, v14;
	(erf) = vpow2.f32 v16  }
0x266: {  	v11 =	vsub.f32 $0.0e+00, v4;
	(erf) = vpow2.f32 v1;
	v6 =	vmul.f32 $1.442695020e+00, v6  }
0x267: {  	v1 =	vadd.f32 v15, v12;
	(erf) = vpow2.f32 v10;
	v10 =	vsub.f32 $0.0e+00, v2  }
0x268: {  	v13 =	vsub.f32 $0.0e+00, v3;
	v11 =	vmul.f32 $1.442695020e+00, v11  }
0x269: {  	(erf) = vpow2.f32 v6;
	v6 =	vmul.f32 $1.442695020e+00, v10;
	v10 =	vsub.f32 $0.0e+00, v1  }
0x26a: {  	v12 =	vmul.f32 $1.442695020e+00, v13  }
0x26b: {  	(erf) = vpow2.f32 v11;
	v10 =	vmul.f32 $1.442695020e+00, v10  }
0x26c: {  	(erf) = vpow2.f32 v12;
	_ =	sdelay $0x1  }
0x26d: {  	(erf) = vpow2.f32 v6;
	v6 =	vpop (erf)  }
0x26e: {  	(erf) = vpow2.f32 v10;
	v6 =	vadd.f32 $1.000000000e+00, v6;
	v10 =	vpop (erf)  }
0x26f: {  	v11 =	vpop (erf)  }
0x270: {  	(erf) = vrcp.f32 v6;
	v6 =	vadd.f32 $1.000000000e+00, v11  }
0x271: {  	v10 =	vadd.f32 $1.000000000e+00, v10  }
0x272: {  	v11 =	vpop (erf)  }
0x273: {  	(erf) = vrcp.f32 v10;
	v10 =	vadd.f32 $1.000000000e+00, v11;
	v11 =	vpop (erf)  }
0x274: {  	(erf) = vrcp.f32 v6;
	v6 =	vpop (erf)  }
0x275: {  	v12 =	vadd.f32 $1.000000000e+00, v6  }
0x276: {  	v11 =	vadd.f32 $1.000000000e+00, v11  }
0x277: {  	(erf) = vrcp.f32 v10;
	v13 =	vpop (erf)  }
0x278: {  	v6 =	vld [tilespmem:s0+$0xA230];
	(erf) = vrcp.f32 v11;
	v13 =	vadd.f32 $1.000000000e+00, v13  }
0x279: {  	v11 =	vld [tilespmem:s0+$0xA220];
	(erf) = vrcp.f32 v12;
	v12 =	vpop (erf)  }
0x27a: {  	s9 =	simm.s32 $0x200;
	s6 =	simm.s32 $0x400;
	v10 =	vld [tilespmem:s0+$0xA200];
	(erf) = vrcp.f32 v13;
	v12 =	vadd.f32 $1.000000000e+00, v12  }
.LBB2_12:
0x27b: {  	p0 =	sne.s32 s6, $0x7E00  }
0x27c: {  	s13 =	sshra.s32 s9, $0x2;
	v13 =	vld [tilespmem:s0+$0xA210];
	v14 =	vpop (erf);
	s9 =	smov.u32 s6;
	s6 =	sadd.s32 $0x200, s6  }
0x27d: {  	v15 =	vld [tilespmem:s13+$0x6220];
	v9 =	vmul.f32 v14, v9;
	(erf) = vrcp.f32 v12  }
0x27e: {  	v19 =	vand.u32 $0xFFFF0000, v6;
	v12 =	vld [tilespmem:s13+$0x6230];
	v14 =	vand.u32 $0xFFFF0000, v11;
	v17 =	vpop (erf)  }
0x27f: {  	v18 =	vld [tilespmem:s13+$0x6270];
	v8 =	vmul.f32 v17, v8;
	v19 =	vmul.f32 v19, v9;
	v16 =	vpop (erf)  }
0x280: {  	v17 =	vld [tilespmem:s13+$0x6210];
	v7 =	vmul.f32 v16, v7  }
0x281: {  	v11 =	vshll.u32 v11, $0x10;
	v16 =	vld [tilespmem:s13+$0x6250];
	v21 =	vmul.f32 v14, v8;
	[tilespmem:s0+$0x2270] =	vst v19;
	v9 =	vpop (erf)  }
0x282: {  	v19 =	vand.u32 $0xFFFF0000, v13;
	v14 =	vld [tilespmem:s13+$0x2270];
	v5 =	vmul.f32 v9, v5;
	v22 =	vmul.f32 v11, v7;
	v9 =	vpop (erf)  }
0x283: {  	v20 =	vand.u32 $0xFFFF0000, v10;
	v11 =	vld [tilespmem:s13+$0x6240];
	v4 =	vmul.f32 v9, v4;
	[tilespmem:s0+$0x2250] =	vst v21;
	v8 =	vpop (erf)  }
0x284: {  	v21 =	vld [tilespmem:s13+$0x2250];
	v3 =	vmul.f32 v8, v3;
	v8 =	vshll.u32 v13, $0x10;
	v9 =	vmul.f32 v19, v5;
	[tilespmem:s0+$0x2240] =	vst v22;
	v7 =	vpop (erf)  }
0x285: {  	v6 =	vshll.u32 v6, $0x10;
	v13 =	vld [tilespmem:s13+$0x2240];
	v2 =	vmul.f32 v7, v2;
	v4 =	vmul.f32 v8, v4  }
0x286: {  	v7 =	vshll.u32 v10, $0x10;
	v19 =	vld [tilespmem:s13+$0x6200];
	v3 =	vmul.f32 v20, v3;
	[tilespmem:s0+$0x2230] =	vst v9;
	v5 =	vpop (erf)  }
0x287: {  	v10 =	vld [tilespmem:s13+$0x2230];
	v9 =	vadd.f32 v18, v14;
	v2 =	vmul.f32 v7, v2;
	[tilespmem:s0+$0x2220] =	vst v4;
	v1 =	vmul.f32 v5, v1  }
0x288: {  	v4 =	vld [tilespmem:s13+$0x2220];
	[tilespmem:s0+$0x2210] =	vst v3  }
0x289: {  	v3 =	vld [tilespmem:s13+$0x2210];
	v8 =	vadd.f32 v16, v21;
	v5 =	vsub.f32 $0.0e+00, v9;
	[tilespmem:s0+$0x2200] =	vst v2;
	v1 =	vmul.f32 v6, v1  }
0x28a: {  	v2 =	vld [tilespmem:s13+$0x2200];
	v7 =	vadd.f32 v11, v13  }
0x28b: {  	v6 =	vsub.f32 $0.0e+00, v8;
	v11 =	vld [tilespmem:s13+$0x6260];
	v13 =	vmul.f32 $1.442695020e+00, v5;
	[tilespmem:s0+$0x2260] =	vst v1;
	s0 =	smov.u32 s13  }
0x28c: {  	v5 =	vadd.f32 v12, v10;
	v1 =	vsub.f32 $0.0e+00, v7;
	v12 =	vld [tilespmem:s0+$0x2260]  }
0x28d: {  	v4 =	vadd.f32 v15, v4;
	v14 =	vmul.f32 $1.442695020e+00, v6;
	v6 =	vld [tilespmem:s0+$0xA230];
	(erf) = vpow2.f32 v13  }
0x28e: {  	v10 =	vld [tilespmem:s0+$0xA200];
	v3 =	vadd.f32 v17, v3;
	v13 =	vsub.f32 $0.0e+00, v5;
	v1 =	vmul.f32 $1.442695020e+00, v1  }
0x28f: {  	v2 =	vadd.f32 v19, v2;
	v15 =	vsub.f32 $0.0e+00, v4;
	(erf) = vpow2.f32 v14  }
0x290: {  	v14 =	vsub.f32 $0.0e+00, v3;
	v13 =	vmul.f32 $1.442695020e+00, v13;
	(erf) = vpow2.f32 v1  }
0x291: {  	v16 =	vsub.f32 $0.0e+00, v2;
	v15 =	vmul.f32 $1.442695020e+00, v15;
	v1 =	vadd.f32 v11, v12  }
0x292: {  	v11 =	vmul.f32 $1.442695020e+00, v14;
	(erf) = vpow2.f32 v13  }
0x293: {  	v14 =	vmul.f32 $1.442695020e+00, v16;
	v13 =	vsub.f32 $0.0e+00, v1;
	(erf) = vpow2.f32 v15  }
0x294: {  	(erf) = vpow2.f32 v11  }
0x295: {  	v13 =	vmul.f32 $1.442695020e+00, v13;
	(erf) = vpow2.f32 v14  }
0x296: {  	v12 =	vpop (erf)  }
0x297: {  	v12 =	vadd.f32 $1.000000000e+00, v12;
	(erf) = vpow2.f32 v13  }
0x298: {  	v11 =	vpop (erf)  }
0x299: {  	v11 =	vadd.f32 $1.000000000e+00, v11;
	v13 =	vpop (erf);
	(erf) = vrcp.f32 v12  }
0x29a: {  	v12 =	vadd.f32 $1.000000000e+00, v13  }
0x29b: {  	v13 =	vpop (erf);
	(erf) = vrcp.f32 v11  }
0x29c: {  	v11 =	vadd.f32 $1.000000000e+00, v13;
	v13 =	vpop (erf);
	(erf) = vrcp.f32 v12  }
.Ltmp5:
0x29d: {  	v15 =	vadd.f32 $1.000000000e+00, v13;
	v13 =	vpop (erf);
	(pc) =	sbr.rel @p0 .LBB2_12-.Ltmp5, $4  }
0x29e: {  	v13 =	vadd.f32 $1.000000000e+00, v13;
	v14 =	vpop (erf);
	(erf) = vrcp.f32 v11  }
0x29f: {  	v14 =	vadd.f32 $1.000000000e+00, v14;
	v11 =	vld [tilespmem:s0+$0xA220];
	(erf) = vrcp.f32 v15  }
0x2a0: {  	(erf) = vrcp.f32 v13;
	v12 =	vpop (erf)  }
0x2a1: {  	v12 =	vadd.f32 $1.000000000e+00, v12;
	(erf) = vrcp.f32 v14  }
0x2a2: {  	v14 =	vpop (erf)  }
0x2a3: {  	s6 =	sshra.s32 s9, $0x2;
	v13 =	vld [tilespmem:s0+$0xA210];
	v9 =	vmul.f32 v14, v9  }
0x2a4: {  	v16 =	vand.u32 $0xFFFF0000, v6;
	v15 =	vld [tilespmem:s6+$0x6220];
	v18 =	vpop (erf)  }
0x2a5: {  	v14 =	vld [tilespmem:s6+$0x6230];
	(erf) = vrcp.f32 v12;
	v9 =	vmul.f32 v16, v9;
	v20 =	vpop (erf)  }
0x2a6: {  	v17 =	vld [tilespmem:s6+$0x6270];
	v8 =	vmul.f32 v18, v8;
	v7 =	vmul.f32 v20, v7  }
0x2a7: {  	v60 =	vld [tilespmem:s6+$0x6210];
	v19 =	vand.u32 $0xFFFF0000, v11;
	v11 =	vshll.u32 v11, $0x10  }
0x2a8: {  	v61 =	vld [tilespmem:s6+$0x6250];
	[tilespmem:s0+$0x2270] =	vst v9;
	v8 =	vmul.f32 v19, v8;
	v12 =	vpop (erf);
	v7 =	vmul.f32 v11, v7;
	v11 =	vand.u32 $0xFFFF0000, v13  }
0x2a9: {  	v9 =	vld [tilespmem:s6+$0x2270];
	v5 =	vmul.f32 v12, v5;
	v12 =	vpop (erf)  }
0x2aa: {  	v62 =	vld [tilespmem:s6+$0x6240];
	[tilespmem:s0+$0x2250] =	vst v8;
	v4 =	vmul.f32 v12, v4  }
0x2ab: {  	v12 =	vshll.u32 v13, $0x10;
	v8 =	vld [tilespmem:s6+$0x2250];
	[tilespmem:s0+$0x2240] =	vst v7;
	v5 =	vmul.f32 v11, v5;
	v11 =	vpop (erf)  }
0x2ac: {  	v7 =	vld [tilespmem:s6+$0x2240];
	v4 =	vmul.f32 v12, v4;
	v3 =	vmul.f32 v11, v3;
	v11 =	vpop (erf)  }
0x2ad: {  	v13 =	vld [tilespmem:s6+$0x6200];
	[tilespmem:s0+$0x2230] =	vst v5;
	v5 =	vand.u32 $0xFFFF0000, v10;
	v2 =	vmul.f32 v11, v2  }
0x2ae: {  	v12 =	vld [tilespmem:s6+$0x2230];
	[tilespmem:s0+$0x2220] =	vst v4;
	v4 =	vshll.u32 v10, $0x10;
	v10 =	vpop (erf);
	v3 =	vmul.f32 v5, v3  }
0x2af: {  	v1 =	vmul.f32 v10, v1;
	v2 =	vmul.f32 v4, v2  }
0x2b0: {  	v5 =	vld [tilespmem:s6+$0x2220];
	v4 =	vshll.u32 v6, $0x10;
	[tilespmem:s0+$0x2210] =	vst v3  }
0x2b1: {  	v6 =	vadd.f32 v17, v9;
	v1 =	vmul.f32 v4, v1;
	v4 =	vadd.f32 v61, v8;
	v3 =	vld [tilespmem:s6+$0x2210];
	[tilespmem:s0+$0x2200] =	vst v2  }
0x2b2: {  	v7 =	vadd.f32 v62, v7;
	v2 =	vld [tilespmem:s6+$0x2200]  }
0x2b3: {  	v8 =	vsub.f32 $0.0e+00, v6;
	v9 =	vld [tilespmem:s6+$0x6260];
	[tilespmem:s0+$0x2260] =	vst v1;
	v1 =	vsub.f32 $0.0e+00, v4  }
0x2b4: {  	v11 =	vadd.f32 v14, v12;
	v12 =	vsub.f32 $0.0e+00, v7;
	v10 =	vld [tilespmem:s6+$0x2260]  }
0x2b5: {  	v8 =	vmul.f32 $1.442695020e+00, v8  }
0x2b6: {  	v5 =	vadd.f32 v15, v5;
	v1 =	vmul.f32 $1.442695020e+00, v1;
	v12 =	vmul.f32 $1.442695020e+00, v12  }
0x2b7: {  	(erf) = vpow2.f32 v8;
	v8 =	vsub.f32 $0.0e+00, v11;
	v3 =	vadd.f32 v60, v3  }
0x2b8: {  	(erf) = vpow2.f32 v1;
	v2 =	vadd.f32 v13, v2;
	v13 =	vsub.f32 $0.0e+00, v5  }
0x2b9: {  	v8 =	vmul.f32 $1.442695020e+00, v8;
	v1 =	vsub.f32 $0.0e+00, v3;
	v9 =	vadd.f32 v9, v10  }
0x2ba: {  	(erf) = vpow2.f32 v12;
	v12 =	vmul.f32 $1.442695020e+00, v13  }
0x2bb: {  	(erf) = vpow2.f32 v8;
	v1 =	vmul.f32 $1.442695020e+00, v1;
	v8 =	vsub.f32 $0.0e+00, v9  }
0x2bc: {  	v10 =	vsub.f32 $0.0e+00, v2;
	(erf) = vpow2.f32 v12  }
0x2bd: {  	(erf) = vpow2.f32 v1;
	v1 =	vmul.f32 $1.442695020e+00, v8  }
0x2be: {  	v10 =	vmul.f32 $1.442695020e+00, v10;
	_ =	sdelay $0x1  }
0x2bf: {  	(erf) = vpow2.f32 v10  }
0x2c0: {  	(erf) = vpow2.f32 v1;
	v1 =	vpop (erf)  }
0x2c1: {  	v1 =	vadd.f32 $1.000000000e+00, v1;
	v8 =	vpop (erf)  }
0x2c2: {  	v8 =	vadd.f32 $1.000000000e+00, v8;
	v10 =	vpop (erf)  }
0x2c3: {  	(erf) = vrcp.f32 v1;
	v1 =	vadd.f32 $1.000000000e+00, v10;
	v10 =	vpop (erf)  }
0x2c4: {  	(erf) = vrcp.f32 v8;
	v8 =	vadd.f32 $1.000000000e+00, v10;
	v10 =	vpop (erf)  }
0x2c5: {  	(erf) = vrcp.f32 v1;
	v1 =	vadd.f32 $1.000000000e+00, v10  }
0x2c6: {  	v10 =	vpop (erf);
	(erf) = vrcp.f32 v8  }
0x2c7: {  	v10 =	vadd.f32 $1.000000000e+00, v10;
	(erf) = vrcp.f32 v1  }
0x2c8: {  	v12 =	vpop (erf)  }
0x2c9: {  	v8 =	vadd.f32 $1.000000000e+00, v12;
	v1 =	vpop (erf);
	(erf) = vrcp.f32 v10;
	v10 =	vld [tilespmem:s6+$0xA230]  }
0x2ca: {  	v1 =	vadd.f32 $1.000000000e+00, v1  }
0x2cb: {  	(erf) = vrcp.f32 v8;
	v8 =	vld [tilespmem:s6+$0xA220]  }
0x2cc: {  	(erf) = vrcp.f32 v1;
	v1 =	vld [tilespmem:s6+$0xA210];
	v12 =	vpop (erf)  }
0x2cd: {  	v6 =	vmul.f32 v12, v6;
	v12 =	vpop (erf)  }
0x2ce: {  	v14 =	vand.u32 $0xFFFF0000, v10;
	v4 =	vmul.f32 v12, v4;
	v12 =	vpop (erf)  }
0x2cf: {  	v6 =	vmul.f32 v14, v6;
	v7 =	vmul.f32 v12, v7;
	v12 =	vpop (erf)  }
0x2d0: {  	v13 =	vld [tilespmem:s6+$0xA200];
	v15 =	vand.u32 $0xFFFF0000, v8;
	v8 =	vshll.u32 v8, $0x10;
	v11 =	vmul.f32 v12, v11;
	v12 =	vpop (erf)  }
0x2d1: {  	[tilespmem:s6+$0x2270] =	vst v6;
	v6 =	vand.u32 $0xFFFF0000, v1;
	v5 =	vmul.f32 v12, v5  }
0x2d2: {  	v4 =	vmul.f32 v15, v4  }
0x2d3: {  	v7 =	vmul.f32 v8, v7;
	v8 =	vpop (erf)  }
0x2d4: {  	v1 =	vshll.u32 v1, $0x10;
	[tilespmem:s6+$0x2250] =	vst v4;
	v4 =	vmul.f32 v6, v11;
	v3 =	vmul.f32 v8, v3;
	v6 =	vpop (erf)  }
0x2d5: {  	v8 =	vand.u32 $0xFFFF0000, v13;
	[tilespmem:s6+$0x2240] =	vst v7;
	v1 =	vmul.f32 v1, v5;
	v2 =	vmul.f32 v6, v2;
	v5 =	vpop (erf)  }
0x2d6: {  	[tilespmem:s6+$0x2230] =	vst v4;
	v6 =	vshll.u32 v13, $0x10;
	v3 =	vmul.f32 v8, v3;
	v4 =	vmul.f32 v5, v9  }
0x2d7: {  	[tilespmem:s6+$0x2220] =	vst v1;
	v5 =	vshll.u32 v10, $0x10;
	v2 =	vmul.f32 v6, v2  }
0x2d8: {  	[tilespmem:s6+$0x2210] =	vst v3;
	v1 =	vmul.f32 v5, v4  }
0x2d9: {  	[tilespmem:s6+$0x2200] =	vst v2  }
0x2da: {  	[tilespmem:s6+$0x2260] =	vst v1  }
0x2db: {  	[spmem:s4] =	stream.indirect.scatter.add.f32 [tilespmem:s17], [sflag:$0x8], $0x80, s16, s12, $0xb8;
	[tilespmem:$0x1FF00] =	vst v63  }
0x2dc: {  	_ =	swait.ge [sflag:s25], $0x2000  }
0x2dd: {  	[sflag:s25] =	ssyncset.done $0x0  }
0x2de: {  	[sflag:s25] =	ssyncadd.s32 $0xFFFFE000  }
0x2df: {  	_ =	swait.ge [sflag:s30], $0x2000  }
0x2e0: {  	s21 =	simm.s32 $0xC200;
	[sflag:s30] =	ssyncset.done $0x0  }
0x2e1: {  	s0 =	simm.s32 $0x0;
	s18 =	rddreg [dreg:$0x12];
	[sflag:s30] =	ssyncadd.s32 $0xFFFFE000  }
0x2e2: {  	[tilespmem:s21], [sflag:$0x9] =	stream.linear.gather [hbm4b:s18+s0], $0x10, $0x38;
	[tilespmem:$0x1FF00] =	vst v63  }
0x2e3: {  	_ =	swait.ge [sflag:s10], $0x10  }
0x2e4: {  	[sflag:s10] =	ssyncset.done $0x0  }
0x2e5: {  	s31 =	simm.s32 $0xC280;
	s13 =	rddreg [dreg:$0x13];
	[sflag:s10] =	ssyncadd.s32 $0xFFFFFFF0  }
0x2e6: {  	[tilespmem:s31], [sflag:$0x9] =	stream.linear.gather [hbm4b:s13+s0], $0x10, $0x38;
	[tilespmem:$0x1FF00] =	vst v63  }
0x2e7: {  	_ =	swait.ge [sflag:s10], $0x10  }
0x2e8: {  	[sflag:s10] =	ssyncset.done $0x0  }
0x2e9: {  	s13 =	simm.s32 $0x10;
	[sflag:s10] =	ssyncadd.s32 $0xFFFFFFF0  }
0x2ea: {  	[tilespmem:s5], [sflag:$0x1] =	stream.indirect.gather [hbm4b:s1+s13], $0x80, s21, s13, $0xb8;
	[tilespmem:$0x1FF00] =	vst v63  }
0x2eb: {  	_ =	swait.ge [sflag:s22], $0x800  }
0x2ec: {  	[sflag:s22] =	ssyncset.done $0x0  }
0x2ed: {  	s18 =	simm.s32 $0x4200;
	[sflag:s22] =	ssyncadd.s32 $0xFFFFF800  }
0x2ee: {  	[tilespmem:s18], [sflag:$0x3] =	stream.indirect.gather [hbm4b:s7+s13], $0x80, s31, s13, $0xb8;
	[tilespmem:$0x1FF00] =	vst v63  }
0x2ef: {  	_ =	swait.ge [sflag:s23], $0x800  }
0x2f0: {  	[sflag:s23] =	ssyncset.done $0x0  }
0x2f1: {  	s21 =	rddreg [dreg:$0x14];
	[sflag:s23] =	ssyncadd.s32 $0xFFFFF800  }
0x2f2: {  	[tilespmem:s14], [sflag:$0x9] =	stream.linear.gather [hbm4b:s21+s0], $0x800, $0x38;
	[tilespmem:$0x1FF00] =	vst v63  }
0x2f3: {  	_ =	swait.ge [sflag:s10], $0x800  }
0x2f4: {  	[sflag:s10] =	ssyncset.done $0x0  }
0x2f5: {  	s0 =	simm.s32 $0x0;
	[sflag:s10] =	ssyncadd.s32 $0xFFFFF800  }
0x2f6: {  	v1 =	vld [tilespmem:s0+$0x4220]  }
0x2f7: {  	v2 =	vld [tilespmem:s0+$0x4230]  }
0x2f8: {  	v3 =	vld [tilespmem:s0+$0x4270]  }
0x2f9: {  	v6 =	vld [tilespmem:s0+$0x4210]  }
0x2fa: {  	v4 =	vld [tilespmem:s0+$0x4250]  }
0x2fb: {  	v5 =	vld [tilespmem:s0+$0x270]  }
0x2fc: {  	v7 =	vld [tilespmem:s0+$0x4240]  }
0x2fd: {  	v8 =	vld [tilespmem:s0+$0x250]  }
0x2fe: {  	v10 =	vld [tilespmem:s0+$0x240]  }
0x2ff: {  	v11 =	vld [tilespmem:s0+$0x4200]  }
0x300: {  	v12 =	vld [tilespmem:s0+$0x230]  }
0x301: {  	v9 =	vadd.f32 v3, v5;
	v3 =	vld [tilespmem:s0+$0x220]  }
0x302: {  	v13 =	vld [tilespmem:s0+$0x210]  }
0x303: {  	v14 =	vld [tilespmem:s0+$0x200];
	v8 =	vadd.f32 v4, v8  }
0x304: {  	v15 =	vld [tilespmem:s0+$0x4260];
	v7 =	vadd.f32 v7, v10;
	v4 =	vsub.f32 $0.0e+00, v9  }
0x305: {  	v5 =	vadd.f32 v2, v12;
	v12 =	vld [tilespmem:s0+$0x260];
	v10 =	vsub.f32 $0.0e+00, v8  }
0x306: {  	v2 =	vsub.f32 $0.0e+00, v7;
	v63 =	vmul.f32 $1.442695020e+00, v4;
	v4 =	vadd.f32 v1, v3  }
0x307: {  	v1 =	vmul.f32 $1.442695020e+00, v10;
	v3 =	vadd.f32 v6, v13;
	v6 =	vsub.f32 $0.0e+00, v5  }
0x308: {  	v10 =	vmul.f32 $1.442695020e+00, v2;
	v2 =	vadd.f32 v11, v14;
	(erf) = vpow2.f32 v63  }
0x309: {  	v11 =	vsub.f32 $0.0e+00, v4;
	(erf) = vpow2.f32 v1;
	v6 =	vmul.f32 $1.442695020e+00, v6  }
0x30a: {  	v1 =	vadd.f32 v15, v12;
	(erf) = vpow2.f32 v10;
	v10 =	vsub.f32 $0.0e+00, v2  }
0x30b: {  	v13 =	vsub.f32 $0.0e+00, v3;
	v11 =	vmul.f32 $1.442695020e+00, v11  }
0x30c: {  	(erf) = vpow2.f32 v6;
	v6 =	vmul.f32 $1.442695020e+00, v10;
	v10 =	vsub.f32 $0.0e+00, v1  }
0x30d: {  	v12 =	vmul.f32 $1.442695020e+00, v13  }
0x30e: {  	(erf) = vpow2.f32 v11;
	v10 =	vmul.f32 $1.442695020e+00, v10  }
0x30f: {  	(erf) = vpow2.f32 v12;
	_ =	sdelay $0x1  }
0x310: {  	(erf) = vpow2.f32 v6;
	v6 =	vpop (erf)  }
0x311: {  	(erf) = vpow2.f32 v10;
	v6 =	vadd.f32 $1.000000000e+00, v6;
	v10 =	vpop (erf)  }
0x312: {  	v11 =	vpop (erf)  }
0x313: {  	(erf) = vrcp.f32 v6;
	v6 =	vadd.f32 $1.000000000e+00, v11  }
0x314: {  	v10 =	vadd.f32 $1.000000000e+00, v10  }
0x315: {  	v11 =	vpop (erf)  }
0x316: {  	(erf) = vrcp.f32 v10;
	v10 =	vadd.f32 $1.000000000e+00, v11;
	v11 =	vpop (erf)  }
0x317: {  	(erf) = vrcp.f32 v6;
	v6 =	vpop (erf)  }
0x318: {  	v12 =	vadd.f32 $1.000000000e+00, v6  }
0x319: {  	v11 =	vadd.f32 $1.000000000e+00, v11  }
0x31a: {  	(erf) = vrcp.f32 v10;
	v13 =	vpop (erf)  }
0x31b: {  	v6 =	vld [tilespmem:s0+$0x8230];
	(erf) = vrcp.f32 v11;
	v13 =	vadd.f32 $1.000000000e+00, v13  }
0x31c: {  	s18 =	rddreg [dreg:$0x6];
	v11 =	vld [tilespmem:s0+$0x8220];
	(erf) = vrcp.f32 v12;
	v12 =	vpop (erf)  }
0x31d: {  	s9 =	simm.s32 $0x200;
	s6 =	simm.s32 $0x400;
	s21 =	rddreg [dreg:$0x7];
	v10 =	vld [tilespmem:s0+$0x8200];
	(erf) = vrcp.f32 v13;
	v12 =	vadd.f32 $1.000000000e+00, v12  }
.LBB2_14:
0x31e: {  	p0 =	sne.s32 s6, $0x1E00  }
0x31f: {  	s13 =	sshra.s32 s9, $0x2;
	v13 =	vld [tilespmem:s0+$0x8210];
	v14 =	vpop (erf);
	s9 =	smov.u32 s6;
	s6 =	sadd.s32 $0x200, s6  }
0x320: {  	v15 =	vld [tilespmem:s13+$0x4220];
	v9 =	vmul.f32 v14, v9;
	(erf) = vrcp.f32 v12  }
0x321: {  	v19 =	vand.u32 $0xFFFF0000, v6;
	v12 =	vld [tilespmem:s13+$0x4230];
	v14 =	vand.u32 $0xFFFF0000, v11;
	v17 =	vpop (erf)  }
0x322: {  	v18 =	vld [tilespmem:s13+$0x4270];
	v8 =	vmul.f32 v17, v8;
	v19 =	vmul.f32 v19, v9;
	v16 =	vpop (erf)  }
0x323: {  	v17 =	vld [tilespmem:s13+$0x4210];
	v7 =	vmul.f32 v16, v7  }
0x324: {  	v11 =	vshll.u32 v11, $0x10;
	v16 =	vld [tilespmem:s13+$0x4250];
	v21 =	vmul.f32 v14, v8;
	[tilespmem:s0+$0x270] =	vst v19;
	v9 =	vpop (erf)  }
0x325: {  	v19 =	vand.u32 $0xFFFF0000, v13;
	v14 =	vld [tilespmem:s13+$0x270];
	v5 =	vmul.f32 v9, v5;
	v22 =	vmul.f32 v11, v7;
	v9 =	vpop (erf)  }
0x326: {  	v20 =	vand.u32 $0xFFFF0000, v10;
	v11 =	vld [tilespmem:s13+$0x4240];
	v4 =	vmul.f32 v9, v4;
	[tilespmem:s0+$0x250] =	vst v21;
	v8 =	vpop (erf)  }
0x327: {  	v21 =	vld [tilespmem:s13+$0x250];
	v3 =	vmul.f32 v8, v3;
	v8 =	vshll.u32 v13, $0x10;
	v9 =	vmul.f32 v19, v5;
	[tilespmem:s0+$0x240] =	vst v22;
	v7 =	vpop (erf)  }
0x328: {  	v6 =	vshll.u32 v6, $0x10;
	v13 =	vld [tilespmem:s13+$0x240];
	v2 =	vmul.f32 v7, v2;
	v4 =	vmul.f32 v8, v4  }
0x329: {  	v7 =	vshll.u32 v10, $0x10;
	v19 =	vld [tilespmem:s13+$0x4200];
	v3 =	vmul.f32 v20, v3;
	[tilespmem:s0+$0x230] =	vst v9;
	v5 =	vpop (erf)  }
0x32a: {  	v10 =	vld [tilespmem:s13+$0x230];
	v9 =	vadd.f32 v18, v14;
	v2 =	vmul.f32 v7, v2;
	[tilespmem:s0+$0x220] =	vst v4;
	v1 =	vmul.f32 v5, v1  }
0x32b: {  	v4 =	vld [tilespmem:s13+$0x220];
	[tilespmem:s0+$0x210] =	vst v3  }
0x32c: {  	v3 =	vld [tilespmem:s13+$0x210];
	v8 =	vadd.f32 v16, v21;
	v5 =	vsub.f32 $0.0e+00, v9;
	[tilespmem:s0+$0x200] =	vst v2;
	v1 =	vmul.f32 v6, v1  }
0x32d: {  	v2 =	vld [tilespmem:s13+$0x200];
	v7 =	vadd.f32 v11, v13  }
0x32e: {  	v6 =	vsub.f32 $0.0e+00, v8;
	v11 =	vld [tilespmem:s13+$0x4260];
	v13 =	vmul.f32 $1.442695020e+00, v5;
	[tilespmem:s0+$0x260] =	vst v1;
	s0 =	smov.u32 s13  }
0x32f: {  	v5 =	vadd.f32 v12, v10;
	v1 =	vsub.f32 $0.0e+00, v7;
	v12 =	vld [tilespmem:s0+$0x260]  }
0x330: {  	v4 =	vadd.f32 v15, v4;
	v14 =	vmul.f32 $1.442695020e+00, v6;
	v6 =	vld [tilespmem:s0+$0x8230];
	(erf) = vpow2.f32 v13  }
0x331: {  	v10 =	vld [tilespmem:s0+$0x8200];
	v3 =	vadd.f32 v17, v3;
	v13 =	vsub.f32 $0.0e+00, v5;
	v1 =	vmul.f32 $1.442695020e+00, v1  }
0x332: {  	v2 =	vadd.f32 v19, v2;
	v15 =	vsub.f32 $0.0e+00, v4;
	(erf) = vpow2.f32 v14  }
0x333: {  	v14 =	vsub.f32 $0.0e+00, v3;
	v13 =	vmul.f32 $1.442695020e+00, v13;
	(erf) = vpow2.f32 v1  }
0x334: {  	v16 =	vsub.f32 $0.0e+00, v2;
	v15 =	vmul.f32 $1.442695020e+00, v15;
	v1 =	vadd.f32 v11, v12  }
0x335: {  	v11 =	vmul.f32 $1.442695020e+00, v14;
	(erf) = vpow2.f32 v13  }
0x336: {  	v14 =	vmul.f32 $1.442695020e+00, v16;
	v13 =	vsub.f32 $0.0e+00, v1;
	(erf) = vpow2.f32 v15  }
0x337: {  	(erf) = vpow2.f32 v11  }
0x338: {  	v13 =	vmul.f32 $1.442695020e+00, v13;
	(erf) = vpow2.f32 v14  }
0x339: {  	v12 =	vpop (erf)  }
0x33a: {  	v12 =	vadd.f32 $1.000000000e+00, v12;
	(erf) = vpow2.f32 v13  }
0x33b: {  	v11 =	vpop (erf)  }
0x33c: {  	v11 =	vadd.f32 $1.000000000e+00, v11;
	v13 =	vpop (erf);
	(erf) = vrcp.f32 v12  }
0x33d: {  	v12 =	vadd.f32 $1.000000000e+00, v13  }
0x33e: {  	v13 =	vpop (erf);
	(erf) = vrcp.f32 v11  }
0x33f: {  	v11 =	vadd.f32 $1.000000000e+00, v13;
	v13 =	vpop (erf);
	(erf) = vrcp.f32 v12  }
.Ltmp6:
0x340: {  	v15 =	vadd.f32 $1.000000000e+00, v13;
	v13 =	vpop (erf);
	(pc) =	sbr.rel @p0 .LBB2_14-.Ltmp6, $4  }
0x341: {  	v13 =	vadd.f32 $1.000000000e+00, v13;
	v14 =	vpop (erf);
	(erf) = vrcp.f32 v11  }
0x342: {  	v14 =	vadd.f32 $1.000000000e+00, v14;
	v11 =	vld [tilespmem:s0+$0x8220];
	(erf) = vrcp.f32 v15  }
0x343: {  	(erf) = vrcp.f32 v13;
	v12 =	vpop (erf)  }
0x344: {  	v12 =	vadd.f32 $1.000000000e+00, v12;
	(erf) = vrcp.f32 v14  }
0x345: {  	s6 =	sshra.s32 s9, $0x2;
	v13 =	vld [tilespmem:s0+$0x8210];
	v14 =	vpop (erf)  }
0x346: {  	v15 =	vld [tilespmem:s6+$0x4220];
	v9 =	vmul.f32 v14, v9;
	(erf) = vrcp.f32 v12  }
0x347: {  	v16 =	vand.u32 $0xFFFF0000, v6;
	v53 =	vld [tilespmem:s6+$0x4230];
	v18 =	vpop (erf)  }
0x348: {  	v17 =	vld [tilespmem:s6+$0x4270];
	v9 =	vmul.f32 v16, v9;
	v8 =	vmul.f32 v18, v8;
	v20 =	vpop (erf)  }
0x349: {  	v54 =	vld [tilespmem:s6+$0x4210];
	v19 =	vand.u32 $0xFFFF0000, v11;
	v7 =	vmul.f32 v20, v7  }
0x34a: {  	v55 =	vld [tilespmem:s6+$0x4250];
	v56 =	vshll.u32 v11, $0x10;
	[tilespmem:s0+$0x270] =	vst v9;
	v8 =	vmul.f32 v19, v8;
	v58 =	vpop (erf)  }
0x34b: {  	v9 =	vld [tilespmem:s6+$0x270];
	v7 =	vmul.f32 v56, v7;
	v5 =	vmul.f32 v58, v5;
	v60 =	vpop (erf)  }
0x34c: {  	v59 =	vand.u32 $0xFFFF0000, v13;
	v57 =	vld [tilespmem:s6+$0x4240];
	[tilespmem:s0+$0x250] =	vst v8;
	v4 =	vmul.f32 v60, v4;
	v61 =	vpop (erf)  }
0x34d: {  	v62 =	vshll.u32 v13, $0x10;
	v8 =	vld [tilespmem:s6+$0x250];
	[tilespmem:s0+$0x240] =	vst v7;
	v5 =	vmul.f32 v59, v5;
	v3 =	vmul.f32 v61, v3;
	v21 =	vpop (erf)  }
0x34e: {  	v20 =	vand.u32 $0xFFFF0000, v10;
	v7 =	vld [tilespmem:s6+$0x240];
	v4 =	vmul.f32 v62, v4;
	v2 =	vmul.f32 v21, v2  }
0x34f: {  	v23 =	vshll.u32 v10, $0x10;
	v63 =	vld [tilespmem:s6+$0x4200];
	[tilespmem:s0+$0x230] =	vst v5;
	v3 =	vmul.f32 v20, v3;
	v25 =	vpop (erf)  }
0x350: {  	v22 =	vld [tilespmem:s6+$0x230];
	[tilespmem:s0+$0x220] =	vst v4;
	v2 =	vmul.f32 v23, v2;
	v1 =	vmul.f32 v25, v1  }
0x351: {  	v26 =	vshll.u32 v6, $0x10;
	v24 =	vld [tilespmem:s6+$0x220];
	[tilespmem:s0+$0x210] =	vst v3  }
0x352: {  	v27 =	vadd.f32 v17, v9;
	v3 =	vld [tilespmem:s6+$0x210];
	[tilespmem:s0+$0x200] =	vst v2;
	v1 =	vmul.f32 v26, v1  }
0x353: {  	v28 =	vadd.f32 v55, v8;
	v2 =	vld [tilespmem:s6+$0x200]  }
0x354: {  	v29 =	vsub.f32 $0.0e+00, v27;
	v30 =	vld [tilespmem:s6+$0x4260];
	[tilespmem:s0+$0x260] =	vst v1  }
0x355: {  	v7 =	vadd.f32 v57, v7;
	v1 =	vsub.f32 $0.0e+00, v28;
	v31 =	vld [tilespmem:s6+$0x260]  }
0x356: {  	v8 =	vmul.f32 $1.442695020e+00, v29;
	v32 =	vadd.f32 v53, v22  }
0x357: {  	v33 =	vsub.f32 $0.0e+00, v7;
	v5 =	vadd.f32 v15, v24;
	v1 =	vmul.f32 $1.442695020e+00, v1  }
0x358: {  	(erf) = vpow2.f32 v8;
	v3 =	vadd.f32 v54, v3;
	v34 =	vsub.f32 $0.0e+00, v32  }
0x359: {  	v12 =	vmul.f32 $1.442695020e+00, v33;
	v35 =	vsub.f32 $0.0e+00, v5;
	(erf) = vpow2.f32 v1  }
0x35a: {  	v1 =	vsub.f32 $0.0e+00, v3;
	v8 =	vmul.f32 $1.442695020e+00, v34;
	v9 =	vadd.f32 v30, v31  }
0x35b: {  	v2 =	vadd.f32 v63, v2;
	(erf) = vpow2.f32 v12;
	v37 =	vmul.f32 $1.442695020e+00, v35  }
0x35c: {  	v1 =	vmul.f32 $1.442695020e+00, v1;
	(erf) = vpow2.f32 v8;
	v38 =	vsub.f32 $0.0e+00, v9  }
0x35d: {  	v36 =	vsub.f32 $0.0e+00, v2;
	(erf) = vpow2.f32 v37  }
0x35e: {  	(erf) = vpow2.f32 v1;
	v1 =	vmul.f32 $1.442695020e+00, v38  }
0x35f: {  	v10 =	vmul.f32 $1.442695020e+00, v36;
	_ =	sdelay $0x1  }
0x360: {  	(erf) = vpow2.f32 v10  }
0x361: {  	(erf) = vpow2.f32 v1;
	v1 =	vpop (erf)  }
0x362: {  	v1 =	vadd.f32 $1.000000000e+00, v1;
	v39 =	vpop (erf)  }
0x363: {  	v8 =	vadd.f32 $1.000000000e+00, v39;
	v40 =	vpop (erf)  }
0x364: {  	(erf) = vrcp.f32 v1;
	v1 =	vadd.f32 $1.000000000e+00, v40;
	v41 =	vpop (erf)  }
0x365: {  	(erf) = vrcp.f32 v8;
	v43 =	vpop (erf)  }
0x366: {  	(erf) = vrcp.f32 v1;
	v1 =	vadd.f32 $1.000000000e+00, v43  }
0x367: {  	v42 =	vadd.f32 $1.000000000e+00, v41  }
0x368: {  	v44 =	vpop (erf)  }
0x369: {  	v10 =	vadd.f32 $1.000000000e+00, v44;
	v45 =	vpop (erf);
	(erf) = vrcp.f32 v42  }
0x36a: {  	v46 =	vadd.f32 $1.000000000e+00, v45;
	(erf) = vrcp.f32 v1;
	v1 =	vpop (erf)  }
0x36b: {  	(erf) = vrcp.f32 v10;
	v1 =	vadd.f32 $1.000000000e+00, v1  }
0x36c: {  	v47 =	vld [tilespmem:s6+$0x8230];
	(erf) = vrcp.f32 v46  }
0x36d: {  	v48 =	vld [tilespmem:s6+$0x8220];
	(erf) = vrcp.f32 v1;
	_ =	sdelay $0x1  }
0x36e: {  	v49 =	vld [tilespmem:s6+$0x8210];
	v1 =	vpop (erf)  }
0x36f: {  	v1 =	vmul.f32 v1, v27;
	v50 =	vpop (erf)  }
0x370: {  	v51 =	vld [tilespmem:s6+$0x8200];
	v52 =	vand.u32 $0xFFFF0000, v47;
	v4 =	vmul.f32 v50, v28;
	v53 =	vpop (erf)  }
0x371: {  	v54 =	vand.u32 $0xFFFF0000, v48;
	v1 =	vmul.f32 v52, v1;
	v6 =	vmul.f32 v53, v7;
	v55 =	vpop (erf)  }
0x372: {  	v8 =	vshll.u32 v48, $0x10;
	v4 =	vmul.f32 v54, v4;
	v7 =	vmul.f32 v55, v32;
	v56 =	vpop (erf)  }
0x373: {  	[tilespmem:s6+$0x270] =	vst v1;
	v1 =	vand.u32 $0xFFFF0000, v49;
	v6 =	vmul.f32 v8, v6;
	v5 =	vmul.f32 v56, v5;
	v57 =	vpop (erf)  }
0x374: {  	v58 =	vshll.u32 v49, $0x10;
	[tilespmem:s6+$0x250] =	vst v4;
	v3 =	vmul.f32 v57, v3;
	v1 =	vmul.f32 v1, v7;
	v59 =	vpop (erf)  }
0x375: {  	v60 =	vand.u32 $0xFFFF0000, v51;
	[tilespmem:s6+$0x240] =	vst v6;
	v2 =	vmul.f32 v59, v2;
	v4 =	vmul.f32 v58, v5;
	v61 =	vpop (erf)  }
0x376: {  	v62 =	vshll.u32 v51, $0x10;
	v3 =	vmul.f32 v60, v3;
	[tilespmem:s6+$0x230] =	vst v1;
	v1 =	vmul.f32 v61, v9  }
0x377: {  	v63 =	vshll.u32 v47, $0x10;
	v2 =	vmul.f32 v62, v2;
	[tilespmem:s6+$0x220] =	vst v4  }
0x378: {  	[tilespmem:s6+$0x210] =	vst v3;
	v1 =	vmul.f32 v63, v1  }
0x379: {  	[tilespmem:s6+$0x200] =	vst v2  }
0x37a: {  	s13 =	simm.s32 $0x10;
	[tilespmem:s6+$0x260] =	vst v1  }
0x37b: {  	[spmem:s4] =	stream.indirect.scatter.add.f32 [tilespmem:s5], [sflag:$0x9], $0x80, s31, s13, $0xb8;
	[tilespmem:$0x1FF00] =	vst v63  }
0x37c: {  	_ =	swait.ge [sflag:s10], $0x800  }
0x37d: {  	[sflag:s10] =	ssyncset.done $0x0  }
0x37e: {  	s6 =	stileid.u32;
	[sflag:s10] =	ssyncadd.s32 $0xFFFFF800  }
0x37f: {  	s0 =	sshll.u32 s6, $0x6;
	[bflag:$0x0] =	sbarrier.arrive $0xFFFF  }
0x380: {  	s9 =	sshrl.u32 s21, $0x3;
	s0 =	sor.u32 $0x1C09, s0;
	s13 =	rddreg [dreg:$0x11]  }
0x381: {  	[hbm:s13], [sflag:s0] =	dma.local [spmem:s9], $0x2780  }
0x382: {  	_ =	swait.ge [sflag:s10], $0x2780  }
0x383: {  	s18 =	sadd.s32 $0x1, s18;
	s31 =	rddreg [dreg:$0x15]  }
0x384: {  	p0 =	sne.s32 s18, s31  }
.Ltmp7:
0x385: {  	_ = 	snop;
	(pc) =	sbr.rel @p0 .LBB2_1-.Ltmp7, $3  }
0x386: {  	_ =	sdelay $0x1  }
0x387: {  	[sflag:s10] =	ssyncset.done $0x0  }
0x388: {  	[sflag:s10] =	ssyncadd.s32 $0xFFFFD880  }
0x389: {  	_ =	sfence.sel $0x180000  }
0x38a: {  	[bflag:$0x0] =	sbarrier.arrive $0xFFFF  }
0x38b: {  	_ =	strace $0x90000047  }
0x38c: {  	s0 =	stileid.u32;
	[bflag:$0x2] =	sbarrier.arrive $0xFFFF  }
0x38d: {  	p0 =	sne.s32 s0, $0x0;
	s0 =	rddreg [dreg:$0x5]  }
0x38e: {  	s0 =	sadd.s32 @!p0 $0x100000, s0  }
0x38f: {  	[sflag:s0] =	ssyncadd.tile.s32 @!p0 $0x1;
	_ =	shalt  }
.Lfunc_end2:
_tile_overlayer_lowered:
.L_overlay_start_2:
0x390: {  	(tag) =	ssettag $0x2  }
0x391: {  	s0 =	rddreg [dreg:$0x0];
	s2 =	stileid.u32  }
0x392: {  	s1 =	rddreg [dreg:$0x1];
	p0 =	sne.s32 s2, $0x0  }
0x393: {  	s3 =	rddreg [dreg:$0x2];
	[bflag:$0x3] =	sbarrier.arrive $0xFFFF;
	s2 =	simm.s32 @!p0 $0x1C09  }
0x394: {  	[timem:s3], [sflag:s2] =	dma.local @!p0 [hbm:s0], s1  }
0x395: {  	s0 =	simm.s32 @!p0 $0x9  }
0x396: {  	_ =	swait.ge @!p0 [sflag:s0], s1  }
0x397: {  	s1 =	ssub.s32 @!p0 $0x0, s1;
	[sflag:s0] =	ssyncset.done @!p0 $0x0  }
0x398: {  	[sflag:s0] =	ssyncadd.s32 @!p0 s1  }
0x399: {  	[bflag:$0x3] =	sbarrier.arrive $0xFFFF  }
0x39a: {  	_ =	shalt  }

</sc_bundles>
